<compile_context>
chip_gen: v7x
topology: tpu7x:2x2x1
jax: 0.10.2.dev20260603
libtpu: 0.0.44.dev20260713+nightly
codegen_flags: <defaults>
</compile_context>

<pallas_src>
import jax
import jax.numpy as jnp
from jax.experimental import pallas as pl
from jax.experimental.pallas import tpu as pltpu

B = 32
P = 24564
P_PAD = 24576
R = 192
L = 128
C = 81
NOBJ = 24
THRESHOLD = 0.5
CENTER_VAR = 0.1
SIZE_VAR = 0.2
NEG_POS_RATIO = 3
ALPHA = 1.0


def _loss_kernel(gtb_ref, gtl_ref, pri_ref, box_ref, sco_ref, out_ref):
    pcx = pri_ref[0]
    pcy = pri_ref[1]
    pw = pri_ref[2]
    ph = pri_ref[3]
    px1 = pcx - pw * 0.5
    py1 = pcy - ph * 0.5
    px2 = pcx + pw * 0.5
    py2 = pcy + ph * 0.5
    p_area = (px2 - px1) * (py2 - py1)

    lin = jax.lax.broadcasted_iota(jnp.int32, (R, L), 0) * L + \
        jax.lax.broadcasted_iota(jnp.int32, (R, L), 1)

    best_iou = jnp.full((R, L), -1.0, dtype=jnp.float32)
    best_obj = jnp.zeros((R, L), dtype=jnp.int32)
    gx1s, gy1s, gx2s, gy2s, gls, ppos = [], [], [], [], [], []
    for i in range(NOBJ):
        gx1 = gtb_ref[0, i, 0]
        gy1 = gtb_ref[0, i, 1]
        gx2 = gtb_ref[0, i, 2]
        gy2 = gtb_ref[0, i, 3]
        gx1s.append(gx1)
        gy1s.append(gy1)
        gx2s.append(gx2)
        gy2s.append(gy2)
        gls.append(gtl_ref[0, 0, i])
        g_area = (gx2 - gx1) * (gy2 - gy1)
        iw = jnp.maximum(jnp.minimum(gx2, px2) - jnp.maximum(gx1, px1), 0.0)
        ih = jnp.maximum(jnp.minimum(gy2, py2) - jnp.maximum(gy1, py1), 0.0)
        inter = iw * ih
        iou = inter / (g_area + p_area - inter)
        upd = iou > best_iou
        best_iou = jnp.where(upd, iou, best_iou)
        best_obj = jnp.where(upd, i, best_obj)
        m = jnp.max(iou)
        ppos.append(jnp.min(jnp.where(iou == m, lin, P_PAD)))

    for i in range(NOBJ):
        sel = lin == ppos[i]
        best_obj = jnp.where(sel, i, best_obj)
        best_iou = jnp.where(sel, 1.0, best_iou)

    lab = jnp.zeros((R, L), dtype=jnp.int32)
    mx1 = jnp.zeros((R, L), dtype=jnp.float32)
    my1 = jnp.zeros((R, L), dtype=jnp.float32)
    mx2 = jnp.zeros((R, L), dtype=jnp.float32)
    my2 = jnp.zeros((R, L), dtype=jnp.float32)
    for i in range(NOBJ):
        sel = best_obj == i
        lab = jnp.where(sel, gls[i], lab)
        mx1 = jnp.where(sel, gx1s[i], mx1)
        my1 = jnp.where(sel, gy1s[i], my1)
        mx2 = jnp.where(sel, gx2s[i], mx2)
        my2 = jnp.where(sel, gy2s[i], my2)

    lab = jnp.where(best_iou < THRESHOLD, 0, lab)
    pos = lab != 0
    posf = pos.astype(jnp.float32)
    n_pos = jnp.sum(pos.astype(jnp.int32))

    mcx = (mx1 + mx2) * 0.5
    mcy = (my1 + my2) * 0.5
    mw = mx2 - mx1
    mh = my2 - my1
    gcx = (mcx - pcx) / (pw * CENTER_VAR)
    gcy = (mcy - pcy) / (ph * CENTER_VAR)
    gw = jnp.log(mw / pw) / SIZE_VAR
    gh = jnp.log(mh / ph) / SIZE_VAR
    loc_sum = (
        jnp.sum(jnp.abs(box_ref[0, 0] - gcx) * posf)
        + jnp.sum(jnp.abs(box_ref[0, 1] - gcy) * posf)
        + jnp.sum(jnp.abs(box_ref[0, 2] - gw) * posf)
        + jnp.sum(jnp.abs(box_ref[0, 3] - gh) * posf)
    )

    s = sco_ref[0]
    smax = jnp.max(s, axis=-1)
    sexp = jnp.sum(jnp.exp(s - smax[:, :, None]), axis=-1)
    lse = smax + jnp.log(sexp)
    cidx = jax.lax.broadcasted_iota(jnp.int32, (R, L, C), 2)
    s_at = jnp.sum(jnp.where(cidx == lab[:, :, None], s, 0.0), axis=-1)
    ce = lse - s_at

    conf_pos = jnp.sum(ce * posf)

    valid = lin < P
    ce_neg = jnp.maximum(jnp.where(pos | (~valid), 0.0, ce), 0.0)

    k = jnp.minimum(NEG_POS_RATIO * n_pos, P)
    bits = jax.lax.bitcast_convert_type(ce_neg, jnp.int32)

    def bs_body(i, ans):
        cand = ans | jax.lax.shift_left(jnp.int32(1), 30 - i)
        cnt = jnp.sum((bits >= cand).astype(jnp.int32))
        return jax.lax.select(cnt >= k, cand, ans)

    ans = jax.lax.fori_loop(0, 31, bs_body, jnp.int32(0))
    thr = jax.lax.bitcast_convert_type(ans, jnp.float32)
    gt_mask = bits > ans
    cnt_gt = jnp.sum(gt_mask.astype(jnp.int32))
    sum_gt = jnp.sum(jnp.where(gt_mask, ce_neg, 0.0))
    conf_hard = jnp.where(
        k > 0, sum_gt + (k - cnt_gt).astype(jnp.float32) * thr, 0.0
    )

    out_ref[0, 0, 0] = loc_sum
    out_ref[0, 0, 1] = conf_pos
    out_ref[0, 0, 2] = conf_hard
    out_ref[0, 0, 3] = n_pos.astype(jnp.float32)


def kernel(predicted_boxes, predicted_scores, ground_truth_boxes,
           ground_truth_labels, prior_boxes):
    pad = P_PAD - P
    pb = jnp.pad(predicted_boxes, ((0, 0), (0, pad), (0, 0)))
    pb = jnp.transpose(pb, (0, 2, 1)).reshape(B, 4, R, L)
    ps = jnp.pad(predicted_scores, ((0, 0), (0, pad), (0, 0)))
    ps = ps.reshape(B, R, L, C)
    pad_rows = jnp.broadcast_to(
        jnp.array([-10.0, -10.0, 1.0, 1.0], dtype=jnp.float32), (pad, 4))
    pr = jnp.concatenate([prior_boxes, pad_rows], axis=0)
    pr = jnp.transpose(pr).reshape(4, R, L)
    gtl = ground_truth_labels.astype(jnp.int32).reshape(B, 1, NOBJ)

    out = pl.pallas_call(
        _loss_kernel,
        grid=(B,),
        in_specs=[
            pl.BlockSpec((1, NOBJ, 4), lambda b: (b, 0, 0),
                         memory_space=pltpu.SMEM),
            pl.BlockSpec((1, 1, NOBJ), lambda b: (b, 0, 0),
                         memory_space=pltpu.SMEM),
            pl.BlockSpec((4, R, L), lambda b: (0, 0, 0)),
            pl.BlockSpec((1, 4, R, L), lambda b: (b, 0, 0, 0)),
            pl.BlockSpec((1, R, L, C), lambda b: (b, 0, 0, 0)),
        ],
        out_specs=pl.BlockSpec((1, 1, 4), lambda b: (b, 0, 0),
                               memory_space=pltpu.SMEM),
        out_shape=jax.ShapeDtypeStruct((B, 1, 4), jnp.float32),
        compiler_params=pltpu.CompilerParams(
            vmem_limit_bytes=110 * 1024 * 1024),
    )(ground_truth_boxes, gtl, pr, pb, ps)

    loc_sum = jnp.sum(out[:, 0, 0])
    conf_pos = jnp.sum(out[:, 0, 1])
    conf_hard = jnp.sum(out[:, 0, 2])
    n_pos = jnp.sum(out[:, 0, 3])
    location_loss = loc_sum / (n_pos * 4.0)
    confidence_loss = (conf_hard + conf_pos) / n_pos
    return (confidence_loss, ALPHA * location_loss)

# --- scband reference (transcript-rebuilt; emitter-appended) ---
"""Pipeline reference for scband-multi-box-loss-65326452572232 (READ-ONLY COPY).

The authoritative reference and input builder live on the scoring server;
editing this copy changes nothing except your own understanding.
"""

import jax, jax.numpy as jnp
import numpy as np

B = 32
P = 24564
C = 81
NOBJ = 24
THRESHOLD = 0.5
CENTER_VAR = 0.1
SIZE_VAR = 0.2
NEG_POS_RATIO = 3
ALPHA = 1.0

def _xy_to_cxcy(xy):
    return jnp.concatenate([(xy[..., :2] + xy[..., 2:]) / 2.0, xy[..., 2:] - xy[..., :2]], axis=-1)

def _cxcy_to_xy(cxcy):
    return jnp.concatenate([cxcy[..., :2] - cxcy[..., 2:] / 2.0, cxcy[..., :2] + cxcy[..., 2:] / 2.0], axis=-1)

def _iou(a, b):
    lt = jnp.maximum(a[:, None, :2], b[None, :, :2])
    rb = jnp.minimum(a[:, None, 2:], b[None, :, 2:])
    wh = jnp.clip(rb - lt, 0.0, None)
    inter = wh[..., 0] * wh[..., 1]
    area_a = (a[:, 2] - a[:, 0]) * (a[:, 3] - a[:, 1])
    area_b = (b[:, 2] - b[:, 0]) * (b[:, 3] - b[:, 1])
    return inter / (area_a[:, None] + area_b[None, :] - inter)

def _match(gt_boxes, gt_labels, priors_cxcy, priors_xy):
    n_obj = gt_boxes.shape[0]
    overlap = _iou(gt_boxes, priors_xy)
    overlap_per_prior = jnp.max(overlap, axis=0)
    obj_per_prior = jnp.argmax(overlap, axis=0)
    prior_per_obj = jnp.argmax(overlap, axis=1)
    obj_per_prior = obj_per_prior.at[prior_per_obj].set(jnp.arange(n_obj))
    overlap_per_prior = overlap_per_prior.at[prior_per_obj].set(1.0)
    labels = gt_labels[obj_per_prior]
    labels = jnp.where(overlap_per_prior < THRESHOLD, 0, labels)
    matched = gt_boxes[obj_per_prior]
    m = _xy_to_cxcy(matched)
    g_cxcy = (m[:, :2] - priors_cxcy[:, :2]) / (priors_cxcy[:, 2:] * CENTER_VAR)
    g_wh = jnp.log(m[:, 2:] / priors_cxcy[:, 2:]) / SIZE_VAR
    return jnp.concatenate([g_cxcy, g_wh], axis=1), labels

def _forward(predicted_boxes, predicted_scores, ground_truth_boxes, ground_truth_labels, prior_boxes):
    priors_xy = _cxcy_to_xy(prior_boxes)
    true_locs, true_classes = jax.vmap(lambda b, l: _match(b, l, prior_boxes, priors_xy))(ground_truth_boxes, ground_truth_labels)
    pos = true_classes != 0
    n_pos = pos.sum(axis=1)
    diff = jnp.abs(predicted_boxes - true_locs)
    location_loss = (diff * pos[..., None]).sum() / (pos.sum() * 4).astype(jnp.float32)
    logp = jax.nn.log_softmax(predicted_scores, axis=-1)
    ce = -jnp.take_along_axis(logp, true_classes[..., None], axis=-1)[..., 0]
    conf_pos = jnp.where(pos, ce, 0.0).sum()
    ce_neg = jnp.where(pos, 0.0, ce)
    ce_neg_sorted = jnp.sort(ce_neg, axis=1)[:, ::-1]
    ranks = jnp.arange(P)[None, :]
    hard = ranks < (NEG_POS_RATIO * n_pos)[:, None]
    conf_hard = jnp.where(hard, ce_neg_sorted, 0.0).sum()
    confidence_loss = (conf_hard + conf_pos) / n_pos.sum().astype(jnp.float32)
    return (confidence_loss, ALPHA * location_loss)

def setup_inputs(seed: int = 0):
    key = jax.random.key(seed)
    k0, k1, k2, k3, k4, k5 = jax.random.split(key, 6)
    predicted_boxes = jax.random.normal(k0, (B, P, 4), dtype=jnp.float32)
    predicted_scores = jax.random.normal(k1, (B, P, C), dtype=jnp.float32)
    raw = jax.random.uniform(k2, (B, NOBJ, 4), dtype=jnp.float32)
    cxcy = raw[..., :2] * 0.8 + 0.1
    wh = raw[..., 2:] * 0.2 + 0.05
    ground_truth_boxes = jnp.clip(jnp.concatenate([cxcy - wh / 2.0, cxcy + wh / 2.0], axis=-1), 0.0, 1.0)
    ground_truth_labels = jax.random.randint(k3, (B, NOBJ), 0, C)
    pc = jax.random.uniform(k4, (P, 2), minval=0.05, maxval=0.95, dtype=jnp.float32)
    pwh = jax.random.uniform(k5, (P, 2), minval=0.05, maxval=0.5, dtype=jnp.float32)
    prior_boxes = jnp.concatenate([pc, pwh], axis=1)
    return {'predicted_boxes': predicted_boxes, 'predicted_scores': predicted_scores, 'ground_truth_boxes': ground_truth_boxes, 'ground_truth_labels': ground_truth_labels, 'prior_boxes': prior_boxes}

def reference(predicted_boxes, predicted_scores, ground_truth_boxes, ground_truth_labels, prior_boxes):
    return _forward(predicted_boxes, predicted_scores, ground_truth_boxes, ground_truth_labels, prior_boxes)

if __name__ == "__main__":
    import jax
    _d = setup_inputs()
    print(jax.jit(kernel)(*tuple(_d.values())))

</pallas_src>

<mosaic_0001>
module attributes {stable_mosaic.version = 14 : i64} {
  func.func @_loss_kernel(%arg0: i32, %arg1: memref<1x24x4xf32, #tpu.memory_space<smem>>, %arg2: memref<1x1x24xi32, #tpu.memory_space<smem>>, %arg3: memref<4x192x128xf32, #tpu.memory_space<vmem>>, %arg4: memref<1x4x192x128xf32, #tpu.memory_space<vmem>>, %arg5: memref<1x192x128x81xf32, #tpu.memory_space<vmem>>, %arg6: memref<1x1x4xf32, #tpu.memory_space<smem>>) attributes {dimension_semantics = [#tpu.dimension_semantics<arbitrary>], iteration_bounds = array<i64: 32>, scalar_prefetch = 0 : i64, scratch_operands = 0 : i64, tpu.core_type = #tpu.core_type<tc>, window_params = [{transform_indices = @transform_0, window_bounds = array<i64: 1, 24, 4>}, {transform_indices = @transform_1, window_bounds = array<i64: 1, 1, 24>}, {pipeline_mode = #tpu.pipeline_mode<synchronous>, transform_indices = @transform_2, window_bounds = array<i64: 4, 192, 128>}, {transform_indices = @transform_3, window_bounds = array<i64: 1, 4, 192, 128>}, {transform_indices = @transform_4, window_bounds = array<i64: 1, 192, 128, 81>}, {transform_indices = @transform_5, window_bounds = array<i64: 1, 1, 4>}]} {
    %get3A = arith.constant 0 : index
    %get3A_0 = arith.constant 0 : index
    %get3A_1 = arith.constant 0 : index
    %get3A_2 = vector.load %arg3[%get3A, %get3A_0, %get3A_1] : memref<4x192x128xf32, #tpu.memory_space<vmem>>, vector<1x192x128xf32>
    %get3A_3 = vector.shape_cast %get3A_2 : vector<1x192x128xf32> to vector<192x128xf32>
    %get3A_4 = arith.constant 1 : index
    %get3A_5 = arith.constant 0 : index
    %get3A_6 = arith.constant 0 : index
    %get3A_7 = vector.load %arg3[%get3A_4, %get3A_5, %get3A_6] : memref<4x192x128xf32, #tpu.memory_space<vmem>>, vector<1x192x128xf32>
    %get3A_8 = vector.shape_cast %get3A_7 : vector<1x192x128xf32> to vector<192x128xf32>
    %get3A_9 = arith.constant 2 : index
    %get3A_10 = arith.constant 0 : index
    %get3A_11 = arith.constant 0 : index
    %get3A_12 = vector.load %arg3[%get3A_9, %get3A_10, %get3A_11] : memref<4x192x128xf32, #tpu.memory_space<vmem>>, vector<1x192x128xf32>
    %get3A_13 = vector.shape_cast %get3A_12 : vector<1x192x128xf32> to vector<192x128xf32>
    %get3A_14 = arith.constant 3 : index
    %get3A_15 = arith.constant 0 : index
    %get3A_16 = arith.constant 0 : index
    %get3A_17 = vector.load %arg3[%get3A_14, %get3A_15, %get3A_16] : memref<4x192x128xf32, #tpu.memory_space<vmem>>, vector<1x192x128xf32>
    %get3A_18 = vector.shape_cast %get3A_17 : vector<1x192x128xf32> to vector<192x128xf32>
    %mul3A = arith.constant 5.000000e-01 : f32
    %mul3A_19 = vector.broadcast %mul3A : f32 to vector<192x128xf32>
    %mul3A_20 = arith.mulf %get3A_13, %mul3A_19 : vector<192x128xf32>
    %sub3A = arith.subf %get3A_3, %mul3A_20 : vector<192x128xf32>
    %mul3A_21 = arith.constant 5.000000e-01 : f32
    %mul3A_22 = vector.broadcast %mul3A_21 : f32 to vector<192x128xf32>
    %mul3A_23 = arith.mulf %get3A_18, %mul3A_22 : vector<192x128xf32>
    %sub3A_24 = arith.subf %get3A_8, %mul3A_23 : vector<192x128xf32>
    %mul3A_25 = arith.constant 5.000000e-01 : f32
    %mul3A_26 = vector.broadcast %mul3A_25 : f32 to vector<192x128xf32>
    %mul3A_27 = arith.mulf %get3A_13, %mul3A_26 : vector<192x128xf32>
    %add3A = arith.addf %get3A_3, %mul3A_27 : vector<192x128xf32>
    %mul3A_28 = arith.constant 5.000000e-01 : f32
    %mul3A_29 = vector.broadcast %mul3A_28 : f32 to vector<192x128xf32>
    %mul3A_30 = arith.mulf %get3A_18, %mul3A_29 : vector<192x128xf32>
    %add3A_31 = arith.addf %get3A_8, %mul3A_30 : vector<192x128xf32>
    %sub3A_32 = arith.subf %add3A, %sub3A : vector<192x128xf32>
    %sub3A_33 = arith.subf %add3A_31, %sub3A_24 : vector<192x128xf32>
    %mul3A_34 = arith.mulf %sub3A_32, %sub3A_33 : vector<192x128xf32>
    %iota3A = tpu.iota {dimensions = array<i32: 0>} : vector<192x128xi32>
    %mul3A_35 = arith.constant 128 : i32
    %mul3A_36 = vector.broadcast %mul3A_35 : i32 to vector<192x128xi32>
    %mul3A_37 = arith.muli %iota3A, %mul3A_36 : vector<192x128xi32>
    %iota3A_38 = tpu.iota {dimensions = array<i32: 1>} : vector<192x128xi32>
    %add3A_39 = arith.addi %mul3A_37, %iota3A_38 : vector<192x128xi32>
    %broadcast_in_dim3A = arith.constant -1.000000e+00 : f32
    %broadcast_in_dim3A_40 = vector.broadcast %broadcast_in_dim3A : f32 to vector<192x128xf32>
    %broadcast_in_dim3A_41 = arith.constant 0 : i32
    %broadcast_in_dim3A_42 = vector.broadcast %broadcast_in_dim3A_41 : i32 to vector<192x128xi32>
    %get3A_43 = arith.constant 0 : index
    %get3A_44 = arith.constant 0 : index
    %get3A_45 = arith.constant 0 : index
    %get3A_46 = memref.load %arg1[%get3A_43, %get3A_44, %get3A_45] : memref<1x24x4xf32, #tpu.memory_space<smem>>
    %get3A_47 = arith.constant 0 : index
    %get3A_48 = arith.constant 0 : index
    %get3A_49 = arith.constant 1 : index
    %get3A_50 = memref.load %arg1[%get3A_47, %get3A_48, %get3A_49] : memref<1x24x4xf32, #tpu.memory_space<smem>>
    %get3A_51 = arith.constant 0 : index
    %get3A_52 = arith.constant 0 : index
    %get3A_53 = arith.constant 2 : index
    %get3A_54 = memref.load %arg1[%get3A_51, %get3A_52, %get3A_53] : memref<1x24x4xf32, #tpu.memory_space<smem>>
    %get3A_55 = arith.constant 0 : index
    %get3A_56 = arith.constant 0 : index
    %get3A_57 = arith.constant 3 : index
    %get3A_58 = memref.load %arg1[%get3A_55, %get3A_56, %get3A_57] : memref<1x24x4xf32, #tpu.memory_space<smem>>
    %get3A_59 = arith.constant 0 : index
    %get3A_60 = arith.constant 0 : index
    %get3A_61 = arith.constant 0 : index
    %get3A_62 = memref.load %arg2[%get3A_59, %get3A_60, %get3A_61] : memref<1x1x24xi32, #tpu.memory_space<smem>>
    %sub3A_63 = arith.subf %get3A_54, %get3A_46 : f32
    %sub3A_64 = arith.subf %get3A_58, %get3A_50 : f32
    %mul3A_65 = arith.mulf %sub3A_63, %sub3A_64 : f32
    %min3A = vector.broadcast %get3A_54 : f32 to vector<192x128xf32>
    %min3A_66 = arith.minimumf %min3A, %add3A : vector<192x128xf32>
    %max3A = vector.broadcast %get3A_46 : f32 to vector<192x128xf32>
    %max3A_67 = arith.maximumf %max3A, %sub3A : vector<192x128xf32>
    %sub3A_68 = arith.subf %min3A_66, %max3A_67 : vector<192x128xf32>
    %max3A_69 = arith.constant 0.000000e+00 : f32
    %max3A_70 = vector.broadcast %max3A_69 : f32 to vector<192x128xf32>
    %max3A_71 = arith.maximumf %sub3A_68, %max3A_70 : vector<192x128xf32>
    %min3A_72 = vector.broadcast %get3A_58 : f32 to vector<192x128xf32>
    %min3A_73 = arith.minimumf %min3A_72, %add3A_31 : vector<192x128xf32>
    %max3A_74 = vector.broadcast %get3A_50 : f32 to vector<192x128xf32>
    %max3A_75 = arith.maximumf %max3A_74, %sub3A_24 : vector<192x128xf32>
    %sub3A_76 = arith.subf %min3A_73, %max3A_75 : vector<192x128xf32>
    %max3A_77 = arith.constant 0.000000e+00 : f32
    %max3A_78 = vector.broadcast %max3A_77 : f32 to vector<192x128xf32>
    %max3A_79 = arith.maximumf %sub3A_76, %max3A_78 : vector<192x128xf32>
    %mul3A_80 = arith.mulf %max3A_71, %max3A_79 : vector<192x128xf32>
    %add3A_81 = vector.broadcast %mul3A_65 : f32 to vector<192x128xf32>
    %add3A_82 = arith.addf %add3A_81, %mul3A_34 : vector<192x128xf32>
    %sub3A_83 = arith.subf %add3A_82, %mul3A_80 : vector<192x128xf32>
    %div3A = arith.divf %mul3A_80, %sub3A_83 : vector<192x128xf32>
    %gt3A = arith.cmpf ogt, %div3A, %broadcast_in_dim3A_40 : vector<192x128xf32>
    %select_n3A = arith.select %gt3A, %div3A, %broadcast_in_dim3A_40 : vector<192x128xi1>, vector<192x128xf32>
    %jit3A = arith.constant 0 : i32
    %broadcast_in_dim3A_84 = vector.broadcast %jit3A : i32 to vector<192x128xi32>
    %select_n3A_85 = arith.select %gt3A, %broadcast_in_dim3A_84, %broadcast_in_dim3A_42 : vector<192x128xi1>, vector<192x128xi32>
    %reduce_max3A = vector.shape_cast %div3A : vector<192x128xf32> to vector<1x192x128xf32>
    %reduce_max3A_86 = arith.constant dense<0xFF800000> : vector<1xf32>
    %reduce_max3A_87 = vector.multi_reduction <maximumf>, %reduce_max3A, %reduce_max3A_86 [1, 2] : vector<1x192x128xf32> to vector<1xf32>
    %reduce_max3A_88 = vector.shape_cast %reduce_max3A_87 : vector<1xf32> to vector<1x1x1xf32>
    %reduce_max3A_89 = vector.extract %reduce_max3A_88[0, 0, 0] : f32 from vector<1x1x1xf32>
    %eq3A = vector.broadcast %reduce_max3A_89 : f32 to vector<192x128xf32>
    %eq3A_90 = arith.cmpf oeq, %div3A, %eq3A : vector<192x128xf32>
    %jit3A_91 = arith.constant 24576 : i32
    %broadcast_in_dim3A_92 = vector.broadcast %jit3A_91 : i32 to vector<192x128xi32>
    %select_n3A_93 = arith.select %eq3A_90, %add3A_39, %broadcast_in_dim3A_92 : vector<192x128xi1>, vector<192x128xi32>
    %reduce_min3A = vector.shape_cast %select_n3A_93 : vector<192x128xi32> to vector<1x192x128xi32>
    %reduce_min3A_94 = arith.constant dense<2147483647> : vector<1xi32>
    %reduce_min3A_95 = vector.multi_reduction <minsi>, %reduce_min3A, %reduce_min3A_94 [1, 2] : vector<1x192x128xi32> to vector<1xi32>
    %reduce_min3A_96 = vector.shape_cast %reduce_min3A_95 : vector<1xi32> to vector<1x1x1xi32>
    %reduce_min3A_97 = vector.extract %reduce_min3A_96[0, 0, 0] : i32 from vector<1x1x1xi32>
    %get3A_98 = arith.constant 0 : index
    %get3A_99 = arith.constant 1 : index
    %get3A_100 = arith.constant 0 : index
    %get3A_101 = memref.load %arg1[%get3A_98, %get3A_99, %get3A_100] : memref<1x24x4xf32, #tpu.memory_space<smem>>
    %get3A_102 = arith.constant 0 : index
    %get3A_103 = arith.constant 1 : index
    %get3A_104 = arith.constant 1 : index
    %get3A_105 = memref.load %arg1[%get3A_102, %get3A_103, %get3A_104] : memref<1x24x4xf32, #tpu.memory_space<smem>>
    %get3A_106 = arith.constant 0 : index
    %get3A_107 = arith.constant 1 : index
    %get3A_108 = arith.constant 2 : index
    %get3A_109 = memref.load %arg1[%get3A_106, %get3A_107, %get3A_108] : memref<1x24x4xf32, #tpu.memory_space<smem>>
    %get3A_110 = arith.constant 0 : index
    %get3A_111 = arith.constant 1 : index
    %get3A_112 = arith.constant 3 : index
    %get3A_113 = memref.load %arg1[%get3A_110, %get3A_111, %get3A_112] : memref<1x24x4xf32, #tpu.memory_space<smem>>
    %get3A_114 = arith.constant 0 : index
    %get3A_115 = arith.constant 0 : index
    %get3A_116 = arith.constant 1 : index
    %get3A_117 = memref.load %arg2[%get3A_114, %get3A_115, %get3A_116] : memref<1x1x24xi32, #tpu.memory_space<smem>>
    %sub3A_118 = arith.subf %get3A_109, %get3A_101 : f32
    %sub3A_119 = arith.subf %get3A_113, %get3A_105 : f32
    %mul3A_120 = arith.mulf %sub3A_118, %sub3A_119 : f32
    %min3A_121 = vector.broadcast %get3A_109 : f32 to vector<192x128xf32>
    %min3A_122 = arith.minimumf %min3A_121, %add3A : vector<192x128xf32>
    %max3A_123 = vector.broadcast %get3A_101 : f32 to vector<192x128xf32>
    %max3A_124 = arith.maximumf %max3A_123, %sub3A : vector<192x128xf32>
    %sub3A_125 = arith.subf %min3A_122, %max3A_124 : vector<192x128xf32>
    %max3A_126 = arith.constant 0.000000e+00 : f32
    %max3A_127 = vector.broadcast %max3A_126 : f32 to vector<192x128xf32>
    %max3A_128 = arith.maximumf %sub3A_125, %max3A_127 : vector<192x128xf32>
    %min3A_129 = vector.broadcast %get3A_113 : f32 to vector<192x128xf32>
    %min3A_130 = arith.minimumf %min3A_129, %add3A_31 : vector<192x128xf32>
    %max3A_131 = vector.broadcast %get3A_105 : f32 to vector<192x128xf32>
    %max3A_132 = arith.maximumf %max3A_131, %sub3A_24 : vector<192x128xf32>
    %sub3A_133 = arith.subf %min3A_130, %max3A_132 : vector<192x128xf32>
    %max3A_134 = arith.constant 0.000000e+00 : f32
    %max3A_135 = vector.broadcast %max3A_134 : f32 to vector<192x128xf32>
    %max3A_136 = arith.maximumf %sub3A_133, %max3A_135 : vector<192x128xf32>
    %mul3A_137 = arith.mulf %max3A_128, %max3A_136 : vector<192x128xf32>
    %add3A_138 = vector.broadcast %mul3A_120 : f32 to vector<192x128xf32>
    %add3A_139 = arith.addf %add3A_138, %mul3A_34 : vector<192x128xf32>
    %sub3A_140 = arith.subf %add3A_139, %mul3A_137 : vector<192x128xf32>
    %div3A_141 = arith.divf %mul3A_137, %sub3A_140 : vector<192x128xf32>
    %gt3A_142 = arith.cmpf ogt, %div3A_141, %select_n3A : vector<192x128xf32>
    %select_n3A_143 = arith.select %gt3A_142, %div3A_141, %select_n3A : vector<192x128xi1>, vector<192x128xf32>
    %jit3A_144 = arith.constant 1 : i32
    %broadcast_in_dim3A_145 = vector.broadcast %jit3A_144 : i32 to vector<192x128xi32>
    %select_n3A_146 = arith.select %gt3A_142, %broadcast_in_dim3A_145, %select_n3A_85 : vector<192x128xi1>, vector<192x128xi32>
    %reduce_max3A_147 = vector.shape_cast %div3A_141 : vector<192x128xf32> to vector<1x192x128xf32>
    %reduce_max3A_148 = arith.constant dense<0xFF800000> : vector<1xf32>
    %reduce_max3A_149 = vector.multi_reduction <maximumf>, %reduce_max3A_147, %reduce_max3A_148 [1, 2] : vector<1x192x128xf32> to vector<1xf32>
    %reduce_max3A_150 = vector.shape_cast %reduce_max3A_149 : vector<1xf32> to vector<1x1x1xf32>
    %reduce_max3A_151 = vector.extract %reduce_max3A_150[0, 0, 0] : f32 from vector<1x1x1xf32>
    %eq3A_152 = vector.broadcast %reduce_max3A_151 : f32 to vector<192x128xf32>
    %eq3A_153 = arith.cmpf oeq, %div3A_141, %eq3A_152 : vector<192x128xf32>
    %jit3A_154 = arith.constant 24576 : i32
    %broadcast_in_dim3A_155 = vector.broadcast %jit3A_154 : i32 to vector<192x128xi32>
    %select_n3A_156 = arith.select %eq3A_153, %add3A_39, %broadcast_in_dim3A_155 : vector<192x128xi1>, vector<192x128xi32>
    %reduce_min3A_157 = vector.shape_cast %select_n3A_156 : vector<192x128xi32> to vector<1x192x128xi32>
    %reduce_min3A_158 = arith.constant dense<2147483647> : vector<1xi32>
    %reduce_min3A_159 = vector.multi_reduction <minsi>, %reduce_min3A_157, %reduce_min3A_158 [1, 2] : vector<1x192x128xi32> to vector<1xi32>
    %reduce_min3A_160 = vector.shape_cast %reduce_min3A_159 : vector<1xi32> to vector<1x1x1xi32>
    %reduce_min3A_161 = vector.extract %reduce_min3A_160[0, 0, 0] : i32 from vector<1x1x1xi32>
    %get3A_162 = arith.constant 0 : index
    %get3A_163 = arith.constant 2 : index
    %get3A_164 = arith.constant 0 : index
    %get3A_165 = memref.load %arg1[%get3A_162, %get3A_163, %get3A_164] : memref<1x24x4xf32, #tpu.memory_space<smem>>
    %get3A_166 = arith.constant 0 : index
    %get3A_167 = arith.constant 2 : index
    %get3A_168 = arith.constant 1 : index
    %get3A_169 = memref.load %arg1[%get3A_166, %get3A_167, %get3A_168] : memref<1x24x4xf32, #tpu.memory_space<smem>>
    %get3A_170 = arith.constant 0 : index
    %get3A_171 = arith.constant 2 : index
    %get3A_172 = arith.constant 2 : index
    %get3A_173 = memref.load %arg1[%get3A_170, %get3A_171, %get3A_172] : memref<1x24x4xf32, #tpu.memory_space<smem>>
    %get3A_174 = arith.constant 0 : index
    %get3A_175 = arith.constant 2 : index
    %get3A_176 = arith.constant 3 : index
    %get3A_177 = memref.load %arg1[%get3A_174, %get3A_175, %get3A_176] : memref<1x24x4xf32, #tpu.memory_space<smem>>
    %get3A_178 = arith.constant 0 : index
    %get3A_179 = arith.constant 0 : index
    %get3A_180 = arith.constant 2 : index
    %get3A_181 = memref.load %arg2[%get3A_178, %get3A_179, %get3A_180] : memref<1x1x24xi32, #tpu.memory_space<smem>>
    %sub3A_182 = arith.subf %get3A_173, %get3A_165 : f32
    %sub3A_183 = arith.subf %get3A_177, %get3A_169 : f32
    %mul3A_184 = arith.mulf %sub3A_182, %sub3A_183 : f32
    %min3A_185 = vector.broadcast %get3A_173 : f32 to vector<192x128xf32>
    %min3A_186 = arith.minimumf %min3A_185, %add3A : vector<192x128xf32>
    %max3A_187 = vector.broadcast %get3A_165 : f32 to vector<192x128xf32>
    %max3A_188 = arith.maximumf %max3A_187, %sub3A : vector<192x128xf32>
    %sub3A_189 = arith.subf %min3A_186, %max3A_188 : vector<192x128xf32>
    %max3A_190 = arith.constant 0.000000e+00 : f32
    %max3A_191 = vector.broadcast %max3A_190 : f32 to vector<192x128xf32>
    %max3A_192 = arith.maximumf %sub3A_189, %max3A_191 : vector<192x128xf32>
    %min3A_193 = vector.broadcast %get3A_177 : f32 to vector<192x128xf32>
    %min3A_194 = arith.minimumf %min3A_193, %add3A_31 : vector<192x128xf32>
    %max3A_195 = vector.broadcast %get3A_169 : f32 to vector<192x128xf32>
    %max3A_196 = arith.maximumf %max3A_195, %sub3A_24 : vector<192x128xf32>
    %sub3A_197 = arith.subf %min3A_194, %max3A_196 : vector<192x128xf32>
    %max3A_198 = arith.constant 0.000000e+00 : f32
    %max3A_199 = vector.broadcast %max3A_198 : f32 to vector<192x128xf32>
    %max3A_200 = arith.maximumf %sub3A_197, %max3A_199 : vector<192x128xf32>
    %mul3A_201 = arith.mulf %max3A_192, %max3A_200 : vector<192x128xf32>
    %add3A_202 = vector.broadcast %mul3A_184 : f32 to vector<192x128xf32>
    %add3A_203 = arith.addf %add3A_202, %mul3A_34 : vector<192x128xf32>
    %sub3A_204 = arith.subf %add3A_203, %mul3A_201 : vector<192x128xf32>
    %div3A_205 = arith.divf %mul3A_201, %sub3A_204 : vector<192x128xf32>
    %gt3A_206 = arith.cmpf ogt, %div3A_205, %select_n3A_143 : vector<192x128xf32>
    %select_n3A_207 = arith.select %gt3A_206, %div3A_205, %select_n3A_143 : vector<192x128xi1>, vector<192x128xf32>
    %jit3A_208 = arith.constant 2 : i32
    %broadcast_in_dim3A_209 = vector.broadcast %jit3A_208 : i32 to vector<192x128xi32>
    %select_n3A_210 = arith.select %gt3A_206, %broadcast_in_dim3A_209, %select_n3A_146 : vector<192x128xi1>, vector<192x128xi32>
    %reduce_max3A_211 = vector.shape_cast %div3A_205 : vector<192x128xf32> to vector<1x192x128xf32>
    %reduce_max3A_212 = arith.constant dense<0xFF800000> : vector<1xf32>
    %reduce_max3A_213 = vector.multi_reduction <maximumf>, %reduce_max3A_211, %reduce_max3A_212 [1, 2] : vector<1x192x128xf32> to vector<1xf32>
    %reduce_max3A_214 = vector.shape_cast %reduce_max3A_213 : vector<1xf32> to vector<1x1x1xf32>
    %reduce_max3A_215 = vector.extract %reduce_max3A_214[0, 0, 0] : f32 from vector<1x1x1xf32>
    %eq3A_216 = vector.broadcast %reduce_max3A_215 : f32 to vector<192x128xf32>
    %eq3A_217 = arith.cmpf oeq, %div3A_205, %eq3A_216 : vector<192x128xf32>
    %jit3A_218 = arith.constant 24576 : i32
    %broadcast_in_dim3A_219 = vector.broadcast %jit3A_218 : i32 to vector<192x128xi32>
    %select_n3A_220 = arith.select %eq3A_217, %add3A_39, %broadcast_in_dim3A_219 : vector<192x128xi1>, vector<192x128xi32>
    %reduce_min3A_221 = vector.shape_cast %select_n3A_220 : vector<192x128xi32> to vector<1x192x128xi32>
    %reduce_min3A_222 = arith.constant dense<2147483647> : vector<1xi32>
    %reduce_min3A_223 = vector.multi_reduction <minsi>, %reduce_min3A_221, %reduce_min3A_222 [1, 2] : vector<1x192x128xi32> to vector<1xi32>
    %reduce_min3A_224 = vector.shape_cast %reduce_min3A_223 : vector<1xi32> to vector<1x1x1xi32>
    %reduce_min3A_225 = vector.extract %reduce_min3A_224[0, 0, 0] : i32 from vector<1x1x1xi32>
    %get3A_226 = arith.constant 0 : index
    %get3A_227 = arith.constant 3 : index
    %get3A_228 = arith.constant 0 : index
    %get3A_229 = memref.load %arg1[%get3A_226, %get3A_227, %get3A_228] : memref<1x24x4xf32, #tpu.memory_space<smem>>
    %get3A_230 = arith.constant 0 : index
    %get3A_231 = arith.constant 3 : index
    %get3A_232 = arith.constant 1 : index
    %get3A_233 = memref.load %arg1[%get3A_230, %get3A_231, %get3A_232] : memref<1x24x4xf32, #tpu.memory_space<smem>>
    %get3A_234 = arith.constant 0 : index
    %get3A_235 = arith.constant 3 : index
    %get3A_236 = arith.constant 2 : index
    %get3A_237 = memref.load %arg1[%get3A_234, %get3A_235, %get3A_236] : memref<1x24x4xf32, #tpu.memory_space<smem>>
    %get3A_238 = arith.constant 0 : index
    %get3A_239 = arith.constant 3 : index
    %get3A_240 = arith.constant 3 : index
    %get3A_241 = memref.load %arg1[%get3A_238, %get3A_239, %get3A_240] : memref<1x24x4xf32, #tpu.memory_space<smem>>
    %get3A_242 = arith.constant 0 : index
    %get3A_243 = arith.constant 0 : index
    %get3A_244 = arith.constant 3 : index
    %get3A_245 = memref.load %arg2[%get3A_242, %get3A_243, %get3A_244] : memref<1x1x24xi32, #tpu.memory_space<smem>>
    %sub3A_246 = arith.subf %get3A_237, %get3A_229 : f32
    %sub3A_247 = arith.subf %get3A_241, %get3A_233 : f32
    %mul3A_248 = arith.mulf %sub3A_246, %sub3A_247 : f32
    %min3A_249 = vector.broadcast %get3A_237 : f32 to vector<192x128xf32>
    %min3A_250 = arith.minimumf %min3A_249, %add3A : vector<192x128xf32>
    %max3A_251 = vector.broadcast %get3A_229 : f32 to vector<192x128xf32>
    %max3A_252 = arith.maximumf %max3A_251, %sub3A : vector<192x128xf32>
    %sub3A_253 = arith.subf %min3A_250, %max3A_252 : vector<192x128xf32>
    %max3A_254 = arith.constant 0.000000e+00 : f32
    %max3A_255 = vector.broadcast %max3A_254 : f32 to vector<192x128xf32>
    %max3A_256 = arith.maximumf %sub3A_253, %max3A_255 : vector<192x128xf32>
    %min3A_257 = vector.broadcast %get3A_241 : f32 to vector<192x128xf32>
    %min3A_258 = arith.minimumf %min3A_257, %add3A_31 : vector<192x128xf32>
    %max3A_259 = vector.broadcast %get3A_233 : f32 to vector<192x128xf32>
    %max3A_260 = arith.maximumf %max3A_259, %sub3A_24 : vector<192x128xf32>
    %sub3A_261 = arith.subf %min3A_258, %max3A_260 : vector<192x128xf32>
    %max3A_262 = arith.constant 0.000000e+00 : f32
    %max3A_263 = vector.broadcast %max3A_262 : f32 to vector<192x128xf32>
    %max3A_264 = arith.maximumf %sub3A_261, %max3A_263 : vector<192x128xf32>
    %mul3A_265 = arith.mulf %max3A_256, %max3A_264 : vector<192x128xf32>
    %add3A_266 = vector.broadcast %mul3A_248 : f32 to vector<192x128xf32>
    %add3A_267 = arith.addf %add3A_266, %mul3A_34 : vector<192x128xf32>
    %sub3A_268 = arith.subf %add3A_267, %mul3A_265 : vector<192x128xf32>
    %div3A_269 = arith.divf %mul3A_265, %sub3A_268 : vector<192x128xf32>
    %gt3A_270 = arith.cmpf ogt, %div3A_269, %select_n3A_207 : vector<192x128xf32>
    %select_n3A_271 = arith.select %gt3A_270, %div3A_269, %select_n3A_207 : vector<192x128xi1>, vector<192x128xf32>
    %jit3A_272 = arith.constant 3 : i32
    %broadcast_in_dim3A_273 = vector.broadcast %jit3A_272 : i32 to vector<192x128xi32>
    %select_n3A_274 = arith.select %gt3A_270, %broadcast_in_dim3A_273, %select_n3A_210 : vector<192x128xi1>, vector<192x128xi32>
    %reduce_max3A_275 = vector.shape_cast %div3A_269 : vector<192x128xf32> to vector<1x192x128xf32>
    %reduce_max3A_276 = arith.constant dense<0xFF800000> : vector<1xf32>
    %reduce_max3A_277 = vector.multi_reduction <maximumf>, %reduce_max3A_275, %reduce_max3A_276 [1, 2] : vector<1x192x128xf32> to vector<1xf32>
    %reduce_max3A_278 = vector.shape_cast %reduce_max3A_277 : vector<1xf32> to vector<1x1x1xf32>
    %reduce_max3A_279 = vector.extract %reduce_max3A_278[0, 0, 0] : f32 from vector<1x1x1xf32>
    %eq3A_280 = vector.broadcast %reduce_max3A_279 : f32 to vector<192x128xf32>
    %eq3A_281 = arith.cmpf oeq, %div3A_269, %eq3A_280 : vector<192x128xf32>
    %jit3A_282 = arith.constant 24576 : i32
    %broadcast_in_dim3A_283 = vector.broadcast %jit3A_282 : i32 to vector<192x128xi32>
    %select_n3A_284 = arith.select %eq3A_281, %add3A_39, %broadcast_in_dim3A_283 : vector<192x128xi1>, vector<192x128xi32>
    %reduce_min3A_285 = vector.shape_cast %select_n3A_284 : vector<192x128xi32> to vector<1x192x128xi32>
    %reduce_min3A_286 = arith.constant dense<2147483647> : vector<1xi32>
    %reduce_min3A_287 = vector.multi_reduction <minsi>, %reduce_min3A_285, %reduce_min3A_286 [1, 2] : vector<1x192x128xi32> to vector<1xi32>
    %reduce_min3A_288 = vector.shape_cast %reduce_min3A_287 : vector<1xi32> to vector<1x1x1xi32>
    %reduce_min3A_289 = vector.extract %reduce_min3A_288[0, 0, 0] : i32 from vector<1x1x1xi32>
    %get3A_290 = arith.constant 0 : index
    %get3A_291 = arith.constant 4 : index
    %get3A_292 = arith.constant 0 : index
    %get3A_293 = memref.load %arg1[%get3A_290, %get3A_291, %get3A_292] : memref<1x24x4xf32, #tpu.memory_space<smem>>
    %get3A_294 = arith.constant 0 : index
    %get3A_295 = arith.constant 4 : index
    %get3A_296 = arith.constant 1 : index
    %get3A_297 = memref.load %arg1[%get3A_294, %get3A_295, %get3A_296] : memref<1x24x4xf32, #tpu.memory_space<smem>>
    %get3A_298 = arith.constant 0 : index
    %get3A_299 = arith.constant 4 : index
    %get3A_300 = arith.constant 2 : index
    %get3A_301 = memref.load %arg1[%get3A_298, %get3A_299, %get3A_300] : memref<1x24x4xf32, #tpu.memory_space<smem>>
    %get3A_302 = arith.constant 0 : index
    %get3A_303 = arith.constant 4 : index
    %get3A_304 = arith.constant 3 : index
    %get3A_305 = memref.load %arg1[%get3A_302, %get3A_303, %get3A_304] : memref<1x24x4xf32, #tpu.memory_space<smem>>
    %get3A_306 = arith.constant 0 : index
    %get3A_307 = arith.constant 0 : index
    %get3A_308 = arith.constant 4 : index
    %get3A_309 = memref.load %arg2[%get3A_306, %get3A_307, %get3A_308] : memref<1x1x24xi32, #tpu.memory_space<smem>>
    %sub3A_310 = arith.subf %get3A_301, %get3A_293 : f32
    %sub3A_311 = arith.subf %get3A_305, %get3A_297 : f32
    %mul3A_312 = arith.mulf %sub3A_310, %sub3A_311 : f32
    %min3A_313 = vector.broadcast %get3A_301 : f32 to vector<192x128xf32>
    %min3A_314 = arith.minimumf %min3A_313, %add3A : vector<192x128xf32>
    %max3A_315 = vector.broadcast %get3A_293 : f32 to vector<192x128xf32>
    %max3A_316 = arith.maximumf %max3A_315, %sub3A : vector<192x128xf32>
    %sub3A_317 = arith.subf %min3A_314, %max3A_316 : vector<192x128xf32>
    %max3A_318 = arith.constant 0.000000e+00 : f32
    %max3A_319 = vector.broadcast %max3A_318 : f32 to vector<192x128xf32>
    %max3A_320 = arith.maximumf %sub3A_317, %max3A_319 : vector<192x128xf32>
    %min3A_321 = vector.broadcast %get3A_305 : f32 to vector<192x128xf32>
    %min3A_322 = arith.minimumf %min3A_321, %add3A_31 : vector<192x128xf32>
    %max3A_323 = vector.broadcast %get3A_297 : f32 to vector<192x128xf32>
    %max3A_324 = arith.maximumf %max3A_323, %sub3A_24 : vector<192x128xf32>
    %sub3A_325 = arith.subf %min3A_322, %max3A_324 : vector<192x128xf32>
    %max3A_326 = arith.constant 0.000000e+00 : f32
    %max3A_327 = vector.broadcast %max3A_326 : f32 to vector<192x128xf32>
    %max3A_328 = arith.maximumf %sub3A_325, %max3A_327 : vector<192x128xf32>
    %mul3A_329 = arith.mulf %max3A_320, %max3A_328 : vector<192x128xf32>
    %add3A_330 = vector.broadcast %mul3A_312 : f32 to vector<192x128xf32>
    %add3A_331 = arith.addf %add3A_330, %mul3A_34 : vector<192x128xf32>
    %sub3A_332 = arith.subf %add3A_331, %mul3A_329 : vector<192x128xf32>
    %div3A_333 = arith.divf %mul3A_329, %sub3A_332 : vector<192x128xf32>
    %gt3A_334 = arith.cmpf ogt, %div3A_333, %select_n3A_271 : vector<192x128xf32>
    %select_n3A_335 = arith.select %gt3A_334, %div3A_333, %select_n3A_271 : vector<192x128xi1>, vector<192x128xf32>
    %jit3A_336 = arith.constant 4 : i32
    %broadcast_in_dim3A_337 = vector.broadcast %jit3A_336 : i32 to vector<192x128xi32>
    %select_n3A_338 = arith.select %gt3A_334, %broadcast_in_dim3A_337, %select_n3A_274 : vector<192x128xi1>, vector<192x128xi32>
    %reduce_max3A_339 = vector.shape_cast %div3A_333 : vector<192x128xf32> to vector<1x192x128xf32>
    %reduce_max3A_340 = arith.constant dense<0xFF800000> : vector<1xf32>
    %reduce_max3A_341 = vector.multi_reduction <maximumf>, %reduce_max3A_339, %reduce_max3A_340 [1, 2] : vector<1x192x128xf32> to vector<1xf32>
    %reduce_max3A_342 = vector.shape_cast %reduce_max3A_341 : vector<1xf32> to vector<1x1x1xf32>
    %reduce_max3A_343 = vector.extract %reduce_max3A_342[0, 0, 0] : f32 from vector<1x1x1xf32>
    %eq3A_344 = vector.broadcast %reduce_max3A_343 : f32 to vector<192x128xf32>
    %eq3A_345 = arith.cmpf oeq, %div3A_333, %eq3A_344 : vector<192x128xf32>
    %jit3A_346 = arith.constant 24576 : i32
    %broadcast_in_dim3A_347 = vector.broadcast %jit3A_346 : i32 to vector<192x128xi32>
    %select_n3A_348 = arith.select %eq3A_345, %add3A_39, %broadcast_in_dim3A_347 : vector<192x128xi1>, vector<192x128xi32>
    %reduce_min3A_349 = vector.shape_cast %select_n3A_348 : vector<192x128xi32> to vector<1x192x128xi32>
    %reduce_min3A_350 = arith.constant dense<2147483647> : vector<1xi32>
    %reduce_min3A_351 = vector.multi_reduction <minsi>, %reduce_min3A_349, %reduce_min3A_350 [1, 2] : vector<1x192x128xi32> to vector<1xi32>
    %reduce_min3A_352 = vector.shape_cast %reduce_min3A_351 : vector<1xi32> to vector<1x1x1xi32>
    %reduce_min3A_353 = vector.extract %reduce_min3A_352[0, 0, 0] : i32 from vector<1x1x1xi32>
    %get3A_354 = arith.constant 0 : index
    %get3A_355 = arith.constant 5 : index
    %get3A_356 = arith.constant 0 : index
    %get3A_357 = memref.load %arg1[%get3A_354, %get3A_355, %get3A_356] : memref<1x24x4xf32, #tpu.memory_space<smem>>
    %get3A_358 = arith.constant 0 : index
    %get3A_359 = arith.constant 5 : index
    %get3A_360 = arith.constant 1 : index
    %get3A_361 = memref.load %arg1[%get3A_358, %get3A_359, %get3A_360] : memref<1x24x4xf32, #tpu.memory_space<smem>>
    %get3A_362 = arith.constant 0 : index
    %get3A_363 = arith.constant 5 : index
    %get3A_364 = arith.constant 2 : index
    %get3A_365 = memref.load %arg1[%get3A_362, %get3A_363, %get3A_364] : memref<1x24x4xf32, #tpu.memory_space<smem>>
    %get3A_366 = arith.constant 0 : index
    %get3A_367 = arith.constant 5 : index
    %get3A_368 = arith.constant 3 : index
    %get3A_369 = memref.load %arg1[%get3A_366, %get3A_367, %get3A_368] : memref<1x24x4xf32, #tpu.memory_space<smem>>
    %get3A_370 = arith.constant 0 : index
    %get3A_371 = arith.constant 0 : index
    %get3A_372 = arith.constant 5 : index
    %get3A_373 = memref.load %arg2[%get3A_370, %get3A_371, %get3A_372] : memref<1x1x24xi32, #tpu.memory_space<smem>>
    %sub3A_374 = arith.subf %get3A_365, %get3A_357 : f32
    %sub3A_375 = arith.subf %get3A_369, %get3A_361 : f32
    %mul3A_376 = arith.mulf %sub3A_374, %sub3A_375 : f32
    %min3A_377 = vector.broadcast %get3A_365 : f32 to vector<192x128xf32>
    %min3A_378 = arith.minimumf %min3A_377, %add3A : vector<192x128xf32>
    %max3A_379 = vector.broadcast %get3A_357 : f32 to vector<192x128xf32>
    %max3A_380 = arith.maximumf %max3A_379, %sub3A : vector<192x128xf32>
    %sub3A_381 = arith.subf %min3A_378, %max3A_380 : vector<192x128xf32>
    %max3A_382 = arith.constant 0.000000e+00 : f32
    %max3A_383 = vector.broadcast %max3A_382 : f32 to vector<192x128xf32>
    %max3A_384 = arith.maximumf %sub3A_381, %max3A_383 : vector<192x128xf32>
    %min3A_385 = vector.broadcast %get3A_369 : f32 to vector<192x128xf32>
    %min3A_386 = arith.minimumf %min3A_385, %add3A_31 : vector<192x128xf32>
    %max3A_387 = vector.broadcast %get3A_361 : f32 to vector<192x128xf32>
    %max3A_388 = arith.maximumf %max3A_387, %sub3A_24 : vector<192x128xf32>
    %sub3A_389 = arith.subf %min3A_386, %max3A_388 : vector<192x128xf32>
    %max3A_390 = arith.constant 0.000000e+00 : f32
    %max3A_391 = vector.broadcast %max3A_390 : f32 to vector<192x128xf32>
    %max3A_392 = arith.maximumf %sub3A_389, %max3A_391 : vector<192x128xf32>
    %mul3A_393 = arith.mulf %max3A_384, %max3A_392 : vector<192x128xf32>
    %add3A_394 = vector.broadcast %mul3A_376 : f32 to vector<192x128xf32>
    %add3A_395 = arith.addf %add3A_394, %mul3A_34 : vector<192x128xf32>
    %sub3A_396 = arith.subf %add3A_395, %mul3A_393 : vector<192x128xf32>
    %div3A_397 = arith.divf %mul3A_393, %sub3A_396 : vector<192x128xf32>
    %gt3A_398 = arith.cmpf ogt, %div3A_397, %select_n3A_335 : vector<192x128xf32>
    %select_n3A_399 = arith.select %gt3A_398, %div3A_397, %select_n3A_335 : vector<192x128xi1>, vector<192x128xf32>
    %jit3A_400 = arith.constant 5 : i32
    %broadcast_in_dim3A_401 = vector.broadcast %jit3A_400 : i32 to vector<192x128xi32>
    %select_n3A_402 = arith.select %gt3A_398, %broadcast_in_dim3A_401, %select_n3A_338 : vector<192x128xi1>, vector<192x128xi32>
    %reduce_max3A_403 = vector.shape_cast %div3A_397 : vector<192x128xf32> to vector<1x192x128xf32>
    %reduce_max3A_404 = arith.constant dense<0xFF800000> : vector<1xf32>
    %reduce_max3A_405 = vector.multi_reduction <maximumf>, %reduce_max3A_403, %reduce_max3A_404 [1, 2] : vector<1x192x128xf32> to vector<1xf32>
    %reduce_max3A_406 = vector.shape_cast %reduce_max3A_405 : vector<1xf32> to vector<1x1x1xf32>
    %reduce_max3A_407 = vector.extract %reduce_max3A_406[0, 0, 0] : f32 from vector<1x1x1xf32>
    %eq3A_408 = vector.broadcast %reduce_max3A_407 : f32 to vector<192x128xf32>
    %eq3A_409 = arith.cmpf oeq, %div3A_397, %eq3A_408 : vector<192x128xf32>
    %jit3A_410 = arith.constant 24576 : i32
    %broadcast_in_dim3A_411 = vector.broadcast %jit3A_410 : i32 to vector<192x128xi32>
    %select_n3A_412 = arith.select %eq3A_409, %add3A_39, %broadcast_in_dim3A_411 : vector<192x128xi1>, vector<192x128xi32>
    %reduce_min3A_413 = vector.shape_cast %select_n3A_412 : vector<192x128xi32> to vector<1x192x128xi32>
    %reduce_min3A_414 = arith.constant dense<2147483647> : vector<1xi32>
    %reduce_min3A_415 = vector.multi_reduction <minsi>, %reduce_min3A_413, %reduce_min3A_414 [1, 2] : vector<1x192x128xi32> to vector<1xi32>
    %reduce_min3A_416 = vector.shape_cast %reduce_min3A_415 : vector<1xi32> to vector<1x1x1xi32>
    %reduce_min3A_417 = vector.extract %reduce_min3A_416[0, 0, 0] : i32 from vector<1x1x1xi32>
    %get3A_418 = arith.constant 0 : index
    %get3A_419 = arith.constant 6 : index
    %get3A_420 = arith.constant 0 : index
    %get3A_421 = memref.load %arg1[%get3A_418, %get3A_419, %get3A_420] : memref<1x24x4xf32, #tpu.memory_space<smem>>
    %get3A_422 = arith.constant 0 : index
    %get3A_423 = arith.constant 6 : index
    %get3A_424 = arith.constant 1 : index
    %get3A_425 = memref.load %arg1[%get3A_422, %get3A_423, %get3A_424] : memref<1x24x4xf32, #tpu.memory_space<smem>>
    %get3A_426 = arith.constant 0 : index
    %get3A_427 = arith.constant 6 : index
    %get3A_428 = arith.constant 2 : index
    %get3A_429 = memref.load %arg1[%get3A_426, %get3A_427, %get3A_428] : memref<1x24x4xf32, #tpu.memory_space<smem>>
    %get3A_430 = arith.constant 0 : index
    %get3A_431 = arith.constant 6 : index
    %get3A_432 = arith.constant 3 : index
    %get3A_433 = memref.load %arg1[%get3A_430, %get3A_431, %get3A_432] : memref<1x24x4xf32, #tpu.memory_space<smem>>
    %get3A_434 = arith.constant 0 : index
    %get3A_435 = arith.constant 0 : index
    %get3A_436 = arith.constant 6 : index
    %get3A_437 = memref.load %arg2[%get3A_434, %get3A_435, %get3A_436] : memref<1x1x24xi32, #tpu.memory_space<smem>>
    %sub3A_438 = arith.subf %get3A_429, %get3A_421 : f32
    %sub3A_439 = arith.subf %get3A_433, %get3A_425 : f32
    %mul3A_440 = arith.mulf %sub3A_438, %sub3A_439 : f32
    %min3A_441 = vector.broadcast %get3A_429 : f32 to vector<192x128xf32>
    %min3A_442 = arith.minimumf %min3A_441, %add3A : vector<192x128xf32>
    %max3A_443 = vector.broadcast %get3A_421 : f32 to vector<192x128xf32>
    %max3A_444 = arith.maximumf %max3A_443, %sub3A : vector<192x128xf32>
    %sub3A_445 = arith.subf %min3A_442, %max3A_444 : vector<192x128xf32>
    %max3A_446 = arith.constant 0.000000e+00 : f32
    %max3A_447 = vector.broadcast %max3A_446 : f32 to vector<192x128xf32>
    %max3A_448 = arith.maximumf %sub3A_445, %max3A_447 : vector<192x128xf32>
    %min3A_449 = vector.broadcast %get3A_433 : f32 to vector<192x128xf32>
    %min3A_450 = arith.minimumf %min3A_449, %add3A_31 : vector<192x128xf32>
    %max3A_451 = vector.broadcast %get3A_425 : f32 to vector<192x128xf32>
    %max3A_452 = arith.maximumf %max3A_451, %sub3A_24 : vector<192x128xf32>
    %sub3A_453 = arith.subf %min3A_450, %max3A_452 : vector<192x128xf32>
    %max3A_454 = arith.constant 0.000000e+00 : f32
    %max3A_455 = vector.broadcast %max3A_454 : f32 to vector<192x128xf32>
    %max3A_456 = arith.maximumf %sub3A_453, %max3A_455 : vector<192x128xf32>
    %mul3A_457 = arith.mulf %max3A_448, %max3A_456 : vector<192x128xf32>
    %add3A_458 = vector.broadcast %mul3A_440 : f32 to vector<192x128xf32>
    %add3A_459 = arith.addf %add3A_458, %mul3A_34 : vector<192x128xf32>
    %sub3A_460 = arith.subf %add3A_459, %mul3A_457 : vector<192x128xf32>
    %div3A_461 = arith.divf %mul3A_457, %sub3A_460 : vector<192x128xf32>
    %gt3A_462 = arith.cmpf ogt, %div3A_461, %select_n3A_399 : vector<192x128xf32>
    %select_n3A_463 = arith.select %gt3A_462, %div3A_461, %select_n3A_399 : vector<192x128xi1>, vector<192x128xf32>
    %jit3A_464 = arith.constant 6 : i32
    %broadcast_in_dim3A_465 = vector.broadcast %jit3A_464 : i32 to vector<192x128xi32>
    %select_n3A_466 = arith.select %gt3A_462, %broadcast_in_dim3A_465, %select_n3A_402 : vector<192x128xi1>, vector<192x128xi32>
    %reduce_max3A_467 = vector.shape_cast %div3A_461 : vector<192x128xf32> to vector<1x192x128xf32>
    %reduce_max3A_468 = arith.constant dense<0xFF800000> : vector<1xf32>
    %reduce_max3A_469 = vector.multi_reduction <maximumf>, %reduce_max3A_467, %reduce_max3A_468 [1, 2] : vector<1x192x128xf32> to vector<1xf32>
    %reduce_max3A_470 = vector.shape_cast %reduce_max3A_469 : vector<1xf32> to vector<1x1x1xf32>
    %reduce_max3A_471 = vector.extract %reduce_max3A_470[0, 0, 0] : f32 from vector<1x1x1xf32>
    %eq3A_472 = vector.broadcast %reduce_max3A_471 : f32 to vector<192x128xf32>
    %eq3A_473 = arith.cmpf oeq, %div3A_461, %eq3A_472 : vector<192x128xf32>
    %jit3A_474 = arith.constant 24576 : i32
    %broadcast_in_dim3A_475 = vector.broadcast %jit3A_474 : i32 to vector<192x128xi32>
    %select_n3A_476 = arith.select %eq3A_473, %add3A_39, %broadcast_in_dim3A_475 : vector<192x128xi1>, vector<192x128xi32>
    %reduce_min3A_477 = vector.shape_cast %select_n3A_476 : vector<192x128xi32> to vector<1x192x128xi32>
    %reduce_min3A_478 = arith.constant dense<2147483647> : vector<1xi32>
    %reduce_min3A_479 = vector.multi_reduction <minsi>, %reduce_min3A_477, %reduce_min3A_478 [1, 2] : vector<1x192x128xi32> to vector<1xi32>
    %reduce_min3A_480 = vector.shape_cast %reduce_min3A_479 : vector<1xi32> to vector<1x1x1xi32>
    %reduce_min3A_481 = vector.extract %reduce_min3A_480[0, 0, 0] : i32 from vector<1x1x1xi32>
    %get3A_482 = arith.constant 0 : index
    %get3A_483 = arith.constant 7 : index
    %get3A_484 = arith.constant 0 : index
    %get3A_485 = memref.load %arg1[%get3A_482, %get3A_483, %get3A_484] : memref<1x24x4xf32, #tpu.memory_space<smem>>
    %get3A_486 = arith.constant 0 : index
    %get3A_487 = arith.constant 7 : index
    %get3A_488 = arith.constant 1 : index
    %get3A_489 = memref.load %arg1[%get3A_486, %get3A_487, %get3A_488] : memref<1x24x4xf32, #tpu.memory_space<smem>>
    %get3A_490 = arith.constant 0 : index
    %get3A_491 = arith.constant 7 : index
    %get3A_492 = arith.constant 2 : index
    %get3A_493 = memref.load %arg1[%get3A_490, %get3A_491, %get3A_492] : memref<1x24x4xf32, #tpu.memory_space<smem>>
    %get3A_494 = arith.constant 0 : index
    %get3A_495 = arith.constant 7 : index
    %get3A_496 = arith.constant 3 : index
    %get3A_497 = memref.load %arg1[%get3A_494, %get3A_495, %get3A_496] : memref<1x24x4xf32, #tpu.memory_space<smem>>
    %get3A_498 = arith.constant 0 : index
    %get3A_499 = arith.constant 0 : index
    %get3A_500 = arith.constant 7 : index
    %get3A_501 = memref.load %arg2[%get3A_498, %get3A_499, %get3A_500] : memref<1x1x24xi32, #tpu.memory_space<smem>>
    %sub3A_502 = arith.subf %get3A_493, %get3A_485 : f32
    %sub3A_503 = arith.subf %get3A_497, %get3A_489 : f32
    %mul3A_504 = arith.mulf %sub3A_502, %sub3A_503 : f32
    %min3A_505 = vector.broadcast %get3A_493 : f32 to vector<192x128xf32>
    %min3A_506 = arith.minimumf %min3A_505, %add3A : vector<192x128xf32>
    %max3A_507 = vector.broadcast %get3A_485 : f32 to vector<192x128xf32>
    %max3A_508 = arith.maximumf %max3A_507, %sub3A : vector<192x128xf32>
    %sub3A_509 = arith.subf %min3A_506, %max3A_508 : vector<192x128xf32>
    %max3A_510 = arith.constant 0.000000e+00 : f32
    %max3A_511 = vector.broadcast %max3A_510 : f32 to vector<192x128xf32>
    %max3A_512 = arith.maximumf %sub3A_509, %max3A_511 : vector<192x128xf32>
    %min3A_513 = vector.broadcast %get3A_497 : f32 to vector<192x128xf32>
    %min3A_514 = arith.minimumf %min3A_513, %add3A_31 : vector<192x128xf32>
    %max3A_515 = vector.broadcast %get3A_489 : f32 to vector<192x128xf32>
    %max3A_516 = arith.maximumf %max3A_515, %sub3A_24 : vector<192x128xf32>
    %sub3A_517 = arith.subf %min3A_514, %max3A_516 : vector<192x128xf32>
    %max3A_518 = arith.constant 0.000000e+00 : f32
    %max3A_519 = vector.broadcast %max3A_518 : f32 to vector<192x128xf32>
    %max3A_520 = arith.maximumf %sub3A_517, %max3A_519 : vector<192x128xf32>
    %mul3A_521 = arith.mulf %max3A_512, %max3A_520 : vector<192x128xf32>
    %add3A_522 = vector.broadcast %mul3A_504 : f32 to vector<192x128xf32>
    %add3A_523 = arith.addf %add3A_522, %mul3A_34 : vector<192x128xf32>
    %sub3A_524 = arith.subf %add3A_523, %mul3A_521 : vector<192x128xf32>
    %div3A_525 = arith.divf %mul3A_521, %sub3A_524 : vector<192x128xf32>
    %gt3A_526 = arith.cmpf ogt, %div3A_525, %select_n3A_463 : vector<192x128xf32>
    %select_n3A_527 = arith.select %gt3A_526, %div3A_525, %select_n3A_463 : vector<192x128xi1>, vector<192x128xf32>
    %jit3A_528 = arith.constant 7 : i32
    %broadcast_in_dim3A_529 = vector.broadcast %jit3A_528 : i32 to vector<192x128xi32>
    %select_n3A_530 = arith.select %gt3A_526, %broadcast_in_dim3A_529, %select_n3A_466 : vector<192x128xi1>, vector<192x128xi32>
    %reduce_max3A_531 = vector.shape_cast %div3A_525 : vector<192x128xf32> to vector<1x192x128xf32>
    %reduce_max3A_532 = arith.constant dense<0xFF800000> : vector<1xf32>
    %reduce_max3A_533 = vector.multi_reduction <maximumf>, %reduce_max3A_531, %reduce_max3A_532 [1, 2] : vector<1x192x128xf32> to vector<1xf32>
    %reduce_max3A_534 = vector.shape_cast %reduce_max3A_533 : vector<1xf32> to vector<1x1x1xf32>
    %reduce_max3A_535 = vector.extract %reduce_max3A_534[0, 0, 0] : f32 from vector<1x1x1xf32>
    %eq3A_536 = vector.broadcast %reduce_max3A_535 : f32 to vector<192x128xf32>
    %eq3A_537 = arith.cmpf oeq, %div3A_525, %eq3A_536 : vector<192x128xf32>
    %jit3A_538 = arith.constant 24576 : i32
    %broadcast_in_dim3A_539 = vector.broadcast %jit3A_538 : i32 to vector<192x128xi32>
    %select_n3A_540 = arith.select %eq3A_537, %add3A_39, %broadcast_in_dim3A_539 : vector<192x128xi1>, vector<192x128xi32>
    %reduce_min3A_541 = vector.shape_cast %select_n3A_540 : vector<192x128xi32> to vector<1x192x128xi32>
    %reduce_min3A_542 = arith.constant dense<2147483647> : vector<1xi32>
    %reduce_min3A_543 = vector.multi_reduction <minsi>, %reduce_min3A_541, %reduce_min3A_542 [1, 2] : vector<1x192x128xi32> to vector<1xi32>
    %reduce_min3A_544 = vector.shape_cast %reduce_min3A_543 : vector<1xi32> to vector<1x1x1xi32>
    %reduce_min3A_545 = vector.extract %reduce_min3A_544[0, 0, 0] : i32 from vector<1x1x1xi32>
    %get3A_546 = arith.constant 0 : index
    %get3A_547 = arith.constant 8 : index
    %get3A_548 = arith.constant 0 : index
    %get3A_549 = memref.load %arg1[%get3A_546, %get3A_547, %get3A_548] : memref<1x24x4xf32, #tpu.memory_space<smem>>
    %get3A_550 = arith.constant 0 : index
    %get3A_551 = arith.constant 8 : index
    %get3A_552 = arith.constant 1 : index
    %get3A_553 = memref.load %arg1[%get3A_550, %get3A_551, %get3A_552] : memref<1x24x4xf32, #tpu.memory_space<smem>>
    %get3A_554 = arith.constant 0 : index
    %get3A_555 = arith.constant 8 : index
    %get3A_556 = arith.constant 2 : index
    %get3A_557 = memref.load %arg1[%get3A_554, %get3A_555, %get3A_556] : memref<1x24x4xf32, #tpu.memory_space<smem>>
    %get3A_558 = arith.constant 0 : index
    %get3A_559 = arith.constant 8 : index
    %get3A_560 = arith.constant 3 : index
    %get3A_561 = memref.load %arg1[%get3A_558, %get3A_559, %get3A_560] : memref<1x24x4xf32, #tpu.memory_space<smem>>
    %get3A_562 = arith.constant 0 : index
    %get3A_563 = arith.constant 0 : index
    %get3A_564 = arith.constant 8 : index
    %get3A_565 = memref.load %arg2[%get3A_562, %get3A_563, %get3A_564] : memref<1x1x24xi32, #tpu.memory_space<smem>>
    %sub3A_566 = arith.subf %get3A_557, %get3A_549 : f32
    %sub3A_567 = arith.subf %get3A_561, %get3A_553 : f32
    %mul3A_568 = arith.mulf %sub3A_566, %sub3A_567 : f32
    %min3A_569 = vector.broadcast %get3A_557 : f32 to vector<192x128xf32>
    %min3A_570 = arith.minimumf %min3A_569, %add3A : vector<192x128xf32>
    %max3A_571 = vector.broadcast %get3A_549 : f32 to vector<192x128xf32>
    %max3A_572 = arith.maximumf %max3A_571, %sub3A : vector<192x128xf32>
    %sub3A_573 = arith.subf %min3A_570, %max3A_572 : vector<192x128xf32>
    %max3A_574 = arith.constant 0.000000e+00 : f32
    %max3A_575 = vector.broadcast %max3A_574 : f32 to vector<192x128xf32>
    %max3A_576 = arith.maximumf %sub3A_573, %max3A_575 : vector<192x128xf32>
    %min3A_577 = vector.broadcast %get3A_561 : f32 to vector<192x128xf32>
    %min3A_578 = arith.minimumf %min3A_577, %add3A_31 : vector<192x128xf32>
    %max3A_579 = vector.broadcast %get3A_553 : f32 to vector<192x128xf32>
    %max3A_580 = arith.maximumf %max3A_579, %sub3A_24 : vector<192x128xf32>
    %sub3A_581 = arith.subf %min3A_578, %max3A_580 : vector<192x128xf32>
    %max3A_582 = arith.constant 0.000000e+00 : f32
    %max3A_583 = vector.broadcast %max3A_582 : f32 to vector<192x128xf32>
    %max3A_584 = arith.maximumf %sub3A_581, %max3A_583 : vector<192x128xf32>
    %mul3A_585 = arith.mulf %max3A_576, %max3A_584 : vector<192x128xf32>
    %add3A_586 = vector.broadcast %mul3A_568 : f32 to vector<192x128xf32>
    %add3A_587 = arith.addf %add3A_586, %mul3A_34 : vector<192x128xf32>
    %sub3A_588 = arith.subf %add3A_587, %mul3A_585 : vector<192x128xf32>
    %div3A_589 = arith.divf %mul3A_585, %sub3A_588 : vector<192x128xf32>
    %gt3A_590 = arith.cmpf ogt, %div3A_589, %select_n3A_527 : vector<192x128xf32>
    %select_n3A_591 = arith.select %gt3A_590, %div3A_589, %select_n3A_527 : vector<192x128xi1>, vector<192x128xf32>
    %jit3A_592 = arith.constant 8 : i32
    %broadcast_in_dim3A_593 = vector.broadcast %jit3A_592 : i32 to vector<192x128xi32>
    %select_n3A_594 = arith.select %gt3A_590, %broadcast_in_dim3A_593, %select_n3A_530 : vector<192x128xi1>, vector<192x128xi32>
    %reduce_max3A_595 = vector.shape_cast %div3A_589 : vector<192x128xf32> to vector<1x192x128xf32>
    %reduce_max3A_596 = arith.constant dense<0xFF800000> : vector<1xf32>
    %reduce_max3A_597 = vector.multi_reduction <maximumf>, %reduce_max3A_595, %reduce_max3A_596 [1, 2] : vector<1x192x128xf32> to vector<1xf32>
    %reduce_max3A_598 = vector.shape_cast %reduce_max3A_597 : vector<1xf32> to vector<1x1x1xf32>
    %reduce_max3A_599 = vector.extract %reduce_max3A_598[0, 0, 0] : f32 from vector<1x1x1xf32>
    %eq3A_600 = vector.broadcast %reduce_max3A_599 : f32 to vector<192x128xf32>
    %eq3A_601 = arith.cmpf oeq, %div3A_589, %eq3A_600 : vector<192x128xf32>
    %jit3A_602 = arith.constant 24576 : i32
    %broadcast_in_dim3A_603 = vector.broadcast %jit3A_602 : i32 to vector<192x128xi32>
    %select_n3A_604 = arith.select %eq3A_601, %add3A_39, %broadcast_in_dim3A_603 : vector<192x128xi1>, vector<192x128xi32>
    %reduce_min3A_605 = vector.shape_cast %select_n3A_604 : vector<192x128xi32> to vector<1x192x128xi32>
    %reduce_min3A_606 = arith.constant dense<2147483647> : vector<1xi32>
    %reduce_min3A_607 = vector.multi_reduction <minsi>, %reduce_min3A_605, %reduce_min3A_606 [1, 2] : vector<1x192x128xi32> to vector<1xi32>
    %reduce_min3A_608 = vector.shape_cast %reduce_min3A_607 : vector<1xi32> to vector<1x1x1xi32>
    %reduce_min3A_609 = vector.extract %reduce_min3A_608[0, 0, 0] : i32 from vector<1x1x1xi32>
    %get3A_610 = arith.constant 0 : index
    %get3A_611 = arith.constant 9 : index
    %get3A_612 = arith.constant 0 : index
    %get3A_613 = memref.load %arg1[%get3A_610, %get3A_611, %get3A_612] : memref<1x24x4xf32, #tpu.memory_space<smem>>
    %get3A_614 = arith.constant 0 : index
    %get3A_615 = arith.constant 9 : index
    %get3A_616 = arith.constant 1 : index
    %get3A_617 = memref.load %arg1[%get3A_614, %get3A_615, %get3A_616] : memref<1x24x4xf32, #tpu.memory_space<smem>>
    %get3A_618 = arith.constant 0 : index
    %get3A_619 = arith.constant 9 : index
    %get3A_620 = arith.constant 2 : index
    %get3A_621 = memref.load %arg1[%get3A_618, %get3A_619, %get3A_620] : memref<1x24x4xf32, #tpu.memory_space<smem>>
    %get3A_622 = arith.constant 0 : index
    %get3A_623 = arith.constant 9 : index
    %get3A_624 = arith.constant 3 : index
    %get3A_625 = memref.load %arg1[%get3A_622, %get3A_623, %get3A_624] : memref<1x24x4xf32, #tpu.memory_space<smem>>
    %get3A_626 = arith.constant 0 : index
    %get3A_627 = arith.constant 0 : index
    %get3A_628 = arith.constant 9 : index
    %get3A_629 = memref.load %arg2[%get3A_626, %get3A_627, %get3A_628] : memref<1x1x24xi32, #tpu.memory_space<smem>>
    %sub3A_630 = arith.subf %get3A_621, %get3A_613 : f32
    %sub3A_631 = arith.subf %get3A_625, %get3A_617 : f32
    %mul3A_632 = arith.mulf %sub3A_630, %sub3A_631 : f32
    %min3A_633 = vector.broadcast %get3A_621 : f32 to vector<192x128xf32>
    %min3A_634 = arith.minimumf %min3A_633, %add3A : vector<192x128xf32>
    %max3A_635 = vector.broadcast %get3A_613 : f32 to vector<192x128xf32>
    %max3A_636 = arith.maximumf %max3A_635, %sub3A : vector<192x128xf32>
    %sub3A_637 = arith.subf %min3A_634, %max3A_636 : vector<192x128xf32>
    %max3A_638 = arith.constant 0.000000e+00 : f32
    %max3A_639 = vector.broadcast %max3A_638 : f32 to vector<192x128xf32>
    %max3A_640 = arith.maximumf %sub3A_637, %max3A_639 : vector<192x128xf32>
    %min3A_641 = vector.broadcast %get3A_625 : f32 to vector<192x128xf32>
    %min3A_642 = arith.minimumf %min3A_641, %add3A_31 : vector<192x128xf32>
    %max3A_643 = vector.broadcast %get3A_617 : f32 to vector<192x128xf32>
    %max3A_644 = arith.maximumf %max3A_643, %sub3A_24 : vector<192x128xf32>
    %sub3A_645 = arith.subf %min3A_642, %max3A_644 : vector<192x128xf32>
    %max3A_646 = arith.constant 0.000000e+00 : f32
    %max3A_647 = vector.broadcast %max3A_646 : f32 to vector<192x128xf32>
    %max3A_648 = arith.maximumf %sub3A_645, %max3A_647 : vector<192x128xf32>
    %mul3A_649 = arith.mulf %max3A_640, %max3A_648 : vector<192x128xf32>
    %add3A_650 = vector.broadcast %mul3A_632 : f32 to vector<192x128xf32>
    %add3A_651 = arith.addf %add3A_650, %mul3A_34 : vector<192x128xf32>
    %sub3A_652 = arith.subf %add3A_651, %mul3A_649 : vector<192x128xf32>
    %div3A_653 = arith.divf %mul3A_649, %sub3A_652 : vector<192x128xf32>
    %gt3A_654 = arith.cmpf ogt, %div3A_653, %select_n3A_591 : vector<192x128xf32>
    %select_n3A_655 = arith.select %gt3A_654, %div3A_653, %select_n3A_591 : vector<192x128xi1>, vector<192x128xf32>
    %jit3A_656 = arith.constant 9 : i32
    %broadcast_in_dim3A_657 = vector.broadcast %jit3A_656 : i32 to vector<192x128xi32>
    %select_n3A_658 = arith.select %gt3A_654, %broadcast_in_dim3A_657, %select_n3A_594 : vector<192x128xi1>, vector<192x128xi32>
    %reduce_max3A_659 = vector.shape_cast %div3A_653 : vector<192x128xf32> to vector<1x192x128xf32>
    %reduce_max3A_660 = arith.constant dense<0xFF800000> : vector<1xf32>
    %reduce_max3A_661 = vector.multi_reduction <maximumf>, %reduce_max3A_659, %reduce_max3A_660 [1, 2] : vector<1x192x128xf32> to vector<1xf32>
    %reduce_max3A_662 = vector.shape_cast %reduce_max3A_661 : vector<1xf32> to vector<1x1x1xf32>
    %reduce_max3A_663 = vector.extract %reduce_max3A_662[0, 0, 0] : f32 from vector<1x1x1xf32>
    %eq3A_664 = vector.broadcast %reduce_max3A_663 : f32 to vector<192x128xf32>
    %eq3A_665 = arith.cmpf oeq, %div3A_653, %eq3A_664 : vector<192x128xf32>
    %jit3A_666 = arith.constant 24576 : i32
    %broadcast_in_dim3A_667 = vector.broadcast %jit3A_666 : i32 to vector<192x128xi32>
    %select_n3A_668 = arith.select %eq3A_665, %add3A_39, %broadcast_in_dim3A_667 : vector<192x128xi1>, vector<192x128xi32>
    %reduce_min3A_669 = vector.shape_cast %select_n3A_668 : vector<192x128xi32> to vector<1x192x128xi32>
    %reduce_min3A_670 = arith.constant dense<2147483647> : vector<1xi32>
    %reduce_min3A_671 = vector.multi_reduction <minsi>, %reduce_min3A_669, %reduce_min3A_670 [1, 2] : vector<1x192x128xi32> to vector<1xi32>
    %reduce_min3A_672 = vector.shape_cast %reduce_min3A_671 : vector<1xi32> to vector<1x1x1xi32>
    %reduce_min3A_673 = vector.extract %reduce_min3A_672[0, 0, 0] : i32 from vector<1x1x1xi32>
    %get3A_674 = arith.constant 0 : index
    %get3A_675 = arith.constant 10 : index
    %get3A_676 = arith.constant 0 : index
    %get3A_677 = memref.load %arg1[%get3A_674, %get3A_675, %get3A_676] : memref<1x24x4xf32, #tpu.memory_space<smem>>
    %get3A_678 = arith.constant 0 : index
    %get3A_679 = arith.constant 10 : index
    %get3A_680 = arith.constant 1 : index
    %get3A_681 = memref.load %arg1[%get3A_678, %get3A_679, %get3A_680] : memref<1x24x4xf32, #tpu.memory_space<smem>>
    %get3A_682 = arith.constant 0 : index
    %get3A_683 = arith.constant 10 : index
    %get3A_684 = arith.constant 2 : index
    %get3A_685 = memref.load %arg1[%get3A_682, %get3A_683, %get3A_684] : memref<1x24x4xf32, #tpu.memory_space<smem>>
    %get3A_686 = arith.constant 0 : index
    %get3A_687 = arith.constant 10 : index
    %get3A_688 = arith.constant 3 : index
    %get3A_689 = memref.load %arg1[%get3A_686, %get3A_687, %get3A_688] : memref<1x24x4xf32, #tpu.memory_space<smem>>
    %get3A_690 = arith.constant 0 : index
    %get3A_691 = arith.constant 0 : index
    %get3A_692 = arith.constant 10 : index
    %get3A_693 = memref.load %arg2[%get3A_690, %get3A_691, %get3A_692] : memref<1x1x24xi32, #tpu.memory_space<smem>>
    %sub3A_694 = arith.subf %get3A_685, %get3A_677 : f32
    %sub3A_695 = arith.subf %get3A_689, %get3A_681 : f32
    %mul3A_696 = arith.mulf %sub3A_694, %sub3A_695 : f32
    %min3A_697 = vector.broadcast %get3A_685 : f32 to vector<192x128xf32>
    %min3A_698 = arith.minimumf %min3A_697, %add3A : vector<192x128xf32>
    %max3A_699 = vector.broadcast %get3A_677 : f32 to vector<192x128xf32>
    %max3A_700 = arith.maximumf %max3A_699, %sub3A : vector<192x128xf32>
    %sub3A_701 = arith.subf %min3A_698, %max3A_700 : vector<192x128xf32>
    %max3A_702 = arith.constant 0.000000e+00 : f32
    %max3A_703 = vector.broadcast %max3A_702 : f32 to vector<192x128xf32>
    %max3A_704 = arith.maximumf %sub3A_701, %max3A_703 : vector<192x128xf32>
    %min3A_705 = vector.broadcast %get3A_689 : f32 to vector<192x128xf32>
    %min3A_706 = arith.minimumf %min3A_705, %add3A_31 : vector<192x128xf32>
    %max3A_707 = vector.broadcast %get3A_681 : f32 to vector<192x128xf32>
    %max3A_708 = arith.maximumf %max3A_707, %sub3A_24 : vector<192x128xf32>
    %sub3A_709 = arith.subf %min3A_706, %max3A_708 : vector<192x128xf32>
    %max3A_710 = arith.constant 0.000000e+00 : f32
    %max3A_711 = vector.broadcast %max3A_710 : f32 to vector<192x128xf32>
    %max3A_712 = arith.maximumf %sub3A_709, %max3A_711 : vector<192x128xf32>
    %mul3A_713 = arith.mulf %max3A_704, %max3A_712 : vector<192x128xf32>
    %add3A_714 = vector.broadcast %mul3A_696 : f32 to vector<192x128xf32>
    %add3A_715 = arith.addf %add3A_714, %mul3A_34 : vector<192x128xf32>
    %sub3A_716 = arith.subf %add3A_715, %mul3A_713 : vector<192x128xf32>
    %div3A_717 = arith.divf %mul3A_713, %sub3A_716 : vector<192x128xf32>
    %gt3A_718 = arith.cmpf ogt, %div3A_717, %select_n3A_655 : vector<192x128xf32>
    %select_n3A_719 = arith.select %gt3A_718, %div3A_717, %select_n3A_655 : vector<192x128xi1>, vector<192x128xf32>
    %jit3A_720 = arith.constant 10 : i32
    %broadcast_in_dim3A_721 = vector.broadcast %jit3A_720 : i32 to vector<192x128xi32>
    %select_n3A_722 = arith.select %gt3A_718, %broadcast_in_dim3A_721, %select_n3A_658 : vector<192x128xi1>, vector<192x128xi32>
    %reduce_max3A_723 = vector.shape_cast %div3A_717 : vector<192x128xf32> to vector<1x192x128xf32>
    %reduce_max3A_724 = arith.constant dense<0xFF800000> : vector<1xf32>
    %reduce_max3A_725 = vector.multi_reduction <maximumf>, %reduce_max3A_723, %reduce_max3A_724 [1, 2] : vector<1x192x128xf32> to vector<1xf32>
    %reduce_max3A_726 = vector.shape_cast %reduce_max3A_725 : vector<1xf32> to vector<1x1x1xf32>
    %reduce_max3A_727 = vector.extract %reduce_max3A_726[0, 0, 0] : f32 from vector<1x1x1xf32>
    %eq3A_728 = vector.broadcast %reduce_max3A_727 : f32 to vector<192x128xf32>
    %eq3A_729 = arith.cmpf oeq, %div3A_717, %eq3A_728 : vector<192x128xf32>
    %jit3A_730 = arith.constant 24576 : i32
    %broadcast_in_dim3A_731 = vector.broadcast %jit3A_730 : i32 to vector<192x128xi32>
    %select_n3A_732 = arith.select %eq3A_729, %add3A_39, %broadcast_in_dim3A_731 : vector<192x128xi1>, vector<192x128xi32>
    %reduce_min3A_733 = vector.shape_cast %select_n3A_732 : vector<192x128xi32> to vector<1x192x128xi32>
    %reduce_min3A_734 = arith.constant dense<2147483647> : vector<1xi32>
    %reduce_min3A_735 = vector.multi_reduction <minsi>, %reduce_min3A_733, %reduce_min3A_734 [1, 2] : vector<1x192x128xi32> to vector<1xi32>
    %reduce_min3A_736 = vector.shape_cast %reduce_min3A_735 : vector<1xi32> to vector<1x1x1xi32>
    %reduce_min3A_737 = vector.extract %reduce_min3A_736[0, 0, 0] : i32 from vector<1x1x1xi32>
    %get3A_738 = arith.constant 0 : index
    %get3A_739 = arith.constant 11 : index
    %get3A_740 = arith.constant 0 : index
    %get3A_741 = memref.load %arg1[%get3A_738, %get3A_739, %get3A_740] : memref<1x24x4xf32, #tpu.memory_space<smem>>
    %get3A_742 = arith.constant 0 : index
    %get3A_743 = arith.constant 11 : index
    %get3A_744 = arith.constant 1 : index
    %get3A_745 = memref.load %arg1[%get3A_742, %get3A_743, %get3A_744] : memref<1x24x4xf32, #tpu.memory_space<smem>>
    %get3A_746 = arith.constant 0 : index
    %get3A_747 = arith.constant 11 : index
    %get3A_748 = arith.constant 2 : index
    %get3A_749 = memref.load %arg1[%get3A_746, %get3A_747, %get3A_748] : memref<1x24x4xf32, #tpu.memory_space<smem>>
    %get3A_750 = arith.constant 0 : index
    %get3A_751 = arith.constant 11 : index
    %get3A_752 = arith.constant 3 : index
    %get3A_753 = memref.load %arg1[%get3A_750, %get3A_751, %get3A_752] : memref<1x24x4xf32, #tpu.memory_space<smem>>
    %get3A_754 = arith.constant 0 : index
    %get3A_755 = arith.constant 0 : index
    %get3A_756 = arith.constant 11 : index
    %get3A_757 = memref.load %arg2[%get3A_754, %get3A_755, %get3A_756] : memref<1x1x24xi32, #tpu.memory_space<smem>>
    %sub3A_758 = arith.subf %get3A_749, %get3A_741 : f32
    %sub3A_759 = arith.subf %get3A_753, %get3A_745 : f32
    %mul3A_760 = arith.mulf %sub3A_758, %sub3A_759 : f32
    %min3A_761 = vector.broadcast %get3A_749 : f32 to vector<192x128xf32>
    %min3A_762 = arith.minimumf %min3A_761, %add3A : vector<192x128xf32>
    %max3A_763 = vector.broadcast %get3A_741 : f32 to vector<192x128xf32>
    %max3A_764 = arith.maximumf %max3A_763, %sub3A : vector<192x128xf32>
    %sub3A_765 = arith.subf %min3A_762, %max3A_764 : vector<192x128xf32>
    %max3A_766 = arith.constant 0.000000e+00 : f32
    %max3A_767 = vector.broadcast %max3A_766 : f32 to vector<192x128xf32>
    %max3A_768 = arith.maximumf %sub3A_765, %max3A_767 : vector<192x128xf32>
    %min3A_769 = vector.broadcast %get3A_753 : f32 to vector<192x128xf32>
    %min3A_770 = arith.minimumf %min3A_769, %add3A_31 : vector<192x128xf32>
    %max3A_771 = vector.broadcast %get3A_745 : f32 to vector<192x128xf32>
    %max3A_772 = arith.maximumf %max3A_771, %sub3A_24 : vector<192x128xf32>
    %sub3A_773 = arith.subf %min3A_770, %max3A_772 : vector<192x128xf32>
    %max3A_774 = arith.constant 0.000000e+00 : f32
    %max3A_775 = vector.broadcast %max3A_774 : f32 to vector<192x128xf32>
    %max3A_776 = arith.maximumf %sub3A_773, %max3A_775 : vector<192x128xf32>
    %mul3A_777 = arith.mulf %max3A_768, %max3A_776 : vector<192x128xf32>
    %add3A_778 = vector.broadcast %mul3A_760 : f32 to vector<192x128xf32>
    %add3A_779 = arith.addf %add3A_778, %mul3A_34 : vector<192x128xf32>
    %sub3A_780 = arith.subf %add3A_779, %mul3A_777 : vector<192x128xf32>
    %div3A_781 = arith.divf %mul3A_777, %sub3A_780 : vector<192x128xf32>
    %gt3A_782 = arith.cmpf ogt, %div3A_781, %select_n3A_719 : vector<192x128xf32>
    %select_n3A_783 = arith.select %gt3A_782, %div3A_781, %select_n3A_719 : vector<192x128xi1>, vector<192x128xf32>
    %jit3A_784 = arith.constant 11 : i32
    %broadcast_in_dim3A_785 = vector.broadcast %jit3A_784 : i32 to vector<192x128xi32>
    %select_n3A_786 = arith.select %gt3A_782, %broadcast_in_dim3A_785, %select_n3A_722 : vector<192x128xi1>, vector<192x128xi32>
    %reduce_max3A_787 = vector.shape_cast %div3A_781 : vector<192x128xf32> to vector<1x192x128xf32>
    %reduce_max3A_788 = arith.constant dense<0xFF800000> : vector<1xf32>
    %reduce_max3A_789 = vector.multi_reduction <maximumf>, %reduce_max3A_787, %reduce_max3A_788 [1, 2] : vector<1x192x128xf32> to vector<1xf32>
    %reduce_max3A_790 = vector.shape_cast %reduce_max3A_789 : vector<1xf32> to vector<1x1x1xf32>
    %reduce_max3A_791 = vector.extract %reduce_max3A_790[0, 0, 0] : f32 from vector<1x1x1xf32>
    %eq3A_792 = vector.broadcast %reduce_max3A_791 : f32 to vector<192x128xf32>
    %eq3A_793 = arith.cmpf oeq, %div3A_781, %eq3A_792 : vector<192x128xf32>
    %jit3A_794 = arith.constant 24576 : i32
    %broadcast_in_dim3A_795 = vector.broadcast %jit3A_794 : i32 to vector<192x128xi32>
    %select_n3A_796 = arith.select %eq3A_793, %add3A_39, %broadcast_in_dim3A_795 : vector<192x128xi1>, vector<192x128xi32>
    %reduce_min3A_797 = vector.shape_cast %select_n3A_796 : vector<192x128xi32> to vector<1x192x128xi32>
    %reduce_min3A_798 = arith.constant dense<2147483647> : vector<1xi32>
    %reduce_min3A_799 = vector.multi_reduction <minsi>, %reduce_min3A_797, %reduce_min3A_798 [1, 2] : vector<1x192x128xi32> to vector<1xi32>
    %reduce_min3A_800 = vector.shape_cast %reduce_min3A_799 : vector<1xi32> to vector<1x1x1xi32>
    %reduce_min3A_801 = vector.extract %reduce_min3A_800[0, 0, 0] : i32 from vector<1x1x1xi32>
    %get3A_802 = arith.constant 0 : index
    %get3A_803 = arith.constant 12 : index
    %get3A_804 = arith.constant 0 : index
    %get3A_805 = memref.load %arg1[%get3A_802, %get3A_803, %get3A_804] : memref<1x24x4xf32, #tpu.memory_space<smem>>
    %get3A_806 = arith.constant 0 : index
    %get3A_807 = arith.constant 12 : index
    %get3A_808 = arith.constant 1 : index
    %get3A_809 = memref.load %arg1[%get3A_806, %get3A_807, %get3A_808] : memref<1x24x4xf32, #tpu.memory_space<smem>>
    %get3A_810 = arith.constant 0 : index
    %get3A_811 = arith.constant 12 : index
    %get3A_812 = arith.constant 2 : index
    %get3A_813 = memref.load %arg1[%get3A_810, %get3A_811, %get3A_812] : memref<1x24x4xf32, #tpu.memory_space<smem>>
    %get3A_814 = arith.constant 0 : index
    %get3A_815 = arith.constant 12 : index
    %get3A_816 = arith.constant 3 : index
    %get3A_817 = memref.load %arg1[%get3A_814, %get3A_815, %get3A_816] : memref<1x24x4xf32, #tpu.memory_space<smem>>
    %get3A_818 = arith.constant 0 : index
    %get3A_819 = arith.constant 0 : index
    %get3A_820 = arith.constant 12 : index
    %get3A_821 = memref.load %arg2[%get3A_818, %get3A_819, %get3A_820] : memref<1x1x24xi32, #tpu.memory_space<smem>>
    %sub3A_822 = arith.subf %get3A_813, %get3A_805 : f32
    %sub3A_823 = arith.subf %get3A_817, %get3A_809 : f32
    %mul3A_824 = arith.mulf %sub3A_822, %sub3A_823 : f32
    %min3A_825 = vector.broadcast %get3A_813 : f32 to vector<192x128xf32>
    %min3A_826 = arith.minimumf %min3A_825, %add3A : vector<192x128xf32>
    %max3A_827 = vector.broadcast %get3A_805 : f32 to vector<192x128xf32>
    %max3A_828 = arith.maximumf %max3A_827, %sub3A : vector<192x128xf32>
    %sub3A_829 = arith.subf %min3A_826, %max3A_828 : vector<192x128xf32>
    %max3A_830 = arith.constant 0.000000e+00 : f32
    %max3A_831 = vector.broadcast %max3A_830 : f32 to vector<192x128xf32>
    %max3A_832 = arith.maximumf %sub3A_829, %max3A_831 : vector<192x128xf32>
    %min3A_833 = vector.broadcast %get3A_817 : f32 to vector<192x128xf32>
    %min3A_834 = arith.minimumf %min3A_833, %add3A_31 : vector<192x128xf32>
    %max3A_835 = vector.broadcast %get3A_809 : f32 to vector<192x128xf32>
    %max3A_836 = arith.maximumf %max3A_835, %sub3A_24 : vector<192x128xf32>
    %sub3A_837 = arith.subf %min3A_834, %max3A_836 : vector<192x128xf32>
    %max3A_838 = arith.constant 0.000000e+00 : f32
    %max3A_839 = vector.broadcast %max3A_838 : f32 to vector<192x128xf32>
    %max3A_840 = arith.maximumf %sub3A_837, %max3A_839 : vector<192x128xf32>
    %mul3A_841 = arith.mulf %max3A_832, %max3A_840 : vector<192x128xf32>
    %add3A_842 = vector.broadcast %mul3A_824 : f32 to vector<192x128xf32>
    %add3A_843 = arith.addf %add3A_842, %mul3A_34 : vector<192x128xf32>
    %sub3A_844 = arith.subf %add3A_843, %mul3A_841 : vector<192x128xf32>
    %div3A_845 = arith.divf %mul3A_841, %sub3A_844 : vector<192x128xf32>
    %gt3A_846 = arith.cmpf ogt, %div3A_845, %select_n3A_783 : vector<192x128xf32>
    %select_n3A_847 = arith.select %gt3A_846, %div3A_845, %select_n3A_783 : vector<192x128xi1>, vector<192x128xf32>
    %jit3A_848 = arith.constant 12 : i32
    %broadcast_in_dim3A_849 = vector.broadcast %jit3A_848 : i32 to vector<192x128xi32>
    %select_n3A_850 = arith.select %gt3A_846, %broadcast_in_dim3A_849, %select_n3A_786 : vector<192x128xi1>, vector<192x128xi32>
    %reduce_max3A_851 = vector.shape_cast %div3A_845 : vector<192x128xf32> to vector<1x192x128xf32>
    %reduce_max3A_852 = arith.constant dense<0xFF800000> : vector<1xf32>
    %reduce_max3A_853 = vector.multi_reduction <maximumf>, %reduce_max3A_851, %reduce_max3A_852 [1, 2] : vector<1x192x128xf32> to vector<1xf32>
    %reduce_max3A_854 = vector.shape_cast %reduce_max3A_853 : vector<1xf32> to vector<1x1x1xf32>
    %reduce_max3A_855 = vector.extract %reduce_max3A_854[0, 0, 0] : f32 from vector<1x1x1xf32>
    %eq3A_856 = vector.broadcast %reduce_max3A_855 : f32 to vector<192x128xf32>
    %eq3A_857 = arith.cmpf oeq, %div3A_845, %eq3A_856 : vector<192x128xf32>
    %jit3A_858 = arith.constant 24576 : i32
    %broadcast_in_dim3A_859 = vector.broadcast %jit3A_858 : i32 to vector<192x128xi32>
    %select_n3A_860 = arith.select %eq3A_857, %add3A_39, %broadcast_in_dim3A_859 : vector<192x128xi1>, vector<192x128xi32>
    %reduce_min3A_861 = vector.shape_cast %select_n3A_860 : vector<192x128xi32> to vector<1x192x128xi32>
    %reduce_min3A_862 = arith.constant dense<2147483647> : vector<1xi32>
    %reduce_min3A_863 = vector.multi_reduction <minsi>, %reduce_min3A_861, %reduce_min3A_862 [1, 2] : vector<1x192x128xi32> to vector<1xi32>
    %reduce_min3A_864 = vector.shape_cast %reduce_min3A_863 : vector<1xi32> to vector<1x1x1xi32>
    %reduce_min3A_865 = vector.extract %reduce_min3A_864[0, 0, 0] : i32 from vector<1x1x1xi32>
    %get3A_866 = arith.constant 0 : index
    %get3A_867 = arith.constant 13 : index
    %get3A_868 = arith.constant 0 : index
    %get3A_869 = memref.load %arg1[%get3A_866, %get3A_867, %get3A_868] : memref<1x24x4xf32, #tpu.memory_space<smem>>
    %get3A_870 = arith.constant 0 : index
    %get3A_871 = arith.constant 13 : index
    %get3A_872 = arith.constant 1 : index
    %get3A_873 = memref.load %arg1[%get3A_870, %get3A_871, %get3A_872] : memref<1x24x4xf32, #tpu.memory_space<smem>>
    %get3A_874 = arith.constant 0 : index
    %get3A_875 = arith.constant 13 : index
    %get3A_876 = arith.constant 2 : index
    %get3A_877 = memref.load %arg1[%get3A_874, %get3A_875, %get3A_876] : memref<1x24x4xf32, #tpu.memory_space<smem>>
    %get3A_878 = arith.constant 0 : index
    %get3A_879 = arith.constant 13 : index
    %get3A_880 = arith.constant 3 : index
    %get3A_881 = memref.load %arg1[%get3A_878, %get3A_879, %get3A_880] : memref<1x24x4xf32, #tpu.memory_space<smem>>
    %get3A_882 = arith.constant 0 : index
    %get3A_883 = arith.constant 0 : index
    %get3A_884 = arith.constant 13 : index
    %get3A_885 = memref.load %arg2[%get3A_882, %get3A_883, %get3A_884] : memref<1x1x24xi32, #tpu.memory_space<smem>>
    %sub3A_886 = arith.subf %get3A_877, %get3A_869 : f32
    %sub3A_887 = arith.subf %get3A_881, %get3A_873 : f32
    %mul3A_888 = arith.mulf %sub3A_886, %sub3A_887 : f32
    %min3A_889 = vector.broadcast %get3A_877 : f32 to vector<192x128xf32>
    %min3A_890 = arith.minimumf %min3A_889, %add3A : vector<192x128xf32>
    %max3A_891 = vector.broadcast %get3A_869 : f32 to vector<192x128xf32>
    %max3A_892 = arith.maximumf %max3A_891, %sub3A : vector<192x128xf32>
    %sub3A_893 = arith.subf %min3A_890, %max3A_892 : vector<192x128xf32>
    %max3A_894 = arith.constant 0.000000e+00 : f32
    %max3A_895 = vector.broadcast %max3A_894 : f32 to vector<192x128xf32>
    %max3A_896 = arith.maximumf %sub3A_893, %max3A_895 : vector<192x128xf32>
    %min3A_897 = vector.broadcast %get3A_881 : f32 to vector<192x128xf32>
    %min3A_898 = arith.minimumf %min3A_897, %add3A_31 : vector<192x128xf32>
    %max3A_899 = vector.broadcast %get3A_873 : f32 to vector<192x128xf32>
    %max3A_900 = arith.maximumf %max3A_899, %sub3A_24 : vector<192x128xf32>
    %sub3A_901 = arith.subf %min3A_898, %max3A_900 : vector<192x128xf32>
    %max3A_902 = arith.constant 0.000000e+00 : f32
    %max3A_903 = vector.broadcast %max3A_902 : f32 to vector<192x128xf32>
    %max3A_904 = arith.maximumf %sub3A_901, %max3A_903 : vector<192x128xf32>
    %mul3A_905 = arith.mulf %max3A_896, %max3A_904 : vector<192x128xf32>
    %add3A_906 = vector.broadcast %mul3A_888 : f32 to vector<192x128xf32>
    %add3A_907 = arith.addf %add3A_906, %mul3A_34 : vector<192x128xf32>
    %sub3A_908 = arith.subf %add3A_907, %mul3A_905 : vector<192x128xf32>
    %div3A_909 = arith.divf %mul3A_905, %sub3A_908 : vector<192x128xf32>
    %gt3A_910 = arith.cmpf ogt, %div3A_909, %select_n3A_847 : vector<192x128xf32>
    %select_n3A_911 = arith.select %gt3A_910, %div3A_909, %select_n3A_847 : vector<192x128xi1>, vector<192x128xf32>
    %jit3A_912 = arith.constant 13 : i32
    %broadcast_in_dim3A_913 = vector.broadcast %jit3A_912 : i32 to vector<192x128xi32>
    %select_n3A_914 = arith.select %gt3A_910, %broadcast_in_dim3A_913, %select_n3A_850 : vector<192x128xi1>, vector<192x128xi32>
    %reduce_max3A_915 = vector.shape_cast %div3A_909 : vector<192x128xf32> to vector<1x192x128xf32>
    %reduce_max3A_916 = arith.constant dense<0xFF800000> : vector<1xf32>
    %reduce_max3A_917 = vector.multi_reduction <maximumf>, %reduce_max3A_915, %reduce_max3A_916 [1, 2] : vector<1x192x128xf32> to vector<1xf32>
    %reduce_max3A_918 = vector.shape_cast %reduce_max3A_917 : vector<1xf32> to vector<1x1x1xf32>
    %reduce_max3A_919 = vector.extract %reduce_max3A_918[0, 0, 0] : f32 from vector<1x1x1xf32>
    %eq3A_920 = vector.broadcast %reduce_max3A_919 : f32 to vector<192x128xf32>
    %eq3A_921 = arith.cmpf oeq, %div3A_909, %eq3A_920 : vector<192x128xf32>
    %jit3A_922 = arith.constant 24576 : i32
    %broadcast_in_dim3A_923 = vector.broadcast %jit3A_922 : i32 to vector<192x128xi32>
    %select_n3A_924 = arith.select %eq3A_921, %add3A_39, %broadcast_in_dim3A_923 : vector<192x128xi1>, vector<192x128xi32>
    %reduce_min3A_925 = vector.shape_cast %select_n3A_924 : vector<192x128xi32> to vector<1x192x128xi32>
    %reduce_min3A_926 = arith.constant dense<2147483647> : vector<1xi32>
    %reduce_min3A_927 = vector.multi_reduction <minsi>, %reduce_min3A_925, %reduce_min3A_926 [1, 2] : vector<1x192x128xi32> to vector<1xi32>
    %reduce_min3A_928 = vector.shape_cast %reduce_min3A_927 : vector<1xi32> to vector<1x1x1xi32>
    %reduce_min3A_929 = vector.extract %reduce_min3A_928[0, 0, 0] : i32 from vector<1x1x1xi32>
    %get3A_930 = arith.constant 0 : index
    %get3A_931 = arith.constant 14 : index
    %get3A_932 = arith.constant 0 : index
    %get3A_933 = memref.load %arg1[%get3A_930, %get3A_931, %get3A_932] : memref<1x24x4xf32, #tpu.memory_space<smem>>
    %get3A_934 = arith.constant 0 : index
    %get3A_935 = arith.constant 14 : index
    %get3A_936 = arith.constant 1 : index
    %get3A_937 = memref.load %arg1[%get3A_934, %get3A_935, %get3A_936] : memref<1x24x4xf32, #tpu.memory_space<smem>>
    %get3A_938 = arith.constant 0 : index
    %get3A_939 = arith.constant 14 : index
    %get3A_940 = arith.constant 2 : index
    %get3A_941 = memref.load %arg1[%get3A_938, %get3A_939, %get3A_940] : memref<1x24x4xf32, #tpu.memory_space<smem>>
    %get3A_942 = arith.constant 0 : index
    %get3A_943 = arith.constant 14 : index
    %get3A_944 = arith.constant 3 : index
    %get3A_945 = memref.load %arg1[%get3A_942, %get3A_943, %get3A_944] : memref<1x24x4xf32, #tpu.memory_space<smem>>
    %get3A_946 = arith.constant 0 : index
    %get3A_947 = arith.constant 0 : index
    %get3A_948 = arith.constant 14 : index
    %get3A_949 = memref.load %arg2[%get3A_946, %get3A_947, %get3A_948] : memref<1x1x24xi32, #tpu.memory_space<smem>>
    %sub3A_950 = arith.subf %get3A_941, %get3A_933 : f32
    %sub3A_951 = arith.subf %get3A_945, %get3A_937 : f32
    %mul3A_952 = arith.mulf %sub3A_950, %sub3A_951 : f32
    %min3A_953 = vector.broadcast %get3A_941 : f32 to vector<192x128xf32>
    %min3A_954 = arith.minimumf %min3A_953, %add3A : vector<192x128xf32>
    %max3A_955 = vector.broadcast %get3A_933 : f32 to vector<192x128xf32>
    %max3A_956 = arith.maximumf %max3A_955, %sub3A : vector<192x128xf32>
    %sub3A_957 = arith.subf %min3A_954, %max3A_956 : vector<192x128xf32>
    %max3A_958 = arith.constant 0.000000e+00 : f32
    %max3A_959 = vector.broadcast %max3A_958 : f32 to vector<192x128xf32>
    %max3A_960 = arith.maximumf %sub3A_957, %max3A_959 : vector<192x128xf32>
    %min3A_961 = vector.broadcast %get3A_945 : f32 to vector<192x128xf32>
    %min3A_962 = arith.minimumf %min3A_961, %add3A_31 : vector<192x128xf32>
    %max3A_963 = vector.broadcast %get3A_937 : f32 to vector<192x128xf32>
    %max3A_964 = arith.maximumf %max3A_963, %sub3A_24 : vector<192x128xf32>
    %sub3A_965 = arith.subf %min3A_962, %max3A_964 : vector<192x128xf32>
    %max3A_966 = arith.constant 0.000000e+00 : f32
    %max3A_967 = vector.broadcast %max3A_966 : f32 to vector<192x128xf32>
    %max3A_968 = arith.maximumf %sub3A_965, %max3A_967 : vector<192x128xf32>
    %mul3A_969 = arith.mulf %max3A_960, %max3A_968 : vector<192x128xf32>
    %add3A_970 = vector.broadcast %mul3A_952 : f32 to vector<192x128xf32>
    %add3A_971 = arith.addf %add3A_970, %mul3A_34 : vector<192x128xf32>
    %sub3A_972 = arith.subf %add3A_971, %mul3A_969 : vector<192x128xf32>
    %div3A_973 = arith.divf %mul3A_969, %sub3A_972 : vector<192x128xf32>
    %gt3A_974 = arith.cmpf ogt, %div3A_973, %select_n3A_911 : vector<192x128xf32>
    %select_n3A_975 = arith.select %gt3A_974, %div3A_973, %select_n3A_911 : vector<192x128xi1>, vector<192x128xf32>
    %jit3A_976 = arith.constant 14 : i32
    %broadcast_in_dim3A_977 = vector.broadcast %jit3A_976 : i32 to vector<192x128xi32>
    %select_n3A_978 = arith.select %gt3A_974, %broadcast_in_dim3A_977, %select_n3A_914 : vector<192x128xi1>, vector<192x128xi32>
    %reduce_max3A_979 = vector.shape_cast %div3A_973 : vector<192x128xf32> to vector<1x192x128xf32>
    %reduce_max3A_980 = arith.constant dense<0xFF800000> : vector<1xf32>
    %reduce_max3A_981 = vector.multi_reduction <maximumf>, %reduce_max3A_979, %reduce_max3A_980 [1, 2] : vector<1x192x128xf32> to vector<1xf32>
    %reduce_max3A_982 = vector.shape_cast %reduce_max3A_981 : vector<1xf32> to vector<1x1x1xf32>
    %reduce_max3A_983 = vector.extract %reduce_max3A_982[0, 0, 0] : f32 from vector<1x1x1xf32>
    %eq3A_984 = vector.broadcast %reduce_max3A_983 : f32 to vector<192x128xf32>
    %eq3A_985 = arith.cmpf oeq, %div3A_973, %eq3A_984 : vector<192x128xf32>
    %jit3A_986 = arith.constant 24576 : i32
    %broadcast_in_dim3A_987 = vector.broadcast %jit3A_986 : i32 to vector<192x128xi32>
    %select_n3A_988 = arith.select %eq3A_985, %add3A_39, %broadcast_in_dim3A_987 : vector<192x128xi1>, vector<192x128xi32>
    %reduce_min3A_989 = vector.shape_cast %select_n3A_988 : vector<192x128xi32> to vector<1x192x128xi32>
    %reduce_min3A_990 = arith.constant dense<2147483647> : vector<1xi32>
    %reduce_min3A_991 = vector.multi_reduction <minsi>, %reduce_min3A_989, %reduce_min3A_990 [1, 2] : vector<1x192x128xi32> to vector<1xi32>
    %reduce_min3A_992 = vector.shape_cast %reduce_min3A_991 : vector<1xi32> to vector<1x1x1xi32>
    %reduce_min3A_993 = vector.extract %reduce_min3A_992[0, 0, 0] : i32 from vector<1x1x1xi32>
    %get3A_994 = arith.constant 0 : index
    %get3A_995 = arith.constant 15 : index
    %get3A_996 = arith.constant 0 : index
    %get3A_997 = memref.load %arg1[%get3A_994, %get3A_995, %get3A_996] : memref<1x24x4xf32, #tpu.memory_space<smem>>
    %get3A_998 = arith.constant 0 : index
    %get3A_999 = arith.constant 15 : index
    %get3A_1000 = arith.constant 1 : index
    %get3A_1001 = memref.load %arg1[%get3A_998, %get3A_999, %get3A_1000] : memref<1x24x4xf32, #tpu.memory_space<smem>>
    %get3A_1002 = arith.constant 0 : index
    %get3A_1003 = arith.constant 15 : index
    %get3A_1004 = arith.constant 2 : index
    %get3A_1005 = memref.load %arg1[%get3A_1002, %get3A_1003, %get3A_1004] : memref<1x24x4xf32, #tpu.memory_space<smem>>
    %get3A_1006 = arith.constant 0 : index
    %get3A_1007 = arith.constant 15 : index
    %get3A_1008 = arith.constant 3 : index
    %get3A_1009 = memref.load %arg1[%get3A_1006, %get3A_1007, %get3A_1008] : memref<1x24x4xf32, #tpu.memory_space<smem>>
    %get3A_1010 = arith.constant 0 : index
    %get3A_1011 = arith.constant 0 : index
    %get3A_1012 = arith.constant 15 : index
    %get3A_1013 = memref.load %arg2[%get3A_1010, %get3A_1011, %get3A_1012] : memref<1x1x24xi32, #tpu.memory_space<smem>>
    %sub3A_1014 = arith.subf %get3A_1005, %get3A_997 : f32
    %sub3A_1015 = arith.subf %get3A_1009, %get3A_1001 : f32
    %mul3A_1016 = arith.mulf %sub3A_1014, %sub3A_1015 : f32
    %min3A_1017 = vector.broadcast %get3A_1005 : f32 to vector<192x128xf32>
    %min3A_1018 = arith.minimumf %min3A_1017, %add3A : vector<192x128xf32>
    %max3A_1019 = vector.broadcast %get3A_997 : f32 to vector<192x128xf32>
    %max3A_1020 = arith.maximumf %max3A_1019, %sub3A : vector<192x128xf32>
    %sub3A_1021 = arith.subf %min3A_1018, %max3A_1020 : vector<192x128xf32>
    %max3A_1022 = arith.constant 0.000000e+00 : f32
    %max3A_1023 = vector.broadcast %max3A_1022 : f32 to vector<192x128xf32>
    %max3A_1024 = arith.maximumf %sub3A_1021, %max3A_1023 : vector<192x128xf32>
    %min3A_1025 = vector.broadcast %get3A_1009 : f32 to vector<192x128xf32>
    %min3A_1026 = arith.minimumf %min3A_1025, %add3A_31 : vector<192x128xf32>
    %max3A_1027 = vector.broadcast %get3A_1001 : f32 to vector<192x128xf32>
    %max3A_1028 = arith.maximumf %max3A_1027, %sub3A_24 : vector<192x128xf32>
    %sub3A_1029 = arith.subf %min3A_1026, %max3A_1028 : vector<192x128xf32>
    %max3A_1030 = arith.constant 0.000000e+00 : f32
    %max3A_1031 = vector.broadcast %max3A_1030 : f32 to vector<192x128xf32>
    %max3A_1032 = arith.maximumf %sub3A_1029, %max3A_1031 : vector<192x128xf32>
    %mul3A_1033 = arith.mulf %max3A_1024, %max3A_1032 : vector<192x128xf32>
    %add3A_1034 = vector.broadcast %mul3A_1016 : f32 to vector<192x128xf32>
    %add3A_1035 = arith.addf %add3A_1034, %mul3A_34 : vector<192x128xf32>
    %sub3A_1036 = arith.subf %add3A_1035, %mul3A_1033 : vector<192x128xf32>
    %div3A_1037 = arith.divf %mul3A_1033, %sub3A_1036 : vector<192x128xf32>
    %gt3A_1038 = arith.cmpf ogt, %div3A_1037, %select_n3A_975 : vector<192x128xf32>
    %select_n3A_1039 = arith.select %gt3A_1038, %div3A_1037, %select_n3A_975 : vector<192x128xi1>, vector<192x128xf32>
    %jit3A_1040 = arith.constant 15 : i32
    %broadcast_in_dim3A_1041 = vector.broadcast %jit3A_1040 : i32 to vector<192x128xi32>
    %select_n3A_1042 = arith.select %gt3A_1038, %broadcast_in_dim3A_1041, %select_n3A_978 : vector<192x128xi1>, vector<192x128xi32>
    %reduce_max3A_1043 = vector.shape_cast %div3A_1037 : vector<192x128xf32> to vector<1x192x128xf32>
    %reduce_max3A_1044 = arith.constant dense<0xFF800000> : vector<1xf32>
    %reduce_max3A_1045 = vector.multi_reduction <maximumf>, %reduce_max3A_1043, %reduce_max3A_1044 [1, 2] : vector<1x192x128xf32> to vector<1xf32>
    %reduce_max3A_1046 = vector.shape_cast %reduce_max3A_1045 : vector<1xf32> to vector<1x1x1xf32>
    %reduce_max3A_1047 = vector.extract %reduce_max3A_1046[0, 0, 0] : f32 from vector<1x1x1xf32>
    %eq3A_1048 = vector.broadcast %reduce_max3A_1047 : f32 to vector<192x128xf32>
    %eq3A_1049 = arith.cmpf oeq, %div3A_1037, %eq3A_1048 : vector<192x128xf32>
    %jit3A_1050 = arith.constant 24576 : i32
    %broadcast_in_dim3A_1051 = vector.broadcast %jit3A_1050 : i32 to vector<192x128xi32>
    %select_n3A_1052 = arith.select %eq3A_1049, %add3A_39, %broadcast_in_dim3A_1051 : vector<192x128xi1>, vector<192x128xi32>
    %reduce_min3A_1053 = vector.shape_cast %select_n3A_1052 : vector<192x128xi32> to vector<1x192x128xi32>
    %reduce_min3A_1054 = arith.constant dense<2147483647> : vector<1xi32>
    %reduce_min3A_1055 = vector.multi_reduction <minsi>, %reduce_min3A_1053, %reduce_min3A_1054 [1, 2] : vector<1x192x128xi32> to vector<1xi32>
    %reduce_min3A_1056 = vector.shape_cast %reduce_min3A_1055 : vector<1xi32> to vector<1x1x1xi32>
    %reduce_min3A_1057 = vector.extract %reduce_min3A_1056[0, 0, 0] : i32 from vector<1x1x1xi32>
    %get3A_1058 = arith.constant 0 : index
    %get3A_1059 = arith.constant 16 : index
    %get3A_1060 = arith.constant 0 : index
    %get3A_1061 = memref.load %arg1[%get3A_1058, %get3A_1059, %get3A_1060] : memref<1x24x4xf32, #tpu.memory_space<smem>>
    %get3A_1062 = arith.constant 0 : index
    %get3A_1063 = arith.constant 16 : index
    %get3A_1064 = arith.constant 1 : index
    %get3A_1065 = memref.load %arg1[%get3A_1062, %get3A_1063, %get3A_1064] : memref<1x24x4xf32, #tpu.memory_space<smem>>
    %get3A_1066 = arith.constant 0 : index
    %get3A_1067 = arith.constant 16 : index
    %get3A_1068 = arith.constant 2 : index
    %get3A_1069 = memref.load %arg1[%get3A_1066, %get3A_1067, %get3A_1068] : memref<1x24x4xf32, #tpu.memory_space<smem>>
    %get3A_1070 = arith.constant 0 : index
    %get3A_1071 = arith.constant 16 : index
    %get3A_1072 = arith.constant 3 : index
    %get3A_1073 = memref.load %arg1[%get3A_1070, %get3A_1071, %get3A_1072] : memref<1x24x4xf32, #tpu.memory_space<smem>>
    %get3A_1074 = arith.constant 0 : index
    %get3A_1075 = arith.constant 0 : index
    %get3A_1076 = arith.constant 16 : index
    %get3A_1077 = memref.load %arg2[%get3A_1074, %get3A_1075, %get3A_1076] : memref<1x1x24xi32, #tpu.memory_space<smem>>
    %sub3A_1078 = arith.subf %get3A_1069, %get3A_1061 : f32
    %sub3A_1079 = arith.subf %get3A_1073, %get3A_1065 : f32
    %mul3A_1080 = arith.mulf %sub3A_1078, %sub3A_1079 : f32
    %min3A_1081 = vector.broadcast %get3A_1069 : f32 to vector<192x128xf32>
    %min3A_1082 = arith.minimumf %min3A_1081, %add3A : vector<192x128xf32>
    %max3A_1083 = vector.broadcast %get3A_1061 : f32 to vector<192x128xf32>
    %max3A_1084 = arith.maximumf %max3A_1083, %sub3A : vector<192x128xf32>
    %sub3A_1085 = arith.subf %min3A_1082, %max3A_1084 : vector<192x128xf32>
    %max3A_1086 = arith.constant 0.000000e+00 : f32
    %max3A_1087 = vector.broadcast %max3A_1086 : f32 to vector<192x128xf32>
    %max3A_1088 = arith.maximumf %sub3A_1085, %max3A_1087 : vector<192x128xf32>
    %min3A_1089 = vector.broadcast %get3A_1073 : f32 to vector<192x128xf32>
    %min3A_1090 = arith.minimumf %min3A_1089, %add3A_31 : vector<192x128xf32>
    %max3A_1091 = vector.broadcast %get3A_1065 : f32 to vector<192x128xf32>
    %max3A_1092 = arith.maximumf %max3A_1091, %sub3A_24 : vector<192x128xf32>
    %sub3A_1093 = arith.subf %min3A_1090, %max3A_1092 : vector<192x128xf32>
    %max3A_1094 = arith.constant 0.000000e+00 : f32
    %max3A_1095 = vector.broadcast %max3A_1094 : f32 to vector<192x128xf32>
    %max3A_1096 = arith.maximumf %sub3A_1093, %max3A_1095 : vector<192x128xf32>
    %mul3A_1097 = arith.mulf %max3A_1088, %max3A_1096 : vector<192x128xf32>
    %add3A_1098 = vector.broadcast %mul3A_1080 : f32 to vector<192x128xf32>
    %add3A_1099 = arith.addf %add3A_1098, %mul3A_34 : vector<192x128xf32>
    %sub3A_1100 = arith.subf %add3A_1099, %mul3A_1097 : vector<192x128xf32>
    %div3A_1101 = arith.divf %mul3A_1097, %sub3A_1100 : vector<192x128xf32>
    %gt3A_1102 = arith.cmpf ogt, %div3A_1101, %select_n3A_1039 : vector<192x128xf32>
    %select_n3A_1103 = arith.select %gt3A_1102, %div3A_1101, %select_n3A_1039 : vector<192x128xi1>, vector<192x128xf32>
    %jit3A_1104 = arith.constant 16 : i32
    %broadcast_in_dim3A_1105 = vector.broadcast %jit3A_1104 : i32 to vector<192x128xi32>
    %select_n3A_1106 = arith.select %gt3A_1102, %broadcast_in_dim3A_1105, %select_n3A_1042 : vector<192x128xi1>, vector<192x128xi32>
    %reduce_max3A_1107 = vector.shape_cast %div3A_1101 : vector<192x128xf32> to vector<1x192x128xf32>
    %reduce_max3A_1108 = arith.constant dense<0xFF800000> : vector<1xf32>
    %reduce_max3A_1109 = vector.multi_reduction <maximumf>, %reduce_max3A_1107, %reduce_max3A_1108 [1, 2] : vector<1x192x128xf32> to vector<1xf32>
    %reduce_max3A_1110 = vector.shape_cast %reduce_max3A_1109 : vector<1xf32> to vector<1x1x1xf32>
    %reduce_max3A_1111 = vector.extract %reduce_max3A_1110[0, 0, 0] : f32 from vector<1x1x1xf32>
    %eq3A_1112 = vector.broadcast %reduce_max3A_1111 : f32 to vector<192x128xf32>
    %eq3A_1113 = arith.cmpf oeq, %div3A_1101, %eq3A_1112 : vector<192x128xf32>
    %jit3A_1114 = arith.constant 24576 : i32
    %broadcast_in_dim3A_1115 = vector.broadcast %jit3A_1114 : i32 to vector<192x128xi32>
    %select_n3A_1116 = arith.select %eq3A_1113, %add3A_39, %broadcast_in_dim3A_1115 : vector<192x128xi1>, vector<192x128xi32>
    %reduce_min3A_1117 = vector.shape_cast %select_n3A_1116 : vector<192x128xi32> to vector<1x192x128xi32>
    %reduce_min3A_1118 = arith.constant dense<2147483647> : vector<1xi32>
    %reduce_min3A_1119 = vector.multi_reduction <minsi>, %reduce_min3A_1117, %reduce_min3A_1118 [1, 2] : vector<1x192x128xi32> to vector<1xi32>
    %reduce_min3A_1120 = vector.shape_cast %reduce_min3A_1119 : vector<1xi32> to vector<1x1x1xi32>
    %reduce_min3A_1121 = vector.extract %reduce_min3A_1120[0, 0, 0] : i32 from vector<1x1x1xi32>
    %get3A_1122 = arith.constant 0 : index
    %get3A_1123 = arith.constant 17 : index
    %get3A_1124 = arith.constant 0 : index
    %get3A_1125 = memref.load %arg1[%get3A_1122, %get3A_1123, %get3A_1124] : memref<1x24x4xf32, #tpu.memory_space<smem>>
    %get3A_1126 = arith.constant 0 : index
    %get3A_1127 = arith.constant 17 : index
    %get3A_1128 = arith.constant 1 : index
    %get3A_1129 = memref.load %arg1[%get3A_1126, %get3A_1127, %get3A_1128] : memref<1x24x4xf32, #tpu.memory_space<smem>>
    %get3A_1130 = arith.constant 0 : index
    %get3A_1131 = arith.constant 17 : index
    %get3A_1132 = arith.constant 2 : index
    %get3A_1133 = memref.load %arg1[%get3A_1130, %get3A_1131, %get3A_1132] : memref<1x24x4xf32, #tpu.memory_space<smem>>
    %get3A_1134 = arith.constant 0 : index
    %get3A_1135 = arith.constant 17 : index
    %get3A_1136 = arith.constant 3 : index
    %get3A_1137 = memref.load %arg1[%get3A_1134, %get3A_1135, %get3A_1136] : memref<1x24x4xf32, #tpu.memory_space<smem>>
    %get3A_1138 = arith.constant 0 : index
    %get3A_1139 = arith.constant 0 : index
    %get3A_1140 = arith.constant 17 : index
    %get3A_1141 = memref.load %arg2[%get3A_1138, %get3A_1139, %get3A_1140] : memref<1x1x24xi32, #tpu.memory_space<smem>>
    %sub3A_1142 = arith.subf %get3A_1133, %get3A_1125 : f32
    %sub3A_1143 = arith.subf %get3A_1137, %get3A_1129 : f32
    %mul3A_1144 = arith.mulf %sub3A_1142, %sub3A_1143 : f32
    %min3A_1145 = vector.broadcast %get3A_1133 : f32 to vector<192x128xf32>
    %min3A_1146 = arith.minimumf %min3A_1145, %add3A : vector<192x128xf32>
    %max3A_1147 = vector.broadcast %get3A_1125 : f32 to vector<192x128xf32>
    %max3A_1148 = arith.maximumf %max3A_1147, %sub3A : vector<192x128xf32>
    %sub3A_1149 = arith.subf %min3A_1146, %max3A_1148 : vector<192x128xf32>
    %max3A_1150 = arith.constant 0.000000e+00 : f32
    %max3A_1151 = vector.broadcast %max3A_1150 : f32 to vector<192x128xf32>
    %max3A_1152 = arith.maximumf %sub3A_1149, %max3A_1151 : vector<192x128xf32>
    %min3A_1153 = vector.broadcast %get3A_1137 : f32 to vector<192x128xf32>
    %min3A_1154 = arith.minimumf %min3A_1153, %add3A_31 : vector<192x128xf32>
    %max3A_1155 = vector.broadcast %get3A_1129 : f32 to vector<192x128xf32>
    %max3A_1156 = arith.maximumf %max3A_1155, %sub3A_24 : vector<192x128xf32>
    %sub3A_1157 = arith.subf %min3A_1154, %max3A_1156 : vector<192x128xf32>
    %max3A_1158 = arith.constant 0.000000e+00 : f32
    %max3A_1159 = vector.broadcast %max3A_1158 : f32 to vector<192x128xf32>
    %max3A_1160 = arith.maximumf %sub3A_1157, %max3A_1159 : vector<192x128xf32>
    %mul3A_1161 = arith.mulf %max3A_1152, %max3A_1160 : vector<192x128xf32>
    %add3A_1162 = vector.broadcast %mul3A_1144 : f32 to vector<192x128xf32>
    %add3A_1163 = arith.addf %add3A_1162, %mul3A_34 : vector<192x128xf32>
    %sub3A_1164 = arith.subf %add3A_1163, %mul3A_1161 : vector<192x128xf32>
    %div3A_1165 = arith.divf %mul3A_1161, %sub3A_1164 : vector<192x128xf32>
    %gt3A_1166 = arith.cmpf ogt, %div3A_1165, %select_n3A_1103 : vector<192x128xf32>
    %select_n3A_1167 = arith.select %gt3A_1166, %div3A_1165, %select_n3A_1103 : vector<192x128xi1>, vector<192x128xf32>
    %jit3A_1168 = arith.constant 17 : i32
    %broadcast_in_dim3A_1169 = vector.broadcast %jit3A_1168 : i32 to vector<192x128xi32>
    %select_n3A_1170 = arith.select %gt3A_1166, %broadcast_in_dim3A_1169, %select_n3A_1106 : vector<192x128xi1>, vector<192x128xi32>
    %reduce_max3A_1171 = vector.shape_cast %div3A_1165 : vector<192x128xf32> to vector<1x192x128xf32>
    %reduce_max3A_1172 = arith.constant dense<0xFF800000> : vector<1xf32>
    %reduce_max3A_1173 = vector.multi_reduction <maximumf>, %reduce_max3A_1171, %reduce_max3A_1172 [1, 2] : vector<1x192x128xf32> to vector<1xf32>
    %reduce_max3A_1174 = vector.shape_cast %reduce_max3A_1173 : vector<1xf32> to vector<1x1x1xf32>
    %reduce_max3A_1175 = vector.extract %reduce_max3A_1174[0, 0, 0] : f32 from vector<1x1x1xf32>
    %eq3A_1176 = vector.broadcast %reduce_max3A_1175 : f32 to vector<192x128xf32>
    %eq3A_1177 = arith.cmpf oeq, %div3A_1165, %eq3A_1176 : vector<192x128xf32>
    %jit3A_1178 = arith.constant 24576 : i32
    %broadcast_in_dim3A_1179 = vector.broadcast %jit3A_1178 : i32 to vector<192x128xi32>
    %select_n3A_1180 = arith.select %eq3A_1177, %add3A_39, %broadcast_in_dim3A_1179 : vector<192x128xi1>, vector<192x128xi32>
    %reduce_min3A_1181 = vector.shape_cast %select_n3A_1180 : vector<192x128xi32> to vector<1x192x128xi32>
    %reduce_min3A_1182 = arith.constant dense<2147483647> : vector<1xi32>
    %reduce_min3A_1183 = vector.multi_reduction <minsi>, %reduce_min3A_1181, %reduce_min3A_1182 [1, 2] : vector<1x192x128xi32> to vector<1xi32>
    %reduce_min3A_1184 = vector.shape_cast %reduce_min3A_1183 : vector<1xi32> to vector<1x1x1xi32>
    %reduce_min3A_1185 = vector.extract %reduce_min3A_1184[0, 0, 0] : i32 from vector<1x1x1xi32>
    %get3A_1186 = arith.constant 0 : index
    %get3A_1187 = arith.constant 18 : index
    %get3A_1188 = arith.constant 0 : index
    %get3A_1189 = memref.load %arg1[%get3A_1186, %get3A_1187, %get3A_1188] : memref<1x24x4xf32, #tpu.memory_space<smem>>
    %get3A_1190 = arith.constant 0 : index
    %get3A_1191 = arith.constant 18 : index
    %get3A_1192 = arith.constant 1 : index
    %get3A_1193 = memref.load %arg1[%get3A_1190, %get3A_1191, %get3A_1192] : memref<1x24x4xf32, #tpu.memory_space<smem>>
    %get3A_1194 = arith.constant 0 : index
    %get3A_1195 = arith.constant 18 : index
    %get3A_1196 = arith.constant 2 : index
    %get3A_1197 = memref.load %arg1[%get3A_1194, %get3A_1195, %get3A_1196] : memref<1x24x4xf32, #tpu.memory_space<smem>>
    %get3A_1198 = arith.constant 0 : index
    %get3A_1199 = arith.constant 18 : index
    %get3A_1200 = arith.constant 3 : index
    %get3A_1201 = memref.load %arg1[%get3A_1198, %get3A_1199, %get3A_1200] : memref<1x24x4xf32, #tpu.memory_space<smem>>
    %get3A_1202 = arith.constant 0 : index
    %get3A_1203 = arith.constant 0 : index
    %get3A_1204 = arith.constant 18 : index
    %get3A_1205 = memref.load %arg2[%get3A_1202, %get3A_1203, %get3A_1204] : memref<1x1x24xi32, #tpu.memory_space<smem>>
    %sub3A_1206 = arith.subf %get3A_1197, %get3A_1189 : f32
    %sub3A_1207 = arith.subf %get3A_1201, %get3A_1193 : f32
    %mul3A_1208 = arith.mulf %sub3A_1206, %sub3A_1207 : f32
    %min3A_1209 = vector.broadcast %get3A_1197 : f32 to vector<192x128xf32>
    %min3A_1210 = arith.minimumf %min3A_1209, %add3A : vector<192x128xf32>
    %max3A_1211 = vector.broadcast %get3A_1189 : f32 to vector<192x128xf32>
    %max3A_1212 = arith.maximumf %max3A_1211, %sub3A : vector<192x128xf32>
    %sub3A_1213 = arith.subf %min3A_1210, %max3A_1212 : vector<192x128xf32>
    %max3A_1214 = arith.constant 0.000000e+00 : f32
    %max3A_1215 = vector.broadcast %max3A_1214 : f32 to vector<192x128xf32>
    %max3A_1216 = arith.maximumf %sub3A_1213, %max3A_1215 : vector<192x128xf32>
    %min3A_1217 = vector.broadcast %get3A_1201 : f32 to vector<192x128xf32>
    %min3A_1218 = arith.minimumf %min3A_1217, %add3A_31 : vector<192x128xf32>
    %max3A_1219 = vector.broadcast %get3A_1193 : f32 to vector<192x128xf32>
    %max3A_1220 = arith.maximumf %max3A_1219, %sub3A_24 : vector<192x128xf32>
    %sub3A_1221 = arith.subf %min3A_1218, %max3A_1220 : vector<192x128xf32>
    %max3A_1222 = arith.constant 0.000000e+00 : f32
    %max3A_1223 = vector.broadcast %max3A_1222 : f32 to vector<192x128xf32>
    %max3A_1224 = arith.maximumf %sub3A_1221, %max3A_1223 : vector<192x128xf32>
    %mul3A_1225 = arith.mulf %max3A_1216, %max3A_1224 : vector<192x128xf32>
    %add3A_1226 = vector.broadcast %mul3A_1208 : f32 to vector<192x128xf32>
    %add3A_1227 = arith.addf %add3A_1226, %mul3A_34 : vector<192x128xf32>
    %sub3A_1228 = arith.subf %add3A_1227, %mul3A_1225 : vector<192x128xf32>
    %div3A_1229 = arith.divf %mul3A_1225, %sub3A_1228 : vector<192x128xf32>
    %gt3A_1230 = arith.cmpf ogt, %div3A_1229, %select_n3A_1167 : vector<192x128xf32>
    %select_n3A_1231 = arith.select %gt3A_1230, %div3A_1229, %select_n3A_1167 : vector<192x128xi1>, vector<192x128xf32>
    %jit3A_1232 = arith.constant 18 : i32
    %broadcast_in_dim3A_1233 = vector.broadcast %jit3A_1232 : i32 to vector<192x128xi32>
    %select_n3A_1234 = arith.select %gt3A_1230, %broadcast_in_dim3A_1233, %select_n3A_1170 : vector<192x128xi1>, vector<192x128xi32>
    %reduce_max3A_1235 = vector.shape_cast %div3A_1229 : vector<192x128xf32> to vector<1x192x128xf32>
    %reduce_max3A_1236 = arith.constant dense<0xFF800000> : vector<1xf32>
    %reduce_max3A_1237 = vector.multi_reduction <maximumf>, %reduce_max3A_1235, %reduce_max3A_1236 [1, 2] : vector<1x192x128xf32> to vector<1xf32>
    %reduce_max3A_1238 = vector.shape_cast %reduce_max3A_1237 : vector<1xf32> to vector<1x1x1xf32>
    %reduce_max3A_1239 = vector.extract %reduce_max3A_1238[0, 0, 0] : f32 from vector<1x1x1xf32>
    %eq3A_1240 = vector.broadcast %reduce_max3A_1239 : f32 to vector<192x128xf32>
    %eq3A_1241 = arith.cmpf oeq, %div3A_1229, %eq3A_1240 : vector<192x128xf32>
    %jit3A_1242 = arith.constant 24576 : i32
    %broadcast_in_dim3A_1243 = vector.broadcast %jit3A_1242 : i32 to vector<192x128xi32>
    %select_n3A_1244 = arith.select %eq3A_1241, %add3A_39, %broadcast_in_dim3A_1243 : vector<192x128xi1>, vector<192x128xi32>
    %reduce_min3A_1245 = vector.shape_cast %select_n3A_1244 : vector<192x128xi32> to vector<1x192x128xi32>
    %reduce_min3A_1246 = arith.constant dense<2147483647> : vector<1xi32>
    %reduce_min3A_1247 = vector.multi_reduction <minsi>, %reduce_min3A_1245, %reduce_min3A_1246 [1, 2] : vector<1x192x128xi32> to vector<1xi32>
    %reduce_min3A_1248 = vector.shape_cast %reduce_min3A_1247 : vector<1xi32> to vector<1x1x1xi32>
    %reduce_min3A_1249 = vector.extract %reduce_min3A_1248[0, 0, 0] : i32 from vector<1x1x1xi32>
    %get3A_1250 = arith.constant 0 : index
    %get3A_1251 = arith.constant 19 : index
    %get3A_1252 = arith.constant 0 : index
    %get3A_1253 = memref.load %arg1[%get3A_1250, %get3A_1251, %get3A_1252] : memref<1x24x4xf32, #tpu.memory_space<smem>>
    %get3A_1254 = arith.constant 0 : index
    %get3A_1255 = arith.constant 19 : index
    %get3A_1256 = arith.constant 1 : index
    %get3A_1257 = memref.load %arg1[%get3A_1254, %get3A_1255, %get3A_1256] : memref<1x24x4xf32, #tpu.memory_space<smem>>
    %get3A_1258 = arith.constant 0 : index
    %get3A_1259 = arith.constant 19 : index
    %get3A_1260 = arith.constant 2 : index
    %get3A_1261 = memref.load %arg1[%get3A_1258, %get3A_1259, %get3A_1260] : memref<1x24x4xf32, #tpu.memory_space<smem>>
    %get3A_1262 = arith.constant 0 : index
    %get3A_1263 = arith.constant 19 : index
    %get3A_1264 = arith.constant 3 : index
    %get3A_1265 = memref.load %arg1[%get3A_1262, %get3A_1263, %get3A_1264] : memref<1x24x4xf32, #tpu.memory_space<smem>>
    %get3A_1266 = arith.constant 0 : index
    %get3A_1267 = arith.constant 0 : index
    %get3A_1268 = arith.constant 19 : index
    %get3A_1269 = memref.load %arg2[%get3A_1266, %get3A_1267, %get3A_1268] : memref<1x1x24xi32, #tpu.memory_space<smem>>
    %sub3A_1270 = arith.subf %get3A_1261, %get3A_1253 : f32
    %sub3A_1271 = arith.subf %get3A_1265, %get3A_1257 : f32
    %mul3A_1272 = arith.mulf %sub3A_1270, %sub3A_1271 : f32
    %min3A_1273 = vector.broadcast %get3A_1261 : f32 to vector<192x128xf32>
    %min3A_1274 = arith.minimumf %min3A_1273, %add3A : vector<192x128xf32>
    %max3A_1275 = vector.broadcast %get3A_1253 : f32 to vector<192x128xf32>
    %max3A_1276 = arith.maximumf %max3A_1275, %sub3A : vector<192x128xf32>
    %sub3A_1277 = arith.subf %min3A_1274, %max3A_1276 : vector<192x128xf32>
    %max3A_1278 = arith.constant 0.000000e+00 : f32
    %max3A_1279 = vector.broadcast %max3A_1278 : f32 to vector<192x128xf32>
    %max3A_1280 = arith.maximumf %sub3A_1277, %max3A_1279 : vector<192x128xf32>
    %min3A_1281 = vector.broadcast %get3A_1265 : f32 to vector<192x128xf32>
    %min3A_1282 = arith.minimumf %min3A_1281, %add3A_31 : vector<192x128xf32>
    %max3A_1283 = vector.broadcast %get3A_1257 : f32 to vector<192x128xf32>
    %max3A_1284 = arith.maximumf %max3A_1283, %sub3A_24 : vector<192x128xf32>
    %sub3A_1285 = arith.subf %min3A_1282, %max3A_1284 : vector<192x128xf32>
    %max3A_1286 = arith.constant 0.000000e+00 : f32
    %max3A_1287 = vector.broadcast %max3A_1286 : f32 to vector<192x128xf32>
    %max3A_1288 = arith.maximumf %sub3A_1285, %max3A_1287 : vector<192x128xf32>
    %mul3A_1289 = arith.mulf %max3A_1280, %max3A_1288 : vector<192x128xf32>
    %add3A_1290 = vector.broadcast %mul3A_1272 : f32 to vector<192x128xf32>
    %add3A_1291 = arith.addf %add3A_1290, %mul3A_34 : vector<192x128xf32>
    %sub3A_1292 = arith.subf %add3A_1291, %mul3A_1289 : vector<192x128xf32>
    %div3A_1293 = arith.divf %mul3A_1289, %sub3A_1292 : vector<192x128xf32>
    %gt3A_1294 = arith.cmpf ogt, %div3A_1293, %select_n3A_1231 : vector<192x128xf32>
    %select_n3A_1295 = arith.select %gt3A_1294, %div3A_1293, %select_n3A_1231 : vector<192x128xi1>, vector<192x128xf32>
    %jit3A_1296 = arith.constant 19 : i32
    %broadcast_in_dim3A_1297 = vector.broadcast %jit3A_1296 : i32 to vector<192x128xi32>
    %select_n3A_1298 = arith.select %gt3A_1294, %broadcast_in_dim3A_1297, %select_n3A_1234 : vector<192x128xi1>, vector<192x128xi32>
    %reduce_max3A_1299 = vector.shape_cast %div3A_1293 : vector<192x128xf32> to vector<1x192x128xf32>
    %reduce_max3A_1300 = arith.constant dense<0xFF800000> : vector<1xf32>
    %reduce_max3A_1301 = vector.multi_reduction <maximumf>, %reduce_max3A_1299, %reduce_max3A_1300 [1, 2] : vector<1x192x128xf32> to vector<1xf32>
    %reduce_max3A_1302 = vector.shape_cast %reduce_max3A_1301 : vector<1xf32> to vector<1x1x1xf32>
    %reduce_max3A_1303 = vector.extract %reduce_max3A_1302[0, 0, 0] : f32 from vector<1x1x1xf32>
    %eq3A_1304 = vector.broadcast %reduce_max3A_1303 : f32 to vector<192x128xf32>
    %eq3A_1305 = arith.cmpf oeq, %div3A_1293, %eq3A_1304 : vector<192x128xf32>
    %jit3A_1306 = arith.constant 24576 : i32
    %broadcast_in_dim3A_1307 = vector.broadcast %jit3A_1306 : i32 to vector<192x128xi32>
    %select_n3A_1308 = arith.select %eq3A_1305, %add3A_39, %broadcast_in_dim3A_1307 : vector<192x128xi1>, vector<192x128xi32>
    %reduce_min3A_1309 = vector.shape_cast %select_n3A_1308 : vector<192x128xi32> to vector<1x192x128xi32>
    %reduce_min3A_1310 = arith.constant dense<2147483647> : vector<1xi32>
    %reduce_min3A_1311 = vector.multi_reduction <minsi>, %reduce_min3A_1309, %reduce_min3A_1310 [1, 2] : vector<1x192x128xi32> to vector<1xi32>
    %reduce_min3A_1312 = vector.shape_cast %reduce_min3A_1311 : vector<1xi32> to vector<1x1x1xi32>
    %reduce_min3A_1313 = vector.extract %reduce_min3A_1312[0, 0, 0] : i32 from vector<1x1x1xi32>
    %get3A_1314 = arith.constant 0 : index
    %get3A_1315 = arith.constant 20 : index
    %get3A_1316 = arith.constant 0 : index
    %get3A_1317 = memref.load %arg1[%get3A_1314, %get3A_1315, %get3A_1316] : memref<1x24x4xf32, #tpu.memory_space<smem>>
    %get3A_1318 = arith.constant 0 : index
    %get3A_1319 = arith.constant 20 : index
    %get3A_1320 = arith.constant 1 : index
    %get3A_1321 = memref.load %arg1[%get3A_1318, %get3A_1319, %get3A_1320] : memref<1x24x4xf32, #tpu.memory_space<smem>>
    %get3A_1322 = arith.constant 0 : index
    %get3A_1323 = arith.constant 20 : index
    %get3A_1324 = arith.constant 2 : index
    %get3A_1325 = memref.load %arg1[%get3A_1322, %get3A_1323, %get3A_1324] : memref<1x24x4xf32, #tpu.memory_space<smem>>
    %get3A_1326 = arith.constant 0 : index
    %get3A_1327 = arith.constant 20 : index
    %get3A_1328 = arith.constant 3 : index
    %get3A_1329 = memref.load %arg1[%get3A_1326, %get3A_1327, %get3A_1328] : memref<1x24x4xf32, #tpu.memory_space<smem>>
    %get3A_1330 = arith.constant 0 : index
    %get3A_1331 = arith.constant 0 : index
    %get3A_1332 = arith.constant 20 : index
    %get3A_1333 = memref.load %arg2[%get3A_1330, %get3A_1331, %get3A_1332] : memref<1x1x24xi32, #tpu.memory_space<smem>>
    %sub3A_1334 = arith.subf %get3A_1325, %get3A_1317 : f32
    %sub3A_1335 = arith.subf %get3A_1329, %get3A_1321 : f32
    %mul3A_1336 = arith.mulf %sub3A_1334, %sub3A_1335 : f32
    %min3A_1337 = vector.broadcast %get3A_1325 : f32 to vector<192x128xf32>
    %min3A_1338 = arith.minimumf %min3A_1337, %add3A : vector<192x128xf32>
    %max3A_1339 = vector.broadcast %get3A_1317 : f32 to vector<192x128xf32>
    %max3A_1340 = arith.maximumf %max3A_1339, %sub3A : vector<192x128xf32>
    %sub3A_1341 = arith.subf %min3A_1338, %max3A_1340 : vector<192x128xf32>
    %max3A_1342 = arith.constant 0.000000e+00 : f32
    %max3A_1343 = vector.broadcast %max3A_1342 : f32 to vector<192x128xf32>
    %max3A_1344 = arith.maximumf %sub3A_1341, %max3A_1343 : vector<192x128xf32>
    %min3A_1345 = vector.broadcast %get3A_1329 : f32 to vector<192x128xf32>
    %min3A_1346 = arith.minimumf %min3A_1345, %add3A_31 : vector<192x128xf32>
    %max3A_1347 = vector.broadcast %get3A_1321 : f32 to vector<192x128xf32>
    %max3A_1348 = arith.maximumf %max3A_1347, %sub3A_24 : vector<192x128xf32>
    %sub3A_1349 = arith.subf %min3A_1346, %max3A_1348 : vector<192x128xf32>
    %max3A_1350 = arith.constant 0.000000e+00 : f32
    %max3A_1351 = vector.broadcast %max3A_1350 : f32 to vector<192x128xf32>
    %max3A_1352 = arith.maximumf %sub3A_1349, %max3A_1351 : vector<192x128xf32>
    %mul3A_1353 = arith.mulf %max3A_1344, %max3A_1352 : vector<192x128xf32>
    %add3A_1354 = vector.broadcast %mul3A_1336 : f32 to vector<192x128xf32>
    %add3A_1355 = arith.addf %add3A_1354, %mul3A_34 : vector<192x128xf32>
    %sub3A_1356 = arith.subf %add3A_1355, %mul3A_1353 : vector<192x128xf32>
    %div3A_1357 = arith.divf %mul3A_1353, %sub3A_1356 : vector<192x128xf32>
    %gt3A_1358 = arith.cmpf ogt, %div3A_1357, %select_n3A_1295 : vector<192x128xf32>
    %select_n3A_1359 = arith.select %gt3A_1358, %div3A_1357, %select_n3A_1295 : vector<192x128xi1>, vector<192x128xf32>
    %jit3A_1360 = arith.constant 20 : i32
    %broadcast_in_dim3A_1361 = vector.broadcast %jit3A_1360 : i32 to vector<192x128xi32>
    %select_n3A_1362 = arith.select %gt3A_1358, %broadcast_in_dim3A_1361, %select_n3A_1298 : vector<192x128xi1>, vector<192x128xi32>
    %reduce_max3A_1363 = vector.shape_cast %div3A_1357 : vector<192x128xf32> to vector<1x192x128xf32>
    %reduce_max3A_1364 = arith.constant dense<0xFF800000> : vector<1xf32>
    %reduce_max3A_1365 = vector.multi_reduction <maximumf>, %reduce_max3A_1363, %reduce_max3A_1364 [1, 2] : vector<1x192x128xf32> to vector<1xf32>
    %reduce_max3A_1366 = vector.shape_cast %reduce_max3A_1365 : vector<1xf32> to vector<1x1x1xf32>
    %reduce_max3A_1367 = vector.extract %reduce_max3A_1366[0, 0, 0] : f32 from vector<1x1x1xf32>
    %eq3A_1368 = vector.broadcast %reduce_max3A_1367 : f32 to vector<192x128xf32>
    %eq3A_1369 = arith.cmpf oeq, %div3A_1357, %eq3A_1368 : vector<192x128xf32>
    %jit3A_1370 = arith.constant 24576 : i32
    %broadcast_in_dim3A_1371 = vector.broadcast %jit3A_1370 : i32 to vector<192x128xi32>
    %select_n3A_1372 = arith.select %eq3A_1369, %add3A_39, %broadcast_in_dim3A_1371 : vector<192x128xi1>, vector<192x128xi32>
    %reduce_min3A_1373 = vector.shape_cast %select_n3A_1372 : vector<192x128xi32> to vector<1x192x128xi32>
    %reduce_min3A_1374 = arith.constant dense<2147483647> : vector<1xi32>
    %reduce_min3A_1375 = vector.multi_reduction <minsi>, %reduce_min3A_1373, %reduce_min3A_1374 [1, 2] : vector<1x192x128xi32> to vector<1xi32>
    %reduce_min3A_1376 = vector.shape_cast %reduce_min3A_1375 : vector<1xi32> to vector<1x1x1xi32>
    %reduce_min3A_1377 = vector.extract %reduce_min3A_1376[0, 0, 0] : i32 from vector<1x1x1xi32>
    %get3A_1378 = arith.constant 0 : index
    %get3A_1379 = arith.constant 21 : index
    %get3A_1380 = arith.constant 0 : index
    %get3A_1381 = memref.load %arg1[%get3A_1378, %get3A_1379, %get3A_1380] : memref<1x24x4xf32, #tpu.memory_space<smem>>
    %get3A_1382 = arith.constant 0 : index
    %get3A_1383 = arith.constant 21 : index
    %get3A_1384 = arith.constant 1 : index
    %get3A_1385 = memref.load %arg1[%get3A_1382, %get3A_1383, %get3A_1384] : memref<1x24x4xf32, #tpu.memory_space<smem>>
    %get3A_1386 = arith.constant 0 : index
    %get3A_1387 = arith.constant 21 : index
    %get3A_1388 = arith.constant 2 : index
    %get3A_1389 = memref.load %arg1[%get3A_1386, %get3A_1387, %get3A_1388] : memref<1x24x4xf32, #tpu.memory_space<smem>>
    %get3A_1390 = arith.constant 0 : index
    %get3A_1391 = arith.constant 21 : index
    %get3A_1392 = arith.constant 3 : index
    %get3A_1393 = memref.load %arg1[%get3A_1390, %get3A_1391, %get3A_1392] : memref<1x24x4xf32, #tpu.memory_space<smem>>
    %get3A_1394 = arith.constant 0 : index
    %get3A_1395 = arith.constant 0 : index
    %get3A_1396 = arith.constant 21 : index
    %get3A_1397 = memref.load %arg2[%get3A_1394, %get3A_1395, %get3A_1396] : memref<1x1x24xi32, #tpu.memory_space<smem>>
    %sub3A_1398 = arith.subf %get3A_1389, %get3A_1381 : f32
    %sub3A_1399 = arith.subf %get3A_1393, %get3A_1385 : f32
    %mul3A_1400 = arith.mulf %sub3A_1398, %sub3A_1399 : f32
    %min3A_1401 = vector.broadcast %get3A_1389 : f32 to vector<192x128xf32>
    %min3A_1402 = arith.minimumf %min3A_1401, %add3A : vector<192x128xf32>
    %max3A_1403 = vector.broadcast %get3A_1381 : f32 to vector<192x128xf32>
    %max3A_1404 = arith.maximumf %max3A_1403, %sub3A : vector<192x128xf32>
    %sub3A_1405 = arith.subf %min3A_1402, %max3A_1404 : vector<192x128xf32>
    %max3A_1406 = arith.constant 0.000000e+00 : f32
    %max3A_1407 = vector.broadcast %max3A_1406 : f32 to vector<192x128xf32>
    %max3A_1408 = arith.maximumf %sub3A_1405, %max3A_1407 : vector<192x128xf32>
    %min3A_1409 = vector.broadcast %get3A_1393 : f32 to vector<192x128xf32>
    %min3A_1410 = arith.minimumf %min3A_1409, %add3A_31 : vector<192x128xf32>
    %max3A_1411 = vector.broadcast %get3A_1385 : f32 to vector<192x128xf32>
    %max3A_1412 = arith.maximumf %max3A_1411, %sub3A_24 : vector<192x128xf32>
    %sub3A_1413 = arith.subf %min3A_1410, %max3A_1412 : vector<192x128xf32>
    %max3A_1414 = arith.constant 0.000000e+00 : f32
    %max3A_1415 = vector.broadcast %max3A_1414 : f32 to vector<192x128xf32>
    %max3A_1416 = arith.maximumf %sub3A_1413, %max3A_1415 : vector<192x128xf32>
    %mul3A_1417 = arith.mulf %max3A_1408, %max3A_1416 : vector<192x128xf32>
    %add3A_1418 = vector.broadcast %mul3A_1400 : f32 to vector<192x128xf32>
    %add3A_1419 = arith.addf %add3A_1418, %mul3A_34 : vector<192x128xf32>
    %sub3A_1420 = arith.subf %add3A_1419, %mul3A_1417 : vector<192x128xf32>
    %div3A_1421 = arith.divf %mul3A_1417, %sub3A_1420 : vector<192x128xf32>
    %gt3A_1422 = arith.cmpf ogt, %div3A_1421, %select_n3A_1359 : vector<192x128xf32>
    %select_n3A_1423 = arith.select %gt3A_1422, %div3A_1421, %select_n3A_1359 : vector<192x128xi1>, vector<192x128xf32>
    %jit3A_1424 = arith.constant 21 : i32
    %broadcast_in_dim3A_1425 = vector.broadcast %jit3A_1424 : i32 to vector<192x128xi32>
    %select_n3A_1426 = arith.select %gt3A_1422, %broadcast_in_dim3A_1425, %select_n3A_1362 : vector<192x128xi1>, vector<192x128xi32>
    %reduce_max3A_1427 = vector.shape_cast %div3A_1421 : vector<192x128xf32> to vector<1x192x128xf32>
    %reduce_max3A_1428 = arith.constant dense<0xFF800000> : vector<1xf32>
    %reduce_max3A_1429 = vector.multi_reduction <maximumf>, %reduce_max3A_1427, %reduce_max3A_1428 [1, 2] : vector<1x192x128xf32> to vector<1xf32>
    %reduce_max3A_1430 = vector.shape_cast %reduce_max3A_1429 : vector<1xf32> to vector<1x1x1xf32>
    %reduce_max3A_1431 = vector.extract %reduce_max3A_1430[0, 0, 0] : f32 from vector<1x1x1xf32>
    %eq3A_1432 = vector.broadcast %reduce_max3A_1431 : f32 to vector<192x128xf32>
    %eq3A_1433 = arith.cmpf oeq, %div3A_1421, %eq3A_1432 : vector<192x128xf32>
    %jit3A_1434 = arith.constant 24576 : i32
    %broadcast_in_dim3A_1435 = vector.broadcast %jit3A_1434 : i32 to vector<192x128xi32>
    %select_n3A_1436 = arith.select %eq3A_1433, %add3A_39, %broadcast_in_dim3A_1435 : vector<192x128xi1>, vector<192x128xi32>
    %reduce_min3A_1437 = vector.shape_cast %select_n3A_1436 : vector<192x128xi32> to vector<1x192x128xi32>
    %reduce_min3A_1438 = arith.constant dense<2147483647> : vector<1xi32>
    %reduce_min3A_1439 = vector.multi_reduction <minsi>, %reduce_min3A_1437, %reduce_min3A_1438 [1, 2] : vector<1x192x128xi32> to vector<1xi32>
    %reduce_min3A_1440 = vector.shape_cast %reduce_min3A_1439 : vector<1xi32> to vector<1x1x1xi32>
    %reduce_min3A_1441 = vector.extract %reduce_min3A_1440[0, 0, 0] : i32 from vector<1x1x1xi32>
    %get3A_1442 = arith.constant 0 : index
    %get3A_1443 = arith.constant 22 : index
    %get3A_1444 = arith.constant 0 : index
    %get3A_1445 = memref.load %arg1[%get3A_1442, %get3A_1443, %get3A_1444] : memref<1x24x4xf32, #tpu.memory_space<smem>>
    %get3A_1446 = arith.constant 0 : index
    %get3A_1447 = arith.constant 22 : index
    %get3A_1448 = arith.constant 1 : index
    %get3A_1449 = memref.load %arg1[%get3A_1446, %get3A_1447, %get3A_1448] : memref<1x24x4xf32, #tpu.memory_space<smem>>
    %get3A_1450 = arith.constant 0 : index
    %get3A_1451 = arith.constant 22 : index
    %get3A_1452 = arith.constant 2 : index
    %get3A_1453 = memref.load %arg1[%get3A_1450, %get3A_1451, %get3A_1452] : memref<1x24x4xf32, #tpu.memory_space<smem>>
    %get3A_1454 = arith.constant 0 : index
    %get3A_1455 = arith.constant 22 : index
    %get3A_1456 = arith.constant 3 : index
    %get3A_1457 = memref.load %arg1[%get3A_1454, %get3A_1455, %get3A_1456] : memref<1x24x4xf32, #tpu.memory_space<smem>>
    %get3A_1458 = arith.constant 0 : index
    %get3A_1459 = arith.constant 0 : index
    %get3A_1460 = arith.constant 22 : index
    %get3A_1461 = memref.load %arg2[%get3A_1458, %get3A_1459, %get3A_1460] : memref<1x1x24xi32, #tpu.memory_space<smem>>
    %sub3A_1462 = arith.subf %get3A_1453, %get3A_1445 : f32
    %sub3A_1463 = arith.subf %get3A_1457, %get3A_1449 : f32
    %mul3A_1464 = arith.mulf %sub3A_1462, %sub3A_1463 : f32
    %min3A_1465 = vector.broadcast %get3A_1453 : f32 to vector<192x128xf32>
    %min3A_1466 = arith.minimumf %min3A_1465, %add3A : vector<192x128xf32>
    %max3A_1467 = vector.broadcast %get3A_1445 : f32 to vector<192x128xf32>
    %max3A_1468 = arith.maximumf %max3A_1467, %sub3A : vector<192x128xf32>
    %sub3A_1469 = arith.subf %min3A_1466, %max3A_1468 : vector<192x128xf32>
    %max3A_1470 = arith.constant 0.000000e+00 : f32
    %max3A_1471 = vector.broadcast %max3A_1470 : f32 to vector<192x128xf32>
    %max3A_1472 = arith.maximumf %sub3A_1469, %max3A_1471 : vector<192x128xf32>
    %min3A_1473 = vector.broadcast %get3A_1457 : f32 to vector<192x128xf32>
    %min3A_1474 = arith.minimumf %min3A_1473, %add3A_31 : vector<192x128xf32>
    %max3A_1475 = vector.broadcast %get3A_1449 : f32 to vector<192x128xf32>
    %max3A_1476 = arith.maximumf %max3A_1475, %sub3A_24 : vector<192x128xf32>
    %sub3A_1477 = arith.subf %min3A_1474, %max3A_1476 : vector<192x128xf32>
    %max3A_1478 = arith.constant 0.000000e+00 : f32
    %max3A_1479 = vector.broadcast %max3A_1478 : f32 to vector<192x128xf32>
    %max3A_1480 = arith.maximumf %sub3A_1477, %max3A_1479 : vector<192x128xf32>
    %mul3A_1481 = arith.mulf %max3A_1472, %max3A_1480 : vector<192x128xf32>
    %add3A_1482 = vector.broadcast %mul3A_1464 : f32 to vector<192x128xf32>
    %add3A_1483 = arith.addf %add3A_1482, %mul3A_34 : vector<192x128xf32>
    %sub3A_1484 = arith.subf %add3A_1483, %mul3A_1481 : vector<192x128xf32>
    %div3A_1485 = arith.divf %mul3A_1481, %sub3A_1484 : vector<192x128xf32>
    %gt3A_1486 = arith.cmpf ogt, %div3A_1485, %select_n3A_1423 : vector<192x128xf32>
    %select_n3A_1487 = arith.select %gt3A_1486, %div3A_1485, %select_n3A_1423 : vector<192x128xi1>, vector<192x128xf32>
    %jit3A_1488 = arith.constant 22 : i32
    %broadcast_in_dim3A_1489 = vector.broadcast %jit3A_1488 : i32 to vector<192x128xi32>
    %select_n3A_1490 = arith.select %gt3A_1486, %broadcast_in_dim3A_1489, %select_n3A_1426 : vector<192x128xi1>, vector<192x128xi32>
    %reduce_max3A_1491 = vector.shape_cast %div3A_1485 : vector<192x128xf32> to vector<1x192x128xf32>
    %reduce_max3A_1492 = arith.constant dense<0xFF800000> : vector<1xf32>
    %reduce_max3A_1493 = vector.multi_reduction <maximumf>, %reduce_max3A_1491, %reduce_max3A_1492 [1, 2] : vector<1x192x128xf32> to vector<1xf32>
    %reduce_max3A_1494 = vector.shape_cast %reduce_max3A_1493 : vector<1xf32> to vector<1x1x1xf32>
    %reduce_max3A_1495 = vector.extract %reduce_max3A_1494[0, 0, 0] : f32 from vector<1x1x1xf32>
    %eq3A_1496 = vector.broadcast %reduce_max3A_1495 : f32 to vector<192x128xf32>
    %eq3A_1497 = arith.cmpf oeq, %div3A_1485, %eq3A_1496 : vector<192x128xf32>
    %jit3A_1498 = arith.constant 24576 : i32
    %broadcast_in_dim3A_1499 = vector.broadcast %jit3A_1498 : i32 to vector<192x128xi32>
    %select_n3A_1500 = arith.select %eq3A_1497, %add3A_39, %broadcast_in_dim3A_1499 : vector<192x128xi1>, vector<192x128xi32>
    %reduce_min3A_1501 = vector.shape_cast %select_n3A_1500 : vector<192x128xi32> to vector<1x192x128xi32>
    %reduce_min3A_1502 = arith.constant dense<2147483647> : vector<1xi32>
    %reduce_min3A_1503 = vector.multi_reduction <minsi>, %reduce_min3A_1501, %reduce_min3A_1502 [1, 2] : vector<1x192x128xi32> to vector<1xi32>
    %reduce_min3A_1504 = vector.shape_cast %reduce_min3A_1503 : vector<1xi32> to vector<1x1x1xi32>
    %reduce_min3A_1505 = vector.extract %reduce_min3A_1504[0, 0, 0] : i32 from vector<1x1x1xi32>
    %get3A_1506 = arith.constant 0 : index
    %get3A_1507 = arith.constant 23 : index
    %get3A_1508 = arith.constant 0 : index
    %get3A_1509 = memref.load %arg1[%get3A_1506, %get3A_1507, %get3A_1508] : memref<1x24x4xf32, #tpu.memory_space<smem>>
    %get3A_1510 = arith.constant 0 : index
    %get3A_1511 = arith.constant 23 : index
    %get3A_1512 = arith.constant 1 : index
    %get3A_1513 = memref.load %arg1[%get3A_1510, %get3A_1511, %get3A_1512] : memref<1x24x4xf32, #tpu.memory_space<smem>>
    %get3A_1514 = arith.constant 0 : index
    %get3A_1515 = arith.constant 23 : index
    %get3A_1516 = arith.constant 2 : index
    %get3A_1517 = memref.load %arg1[%get3A_1514, %get3A_1515, %get3A_1516] : memref<1x24x4xf32, #tpu.memory_space<smem>>
    %get3A_1518 = arith.constant 0 : index
    %get3A_1519 = arith.constant 23 : index
    %get3A_1520 = arith.constant 3 : index
    %get3A_1521 = memref.load %arg1[%get3A_1518, %get3A_1519, %get3A_1520] : memref<1x24x4xf32, #tpu.memory_space<smem>>
    %get3A_1522 = arith.constant 0 : index
    %get3A_1523 = arith.constant 0 : index
    %get3A_1524 = arith.constant 23 : index
    %get3A_1525 = memref.load %arg2[%get3A_1522, %get3A_1523, %get3A_1524] : memref<1x1x24xi32, #tpu.memory_space<smem>>
    %sub3A_1526 = arith.subf %get3A_1517, %get3A_1509 : f32
    %sub3A_1527 = arith.subf %get3A_1521, %get3A_1513 : f32
    %mul3A_1528 = arith.mulf %sub3A_1526, %sub3A_1527 : f32
    %min3A_1529 = vector.broadcast %get3A_1517 : f32 to vector<192x128xf32>
    %min3A_1530 = arith.minimumf %min3A_1529, %add3A : vector<192x128xf32>
    %max3A_1531 = vector.broadcast %get3A_1509 : f32 to vector<192x128xf32>
    %max3A_1532 = arith.maximumf %max3A_1531, %sub3A : vector<192x128xf32>
    %sub3A_1533 = arith.subf %min3A_1530, %max3A_1532 : vector<192x128xf32>
    %max3A_1534 = arith.constant 0.000000e+00 : f32
    %max3A_1535 = vector.broadcast %max3A_1534 : f32 to vector<192x128xf32>
    %max3A_1536 = arith.maximumf %sub3A_1533, %max3A_1535 : vector<192x128xf32>
    %min3A_1537 = vector.broadcast %get3A_1521 : f32 to vector<192x128xf32>
    %min3A_1538 = arith.minimumf %min3A_1537, %add3A_31 : vector<192x128xf32>
    %max3A_1539 = vector.broadcast %get3A_1513 : f32 to vector<192x128xf32>
    %max3A_1540 = arith.maximumf %max3A_1539, %sub3A_24 : vector<192x128xf32>
    %sub3A_1541 = arith.subf %min3A_1538, %max3A_1540 : vector<192x128xf32>
    %max3A_1542 = arith.constant 0.000000e+00 : f32
    %max3A_1543 = vector.broadcast %max3A_1542 : f32 to vector<192x128xf32>
    %max3A_1544 = arith.maximumf %sub3A_1541, %max3A_1543 : vector<192x128xf32>
    %mul3A_1545 = arith.mulf %max3A_1536, %max3A_1544 : vector<192x128xf32>
    %add3A_1546 = vector.broadcast %mul3A_1528 : f32 to vector<192x128xf32>
    %add3A_1547 = arith.addf %add3A_1546, %mul3A_34 : vector<192x128xf32>
    %sub3A_1548 = arith.subf %add3A_1547, %mul3A_1545 : vector<192x128xf32>
    %div3A_1549 = arith.divf %mul3A_1545, %sub3A_1548 : vector<192x128xf32>
    %gt3A_1550 = arith.cmpf ogt, %div3A_1549, %select_n3A_1487 : vector<192x128xf32>
    %select_n3A_1551 = arith.select %gt3A_1550, %div3A_1549, %select_n3A_1487 : vector<192x128xi1>, vector<192x128xf32>
    %jit3A_1552 = arith.constant 23 : i32
    %broadcast_in_dim3A_1553 = vector.broadcast %jit3A_1552 : i32 to vector<192x128xi32>
    %select_n3A_1554 = arith.select %gt3A_1550, %broadcast_in_dim3A_1553, %select_n3A_1490 : vector<192x128xi1>, vector<192x128xi32>
    %reduce_max3A_1555 = vector.shape_cast %div3A_1549 : vector<192x128xf32> to vector<1x192x128xf32>
    %reduce_max3A_1556 = arith.constant dense<0xFF800000> : vector<1xf32>
    %reduce_max3A_1557 = vector.multi_reduction <maximumf>, %reduce_max3A_1555, %reduce_max3A_1556 [1, 2] : vector<1x192x128xf32> to vector<1xf32>
    %reduce_max3A_1558 = vector.shape_cast %reduce_max3A_1557 : vector<1xf32> to vector<1x1x1xf32>
    %reduce_max3A_1559 = vector.extract %reduce_max3A_1558[0, 0, 0] : f32 from vector<1x1x1xf32>
    %eq3A_1560 = vector.broadcast %reduce_max3A_1559 : f32 to vector<192x128xf32>
    %eq3A_1561 = arith.cmpf oeq, %div3A_1549, %eq3A_1560 : vector<192x128xf32>
    %jit3A_1562 = arith.constant 24576 : i32
    %broadcast_in_dim3A_1563 = vector.broadcast %jit3A_1562 : i32 to vector<192x128xi32>
    %select_n3A_1564 = arith.select %eq3A_1561, %add3A_39, %broadcast_in_dim3A_1563 : vector<192x128xi1>, vector<192x128xi32>
    %reduce_min3A_1565 = vector.shape_cast %select_n3A_1564 : vector<192x128xi32> to vector<1x192x128xi32>
    %reduce_min3A_1566 = arith.constant dense<2147483647> : vector<1xi32>
    %reduce_min3A_1567 = vector.multi_reduction <minsi>, %reduce_min3A_1565, %reduce_min3A_1566 [1, 2] : vector<1x192x128xi32> to vector<1xi32>
    %reduce_min3A_1568 = vector.shape_cast %reduce_min3A_1567 : vector<1xi32> to vector<1x1x1xi32>
    %reduce_min3A_1569 = vector.extract %reduce_min3A_1568[0, 0, 0] : i32 from vector<1x1x1xi32>
    %eq3A_1570 = vector.broadcast %reduce_min3A_97 : i32 to vector<192x128xi32>
    %eq3A_1571 = arith.cmpi eq, %add3A_39, %eq3A_1570 : vector<192x128xi32>
    %jit3A_1572 = arith.constant 0 : i32
    %broadcast_in_dim3A_1573 = vector.broadcast %jit3A_1572 : i32 to vector<192x128xi32>
    %select_n3A_1574 = arith.select %eq3A_1571, %broadcast_in_dim3A_1573, %select_n3A_1554 : vector<192x128xi1>, vector<192x128xi32>
    %jit3A_1575 = arith.constant 1.000000e+00 : f32
    %broadcast_in_dim3A_1576 = vector.broadcast %jit3A_1575 : f32 to vector<192x128xf32>
    %select_n3A_1577 = arith.select %eq3A_1571, %broadcast_in_dim3A_1576, %select_n3A_1551 : vector<192x128xi1>, vector<192x128xf32>
    %eq3A_1578 = vector.broadcast %reduce_min3A_161 : i32 to vector<192x128xi32>
    %eq3A_1579 = arith.cmpi eq, %add3A_39, %eq3A_1578 : vector<192x128xi32>
    %jit3A_1580 = arith.constant 1 : i32
    %broadcast_in_dim3A_1581 = vector.broadcast %jit3A_1580 : i32 to vector<192x128xi32>
    %select_n3A_1582 = arith.select %eq3A_1579, %broadcast_in_dim3A_1581, %select_n3A_1574 : vector<192x128xi1>, vector<192x128xi32>
    %jit3A_1583 = arith.constant 1.000000e+00 : f32
    %broadcast_in_dim3A_1584 = vector.broadcast %jit3A_1583 : f32 to vector<192x128xf32>
    %select_n3A_1585 = arith.select %eq3A_1579, %broadcast_in_dim3A_1584, %select_n3A_1577 : vector<192x128xi1>, vector<192x128xf32>
    %eq3A_1586 = vector.broadcast %reduce_min3A_225 : i32 to vector<192x128xi32>
    %eq3A_1587 = arith.cmpi eq, %add3A_39, %eq3A_1586 : vector<192x128xi32>
    %jit3A_1588 = arith.constant 2 : i32
    %broadcast_in_dim3A_1589 = vector.broadcast %jit3A_1588 : i32 to vector<192x128xi32>
    %select_n3A_1590 = arith.select %eq3A_1587, %broadcast_in_dim3A_1589, %select_n3A_1582 : vector<192x128xi1>, vector<192x128xi32>
    %jit3A_1591 = arith.constant 1.000000e+00 : f32
    %broadcast_in_dim3A_1592 = vector.broadcast %jit3A_1591 : f32 to vector<192x128xf32>
    %select_n3A_1593 = arith.select %eq3A_1587, %broadcast_in_dim3A_1592, %select_n3A_1585 : vector<192x128xi1>, vector<192x128xf32>
    %eq3A_1594 = vector.broadcast %reduce_min3A_289 : i32 to vector<192x128xi32>
    %eq3A_1595 = arith.cmpi eq, %add3A_39, %eq3A_1594 : vector<192x128xi32>
    %jit3A_1596 = arith.constant 3 : i32
    %broadcast_in_dim3A_1597 = vector.broadcast %jit3A_1596 : i32 to vector<192x128xi32>
    %select_n3A_1598 = arith.select %eq3A_1595, %broadcast_in_dim3A_1597, %select_n3A_1590 : vector<192x128xi1>, vector<192x128xi32>
    %jit3A_1599 = arith.constant 1.000000e+00 : f32
    %broadcast_in_dim3A_1600 = vector.broadcast %jit3A_1599 : f32 to vector<192x128xf32>
    %select_n3A_1601 = arith.select %eq3A_1595, %broadcast_in_dim3A_1600, %select_n3A_1593 : vector<192x128xi1>, vector<192x128xf32>
    %eq3A_1602 = vector.broadcast %reduce_min3A_353 : i32 to vector<192x128xi32>
    %eq3A_1603 = arith.cmpi eq, %add3A_39, %eq3A_1602 : vector<192x128xi32>
    %jit3A_1604 = arith.constant 4 : i32
    %broadcast_in_dim3A_1605 = vector.broadcast %jit3A_1604 : i32 to vector<192x128xi32>
    %select_n3A_1606 = arith.select %eq3A_1603, %broadcast_in_dim3A_1605, %select_n3A_1598 : vector<192x128xi1>, vector<192x128xi32>
    %jit3A_1607 = arith.constant 1.000000e+00 : f32
    %broadcast_in_dim3A_1608 = vector.broadcast %jit3A_1607 : f32 to vector<192x128xf32>
    %select_n3A_1609 = arith.select %eq3A_1603, %broadcast_in_dim3A_1608, %select_n3A_1601 : vector<192x128xi1>, vector<192x128xf32>
    %eq3A_1610 = vector.broadcast %reduce_min3A_417 : i32 to vector<192x128xi32>
    %eq3A_1611 = arith.cmpi eq, %add3A_39, %eq3A_1610 : vector<192x128xi32>
    %jit3A_1612 = arith.constant 5 : i32
    %broadcast_in_dim3A_1613 = vector.broadcast %jit3A_1612 : i32 to vector<192x128xi32>
    %select_n3A_1614 = arith.select %eq3A_1611, %broadcast_in_dim3A_1613, %select_n3A_1606 : vector<192x128xi1>, vector<192x128xi32>
    %jit3A_1615 = arith.constant 1.000000e+00 : f32
    %broadcast_in_dim3A_1616 = vector.broadcast %jit3A_1615 : f32 to vector<192x128xf32>
    %select_n3A_1617 = arith.select %eq3A_1611, %broadcast_in_dim3A_1616, %select_n3A_1609 : vector<192x128xi1>, vector<192x128xf32>
    %eq3A_1618 = vector.broadcast %reduce_min3A_481 : i32 to vector<192x128xi32>
    %eq3A_1619 = arith.cmpi eq, %add3A_39, %eq3A_1618 : vector<192x128xi32>
    %jit3A_1620 = arith.constant 6 : i32
    %broadcast_in_dim3A_1621 = vector.broadcast %jit3A_1620 : i32 to vector<192x128xi32>
    %select_n3A_1622 = arith.select %eq3A_1619, %broadcast_in_dim3A_1621, %select_n3A_1614 : vector<192x128xi1>, vector<192x128xi32>
    %jit3A_1623 = arith.constant 1.000000e+00 : f32
    %broadcast_in_dim3A_1624 = vector.broadcast %jit3A_1623 : f32 to vector<192x128xf32>
    %select_n3A_1625 = arith.select %eq3A_1619, %broadcast_in_dim3A_1624, %select_n3A_1617 : vector<192x128xi1>, vector<192x128xf32>
    %eq3A_1626 = vector.broadcast %reduce_min3A_545 : i32 to vector<192x128xi32>
    %eq3A_1627 = arith.cmpi eq, %add3A_39, %eq3A_1626 : vector<192x128xi32>
    %jit3A_1628 = arith.constant 7 : i32
    %broadcast_in_dim3A_1629 = vector.broadcast %jit3A_1628 : i32 to vector<192x128xi32>
    %select_n3A_1630 = arith.select %eq3A_1627, %broadcast_in_dim3A_1629, %select_n3A_1622 : vector<192x128xi1>, vector<192x128xi32>
    %jit3A_1631 = arith.constant 1.000000e+00 : f32
    %broadcast_in_dim3A_1632 = vector.broadcast %jit3A_1631 : f32 to vector<192x128xf32>
    %select_n3A_1633 = arith.select %eq3A_1627, %broadcast_in_dim3A_1632, %select_n3A_1625 : vector<192x128xi1>, vector<192x128xf32>
    %eq3A_1634 = vector.broadcast %reduce_min3A_609 : i32 to vector<192x128xi32>
    %eq3A_1635 = arith.cmpi eq, %add3A_39, %eq3A_1634 : vector<192x128xi32>
    %jit3A_1636 = arith.constant 8 : i32
    %broadcast_in_dim3A_1637 = vector.broadcast %jit3A_1636 : i32 to vector<192x128xi32>
    %select_n3A_1638 = arith.select %eq3A_1635, %broadcast_in_dim3A_1637, %select_n3A_1630 : vector<192x128xi1>, vector<192x128xi32>
    %jit3A_1639 = arith.constant 1.000000e+00 : f32
    %broadcast_in_dim3A_1640 = vector.broadcast %jit3A_1639 : f32 to vector<192x128xf32>
    %select_n3A_1641 = arith.select %eq3A_1635, %broadcast_in_dim3A_1640, %select_n3A_1633 : vector<192x128xi1>, vector<192x128xf32>
    %eq3A_1642 = vector.broadcast %reduce_min3A_673 : i32 to vector<192x128xi32>
    %eq3A_1643 = arith.cmpi eq, %add3A_39, %eq3A_1642 : vector<192x128xi32>
    %jit3A_1644 = arith.constant 9 : i32
    %broadcast_in_dim3A_1645 = vector.broadcast %jit3A_1644 : i32 to vector<192x128xi32>
    %select_n3A_1646 = arith.select %eq3A_1643, %broadcast_in_dim3A_1645, %select_n3A_1638 : vector<192x128xi1>, vector<192x128xi32>
    %jit3A_1647 = arith.constant 1.000000e+00 : f32
    %broadcast_in_dim3A_1648 = vector.broadcast %jit3A_1647 : f32 to vector<192x128xf32>
    %select_n3A_1649 = arith.select %eq3A_1643, %broadcast_in_dim3A_1648, %select_n3A_1641 : vector<192x128xi1>, vector<192x128xf32>
    %eq3A_1650 = vector.broadcast %reduce_min3A_737 : i32 to vector<192x128xi32>
    %eq3A_1651 = arith.cmpi eq, %add3A_39, %eq3A_1650 : vector<192x128xi32>
    %jit3A_1652 = arith.constant 10 : i32
    %broadcast_in_dim3A_1653 = vector.broadcast %jit3A_1652 : i32 to vector<192x128xi32>
    %select_n3A_1654 = arith.select %eq3A_1651, %broadcast_in_dim3A_1653, %select_n3A_1646 : vector<192x128xi1>, vector<192x128xi32>
    %jit3A_1655 = arith.constant 1.000000e+00 : f32
    %broadcast_in_dim3A_1656 = vector.broadcast %jit3A_1655 : f32 to vector<192x128xf32>
    %select_n3A_1657 = arith.select %eq3A_1651, %broadcast_in_dim3A_1656, %select_n3A_1649 : vector<192x128xi1>, vector<192x128xf32>
    %eq3A_1658 = vector.broadcast %reduce_min3A_801 : i32 to vector<192x128xi32>
    %eq3A_1659 = arith.cmpi eq, %add3A_39, %eq3A_1658 : vector<192x128xi32>
    %jit3A_1660 = arith.constant 11 : i32
    %broadcast_in_dim3A_1661 = vector.broadcast %jit3A_1660 : i32 to vector<192x128xi32>
    %select_n3A_1662 = arith.select %eq3A_1659, %broadcast_in_dim3A_1661, %select_n3A_1654 : vector<192x128xi1>, vector<192x128xi32>
    %jit3A_1663 = arith.constant 1.000000e+00 : f32
    %broadcast_in_dim3A_1664 = vector.broadcast %jit3A_1663 : f32 to vector<192x128xf32>
    %select_n3A_1665 = arith.select %eq3A_1659, %broadcast_in_dim3A_1664, %select_n3A_1657 : vector<192x128xi1>, vector<192x128xf32>
    %eq3A_1666 = vector.broadcast %reduce_min3A_865 : i32 to vector<192x128xi32>
    %eq3A_1667 = arith.cmpi eq, %add3A_39, %eq3A_1666 : vector<192x128xi32>
    %jit3A_1668 = arith.constant 12 : i32
    %broadcast_in_dim3A_1669 = vector.broadcast %jit3A_1668 : i32 to vector<192x128xi32>
    %select_n3A_1670 = arith.select %eq3A_1667, %broadcast_in_dim3A_1669, %select_n3A_1662 : vector<192x128xi1>, vector<192x128xi32>
    %jit3A_1671 = arith.constant 1.000000e+00 : f32
    %broadcast_in_dim3A_1672 = vector.broadcast %jit3A_1671 : f32 to vector<192x128xf32>
    %select_n3A_1673 = arith.select %eq3A_1667, %broadcast_in_dim3A_1672, %select_n3A_1665 : vector<192x128xi1>, vector<192x128xf32>
    %eq3A_1674 = vector.broadcast %reduce_min3A_929 : i32 to vector<192x128xi32>
    %eq3A_1675 = arith.cmpi eq, %add3A_39, %eq3A_1674 : vector<192x128xi32>
    %jit3A_1676 = arith.constant 13 : i32
    %broadcast_in_dim3A_1677 = vector.broadcast %jit3A_1676 : i32 to vector<192x128xi32>
    %select_n3A_1678 = arith.select %eq3A_1675, %broadcast_in_dim3A_1677, %select_n3A_1670 : vector<192x128xi1>, vector<192x128xi32>
    %jit3A_1679 = arith.constant 1.000000e+00 : f32
    %broadcast_in_dim3A_1680 = vector.broadcast %jit3A_1679 : f32 to vector<192x128xf32>
    %select_n3A_1681 = arith.select %eq3A_1675, %broadcast_in_dim3A_1680, %select_n3A_1673 : vector<192x128xi1>, vector<192x128xf32>
    %eq3A_1682 = vector.broadcast %reduce_min3A_993 : i32 to vector<192x128xi32>
    %eq3A_1683 = arith.cmpi eq, %add3A_39, %eq3A_1682 : vector<192x128xi32>
    %jit3A_1684 = arith.constant 14 : i32
    %broadcast_in_dim3A_1685 = vector.broadcast %jit3A_1684 : i32 to vector<192x128xi32>
    %select_n3A_1686 = arith.select %eq3A_1683, %broadcast_in_dim3A_1685, %select_n3A_1678 : vector<192x128xi1>, vector<192x128xi32>
    %jit3A_1687 = arith.constant 1.000000e+00 : f32
    %broadcast_in_dim3A_1688 = vector.broadcast %jit3A_1687 : f32 to vector<192x128xf32>
    %select_n3A_1689 = arith.select %eq3A_1683, %broadcast_in_dim3A_1688, %select_n3A_1681 : vector<192x128xi1>, vector<192x128xf32>
    %eq3A_1690 = vector.broadcast %reduce_min3A_1057 : i32 to vector<192x128xi32>
    %eq3A_1691 = arith.cmpi eq, %add3A_39, %eq3A_1690 : vector<192x128xi32>
    %jit3A_1692 = arith.constant 15 : i32
    %broadcast_in_dim3A_1693 = vector.broadcast %jit3A_1692 : i32 to vector<192x128xi32>
    %select_n3A_1694 = arith.select %eq3A_1691, %broadcast_in_dim3A_1693, %select_n3A_1686 : vector<192x128xi1>, vector<192x128xi32>
    %jit3A_1695 = arith.constant 1.000000e+00 : f32
    %broadcast_in_dim3A_1696 = vector.broadcast %jit3A_1695 : f32 to vector<192x128xf32>
    %select_n3A_1697 = arith.select %eq3A_1691, %broadcast_in_dim3A_1696, %select_n3A_1689 : vector<192x128xi1>, vector<192x128xf32>
    %eq3A_1698 = vector.broadcast %reduce_min3A_1121 : i32 to vector<192x128xi32>
    %eq3A_1699 = arith.cmpi eq, %add3A_39, %eq3A_1698 : vector<192x128xi32>
    %jit3A_1700 = arith.constant 16 : i32
    %broadcast_in_dim3A_1701 = vector.broadcast %jit3A_1700 : i32 to vector<192x128xi32>
    %select_n3A_1702 = arith.select %eq3A_1699, %broadcast_in_dim3A_1701, %select_n3A_1694 : vector<192x128xi1>, vector<192x128xi32>
    %jit3A_1703 = arith.constant 1.000000e+00 : f32
    %broadcast_in_dim3A_1704 = vector.broadcast %jit3A_1703 : f32 to vector<192x128xf32>
    %select_n3A_1705 = arith.select %eq3A_1699, %broadcast_in_dim3A_1704, %select_n3A_1697 : vector<192x128xi1>, vector<192x128xf32>
    %eq3A_1706 = vector.broadcast %reduce_min3A_1185 : i32 to vector<192x128xi32>
    %eq3A_1707 = arith.cmpi eq, %add3A_39, %eq3A_1706 : vector<192x128xi32>
    %jit3A_1708 = arith.constant 17 : i32
    %broadcast_in_dim3A_1709 = vector.broadcast %jit3A_1708 : i32 to vector<192x128xi32>
    %select_n3A_1710 = arith.select %eq3A_1707, %broadcast_in_dim3A_1709, %select_n3A_1702 : vector<192x128xi1>, vector<192x128xi32>
    %jit3A_1711 = arith.constant 1.000000e+00 : f32
    %broadcast_in_dim3A_1712 = vector.broadcast %jit3A_1711 : f32 to vector<192x128xf32>
    %select_n3A_1713 = arith.select %eq3A_1707, %broadcast_in_dim3A_1712, %select_n3A_1705 : vector<192x128xi1>, vector<192x128xf32>
    %eq3A_1714 = vector.broadcast %reduce_min3A_1249 : i32 to vector<192x128xi32>
    %eq3A_1715 = arith.cmpi eq, %add3A_39, %eq3A_1714 : vector<192x128xi32>
    %jit3A_1716 = arith.constant 18 : i32
    %broadcast_in_dim3A_1717 = vector.broadcast %jit3A_1716 : i32 to vector<192x128xi32>
    %select_n3A_1718 = arith.select %eq3A_1715, %broadcast_in_dim3A_1717, %select_n3A_1710 : vector<192x128xi1>, vector<192x128xi32>
    %jit3A_1719 = arith.constant 1.000000e+00 : f32
    %broadcast_in_dim3A_1720 = vector.broadcast %jit3A_1719 : f32 to vector<192x128xf32>
    %select_n3A_1721 = arith.select %eq3A_1715, %broadcast_in_dim3A_1720, %select_n3A_1713 : vector<192x128xi1>, vector<192x128xf32>
    %eq3A_1722 = vector.broadcast %reduce_min3A_1313 : i32 to vector<192x128xi32>
    %eq3A_1723 = arith.cmpi eq, %add3A_39, %eq3A_1722 : vector<192x128xi32>
    %jit3A_1724 = arith.constant 19 : i32
    %broadcast_in_dim3A_1725 = vector.broadcast %jit3A_1724 : i32 to vector<192x128xi32>
    %select_n3A_1726 = arith.select %eq3A_1723, %broadcast_in_dim3A_1725, %select_n3A_1718 : vector<192x128xi1>, vector<192x128xi32>
    %jit3A_1727 = arith.constant 1.000000e+00 : f32
    %broadcast_in_dim3A_1728 = vector.broadcast %jit3A_1727 : f32 to vector<192x128xf32>
    %select_n3A_1729 = arith.select %eq3A_1723, %broadcast_in_dim3A_1728, %select_n3A_1721 : vector<192x128xi1>, vector<192x128xf32>
    %eq3A_1730 = vector.broadcast %reduce_min3A_1377 : i32 to vector<192x128xi32>
    %eq3A_1731 = arith.cmpi eq, %add3A_39, %eq3A_1730 : vector<192x128xi32>
    %jit3A_1732 = arith.constant 20 : i32
    %broadcast_in_dim3A_1733 = vector.broadcast %jit3A_1732 : i32 to vector<192x128xi32>
    %select_n3A_1734 = arith.select %eq3A_1731, %broadcast_in_dim3A_1733, %select_n3A_1726 : vector<192x128xi1>, vector<192x128xi32>
    %jit3A_1735 = arith.constant 1.000000e+00 : f32
    %broadcast_in_dim3A_1736 = vector.broadcast %jit3A_1735 : f32 to vector<192x128xf32>
    %select_n3A_1737 = arith.select %eq3A_1731, %broadcast_in_dim3A_1736, %select_n3A_1729 : vector<192x128xi1>, vector<192x128xf32>
    %eq3A_1738 = vector.broadcast %reduce_min3A_1441 : i32 to vector<192x128xi32>
    %eq3A_1739 = arith.cmpi eq, %add3A_39, %eq3A_1738 : vector<192x128xi32>
    %jit3A_1740 = arith.constant 21 : i32
    %broadcast_in_dim3A_1741 = vector.broadcast %jit3A_1740 : i32 to vector<192x128xi32>
    %select_n3A_1742 = arith.select %eq3A_1739, %broadcast_in_dim3A_1741, %select_n3A_1734 : vector<192x128xi1>, vector<192x128xi32>
    %jit3A_1743 = arith.constant 1.000000e+00 : f32
    %broadcast_in_dim3A_1744 = vector.broadcast %jit3A_1743 : f32 to vector<192x128xf32>
    %select_n3A_1745 = arith.select %eq3A_1739, %broadcast_in_dim3A_1744, %select_n3A_1737 : vector<192x128xi1>, vector<192x128xf32>
    %eq3A_1746 = vector.broadcast %reduce_min3A_1505 : i32 to vector<192x128xi32>
    %eq3A_1747 = arith.cmpi eq, %add3A_39, %eq3A_1746 : vector<192x128xi32>
    %jit3A_1748 = arith.constant 22 : i32
    %broadcast_in_dim3A_1749 = vector.broadcast %jit3A_1748 : i32 to vector<192x128xi32>
    %select_n3A_1750 = arith.select %eq3A_1747, %broadcast_in_dim3A_1749, %select_n3A_1742 : vector<192x128xi1>, vector<192x128xi32>
    %jit3A_1751 = arith.constant 1.000000e+00 : f32
    %broadcast_in_dim3A_1752 = vector.broadcast %jit3A_1751 : f32 to vector<192x128xf32>
    %select_n3A_1753 = arith.select %eq3A_1747, %broadcast_in_dim3A_1752, %select_n3A_1745 : vector<192x128xi1>, vector<192x128xf32>
    %eq3A_1754 = vector.broadcast %reduce_min3A_1569 : i32 to vector<192x128xi32>
    %eq3A_1755 = arith.cmpi eq, %add3A_39, %eq3A_1754 : vector<192x128xi32>
    %jit3A_1756 = arith.constant 23 : i32
    %broadcast_in_dim3A_1757 = vector.broadcast %jit3A_1756 : i32 to vector<192x128xi32>
    %select_n3A_1758 = arith.select %eq3A_1755, %broadcast_in_dim3A_1757, %select_n3A_1750 : vector<192x128xi1>, vector<192x128xi32>
    %jit3A_1759 = arith.constant 1.000000e+00 : f32
    %broadcast_in_dim3A_1760 = vector.broadcast %jit3A_1759 : f32 to vector<192x128xf32>
    %select_n3A_1761 = arith.select %eq3A_1755, %broadcast_in_dim3A_1760, %select_n3A_1753 : vector<192x128xi1>, vector<192x128xf32>
    %broadcast_in_dim3A_1762 = arith.constant 0 : i32
    %broadcast_in_dim3A_1763 = vector.broadcast %broadcast_in_dim3A_1762 : i32 to vector<192x128xi32>
    %broadcast_in_dim3A_1764 = arith.constant 0.000000e+00 : f32
    %broadcast_in_dim3A_1765 = vector.broadcast %broadcast_in_dim3A_1764 : f32 to vector<192x128xf32>
    %broadcast_in_dim3A_1766 = arith.constant 0.000000e+00 : f32
    %broadcast_in_dim3A_1767 = vector.broadcast %broadcast_in_dim3A_1766 : f32 to vector<192x128xf32>
    %broadcast_in_dim3A_1768 = arith.constant 0.000000e+00 : f32
    %broadcast_in_dim3A_1769 = vector.broadcast %broadcast_in_dim3A_1768 : f32 to vector<192x128xf32>
    %broadcast_in_dim3A_1770 = arith.constant 0.000000e+00 : f32
    %broadcast_in_dim3A_1771 = vector.broadcast %broadcast_in_dim3A_1770 : f32 to vector<192x128xf32>
    %eq3A_1772 = arith.constant 0 : i32
    %eq3A_1773 = vector.broadcast %eq3A_1772 : i32 to vector<192x128xi32>
    %eq3A_1774 = arith.cmpi eq, %select_n3A_1758, %eq3A_1773 : vector<192x128xi32>
    %broadcast_in_dim3A_1775 = vector.broadcast %get3A_62 : i32 to vector<192x128xi32>
    %select_n3A_1776 = arith.select %eq3A_1774, %broadcast_in_dim3A_1775, %broadcast_in_dim3A_1763 : vector<192x128xi1>, vector<192x128xi32>
    %broadcast_in_dim3A_1777 = vector.broadcast %get3A_46 : f32 to vector<192x128xf32>
    %select_n3A_1778 = arith.select %eq3A_1774, %broadcast_in_dim3A_1777, %broadcast_in_dim3A_1765 : vector<192x128xi1>, vector<192x128xf32>
    %broadcast_in_dim3A_1779 = vector.broadcast %get3A_50 : f32 to vector<192x128xf32>
    %select_n3A_1780 = arith.select %eq3A_1774, %broadcast_in_dim3A_1779, %broadcast_in_dim3A_1767 : vector<192x128xi1>, vector<192x128xf32>
    %broadcast_in_dim3A_1781 = vector.broadcast %get3A_54 : f32 to vector<192x128xf32>
    %select_n3A_1782 = arith.select %eq3A_1774, %broadcast_in_dim3A_1781, %broadcast_in_dim3A_1769 : vector<192x128xi1>, vector<192x128xf32>
    %broadcast_in_dim3A_1783 = vector.broadcast %get3A_58 : f32 to vector<192x128xf32>
    %select_n3A_1784 = arith.select %eq3A_1774, %broadcast_in_dim3A_1783, %broadcast_in_dim3A_1771 : vector<192x128xi1>, vector<192x128xf32>
    %eq3A_1785 = arith.constant 1 : i32
    %eq3A_1786 = vector.broadcast %eq3A_1785 : i32 to vector<192x128xi32>
    %eq3A_1787 = arith.cmpi eq, %select_n3A_1758, %eq3A_1786 : vector<192x128xi32>
    %broadcast_in_dim3A_1788 = vector.broadcast %get3A_117 : i32 to vector<192x128xi32>
    %select_n3A_1789 = arith.select %eq3A_1787, %broadcast_in_dim3A_1788, %select_n3A_1776 : vector<192x128xi1>, vector<192x128xi32>
    %broadcast_in_dim3A_1790 = vector.broadcast %get3A_101 : f32 to vector<192x128xf32>
    %select_n3A_1791 = arith.select %eq3A_1787, %broadcast_in_dim3A_1790, %select_n3A_1778 : vector<192x128xi1>, vector<192x128xf32>
    %broadcast_in_dim3A_1792 = vector.broadcast %get3A_105 : f32 to vector<192x128xf32>
    %select_n3A_1793 = arith.select %eq3A_1787, %broadcast_in_dim3A_1792, %select_n3A_1780 : vector<192x128xi1>, vector<192x128xf32>
    %broadcast_in_dim3A_1794 = vector.broadcast %get3A_109 : f32 to vector<192x128xf32>
    %select_n3A_1795 = arith.select %eq3A_1787, %broadcast_in_dim3A_1794, %select_n3A_1782 : vector<192x128xi1>, vector<192x128xf32>
    %broadcast_in_dim3A_1796 = vector.broadcast %get3A_113 : f32 to vector<192x128xf32>
    %select_n3A_1797 = arith.select %eq3A_1787, %broadcast_in_dim3A_1796, %select_n3A_1784 : vector<192x128xi1>, vector<192x128xf32>
    %eq3A_1798 = arith.constant 2 : i32
    %eq3A_1799 = vector.broadcast %eq3A_1798 : i32 to vector<192x128xi32>
    %eq3A_1800 = arith.cmpi eq, %select_n3A_1758, %eq3A_1799 : vector<192x128xi32>
    %broadcast_in_dim3A_1801 = vector.broadcast %get3A_181 : i32 to vector<192x128xi32>
    %select_n3A_1802 = arith.select %eq3A_1800, %broadcast_in_dim3A_1801, %select_n3A_1789 : vector<192x128xi1>, vector<192x128xi32>
    %broadcast_in_dim3A_1803 = vector.broadcast %get3A_165 : f32 to vector<192x128xf32>
    %select_n3A_1804 = arith.select %eq3A_1800, %broadcast_in_dim3A_1803, %select_n3A_1791 : vector<192x128xi1>, vector<192x128xf32>
    %broadcast_in_dim3A_1805 = vector.broadcast %get3A_169 : f32 to vector<192x128xf32>
    %select_n3A_1806 = arith.select %eq3A_1800, %broadcast_in_dim3A_1805, %select_n3A_1793 : vector<192x128xi1>, vector<192x128xf32>
    %broadcast_in_dim3A_1807 = vector.broadcast %get3A_173 : f32 to vector<192x128xf32>
    %select_n3A_1808 = arith.select %eq3A_1800, %broadcast_in_dim3A_1807, %select_n3A_1795 : vector<192x128xi1>, vector<192x128xf32>
    %broadcast_in_dim3A_1809 = vector.broadcast %get3A_177 : f32 to vector<192x128xf32>
    %select_n3A_1810 = arith.select %eq3A_1800, %broadcast_in_dim3A_1809, %select_n3A_1797 : vector<192x128xi1>, vector<192x128xf32>
    %eq3A_1811 = arith.constant 3 : i32
    %eq3A_1812 = vector.broadcast %eq3A_1811 : i32 to vector<192x128xi32>
    %eq3A_1813 = arith.cmpi eq, %select_n3A_1758, %eq3A_1812 : vector<192x128xi32>
    %broadcast_in_dim3A_1814 = vector.broadcast %get3A_245 : i32 to vector<192x128xi32>
    %select_n3A_1815 = arith.select %eq3A_1813, %broadcast_in_dim3A_1814, %select_n3A_1802 : vector<192x128xi1>, vector<192x128xi32>
    %broadcast_in_dim3A_1816 = vector.broadcast %get3A_229 : f32 to vector<192x128xf32>
    %select_n3A_1817 = arith.select %eq3A_1813, %broadcast_in_dim3A_1816, %select_n3A_1804 : vector<192x128xi1>, vector<192x128xf32>
    %broadcast_in_dim3A_1818 = vector.broadcast %get3A_233 : f32 to vector<192x128xf32>
    %select_n3A_1819 = arith.select %eq3A_1813, %broadcast_in_dim3A_1818, %select_n3A_1806 : vector<192x128xi1>, vector<192x128xf32>
    %broadcast_in_dim3A_1820 = vector.broadcast %get3A_237 : f32 to vector<192x128xf32>
    %select_n3A_1821 = arith.select %eq3A_1813, %broadcast_in_dim3A_1820, %select_n3A_1808 : vector<192x128xi1>, vector<192x128xf32>
    %broadcast_in_dim3A_1822 = vector.broadcast %get3A_241 : f32 to vector<192x128xf32>
    %select_n3A_1823 = arith.select %eq3A_1813, %broadcast_in_dim3A_1822, %select_n3A_1810 : vector<192x128xi1>, vector<192x128xf32>
    %eq3A_1824 = arith.constant 4 : i32
    %eq3A_1825 = vector.broadcast %eq3A_1824 : i32 to vector<192x128xi32>
    %eq3A_1826 = arith.cmpi eq, %select_n3A_1758, %eq3A_1825 : vector<192x128xi32>
    %broadcast_in_dim3A_1827 = vector.broadcast %get3A_309 : i32 to vector<192x128xi32>
    %select_n3A_1828 = arith.select %eq3A_1826, %broadcast_in_dim3A_1827, %select_n3A_1815 : vector<192x128xi1>, vector<192x128xi32>
    %broadcast_in_dim3A_1829 = vector.broadcast %get3A_293 : f32 to vector<192x128xf32>
    %select_n3A_1830 = arith.select %eq3A_1826, %broadcast_in_dim3A_1829, %select_n3A_1817 : vector<192x128xi1>, vector<192x128xf32>
    %broadcast_in_dim3A_1831 = vector.broadcast %get3A_297 : f32 to vector<192x128xf32>
    %select_n3A_1832 = arith.select %eq3A_1826, %broadcast_in_dim3A_1831, %select_n3A_1819 : vector<192x128xi1>, vector<192x128xf32>
    %broadcast_in_dim3A_1833 = vector.broadcast %get3A_301 : f32 to vector<192x128xf32>
    %select_n3A_1834 = arith.select %eq3A_1826, %broadcast_in_dim3A_1833, %select_n3A_1821 : vector<192x128xi1>, vector<192x128xf32>
    %broadcast_in_dim3A_1835 = vector.broadcast %get3A_305 : f32 to vector<192x128xf32>
    %select_n3A_1836 = arith.select %eq3A_1826, %broadcast_in_dim3A_1835, %select_n3A_1823 : vector<192x128xi1>, vector<192x128xf32>
    %eq3A_1837 = arith.constant 5 : i32
    %eq3A_1838 = vector.broadcast %eq3A_1837 : i32 to vector<192x128xi32>
    %eq3A_1839 = arith.cmpi eq, %select_n3A_1758, %eq3A_1838 : vector<192x128xi32>
    %broadcast_in_dim3A_1840 = vector.broadcast %get3A_373 : i32 to vector<192x128xi32>
    %select_n3A_1841 = arith.select %eq3A_1839, %broadcast_in_dim3A_1840, %select_n3A_1828 : vector<192x128xi1>, vector<192x128xi32>
    %broadcast_in_dim3A_1842 = vector.broadcast %get3A_357 : f32 to vector<192x128xf32>
    %select_n3A_1843 = arith.select %eq3A_1839, %broadcast_in_dim3A_1842, %select_n3A_1830 : vector<192x128xi1>, vector<192x128xf32>
    %broadcast_in_dim3A_1844 = vector.broadcast %get3A_361 : f32 to vector<192x128xf32>
    %select_n3A_1845 = arith.select %eq3A_1839, %broadcast_in_dim3A_1844, %select_n3A_1832 : vector<192x128xi1>, vector<192x128xf32>
    %broadcast_in_dim3A_1846 = vector.broadcast %get3A_365 : f32 to vector<192x128xf32>
    %select_n3A_1847 = arith.select %eq3A_1839, %broadcast_in_dim3A_1846, %select_n3A_1834 : vector<192x128xi1>, vector<192x128xf32>
    %broadcast_in_dim3A_1848 = vector.broadcast %get3A_369 : f32 to vector<192x128xf32>
    %select_n3A_1849 = arith.select %eq3A_1839, %broadcast_in_dim3A_1848, %select_n3A_1836 : vector<192x128xi1>, vector<192x128xf32>
    %eq3A_1850 = arith.constant 6 : i32
    %eq3A_1851 = vector.broadcast %eq3A_1850 : i32 to vector<192x128xi32>
    %eq3A_1852 = arith.cmpi eq, %select_n3A_1758, %eq3A_1851 : vector<192x128xi32>
    %broadcast_in_dim3A_1853 = vector.broadcast %get3A_437 : i32 to vector<192x128xi32>
    %select_n3A_1854 = arith.select %eq3A_1852, %broadcast_in_dim3A_1853, %select_n3A_1841 : vector<192x128xi1>, vector<192x128xi32>
    %broadcast_in_dim3A_1855 = vector.broadcast %get3A_421 : f32 to vector<192x128xf32>
    %select_n3A_1856 = arith.select %eq3A_1852, %broadcast_in_dim3A_1855, %select_n3A_1843 : vector<192x128xi1>, vector<192x128xf32>
    %broadcast_in_dim3A_1857 = vector.broadcast %get3A_425 : f32 to vector<192x128xf32>
    %select_n3A_1858 = arith.select %eq3A_1852, %broadcast_in_dim3A_1857, %select_n3A_1845 : vector<192x128xi1>, vector<192x128xf32>
    %broadcast_in_dim3A_1859 = vector.broadcast %get3A_429 : f32 to vector<192x128xf32>
    %select_n3A_1860 = arith.select %eq3A_1852, %broadcast_in_dim3A_1859, %select_n3A_1847 : vector<192x128xi1>, vector<192x128xf32>
    %broadcast_in_dim3A_1861 = vector.broadcast %get3A_433 : f32 to vector<192x128xf32>
    %select_n3A_1862 = arith.select %eq3A_1852, %broadcast_in_dim3A_1861, %select_n3A_1849 : vector<192x128xi1>, vector<192x128xf32>
    %eq3A_1863 = arith.constant 7 : i32
    %eq3A_1864 = vector.broadcast %eq3A_1863 : i32 to vector<192x128xi32>
    %eq3A_1865 = arith.cmpi eq, %select_n3A_1758, %eq3A_1864 : vector<192x128xi32>
    %broadcast_in_dim3A_1866 = vector.broadcast %get3A_501 : i32 to vector<192x128xi32>
    %select_n3A_1867 = arith.select %eq3A_1865, %broadcast_in_dim3A_1866, %select_n3A_1854 : vector<192x128xi1>, vector<192x128xi32>
    %broadcast_in_dim3A_1868 = vector.broadcast %get3A_485 : f32 to vector<192x128xf32>
    %select_n3A_1869 = arith.select %eq3A_1865, %broadcast_in_dim3A_1868, %select_n3A_1856 : vector<192x128xi1>, vector<192x128xf32>
    %broadcast_in_dim3A_1870 = vector.broadcast %get3A_489 : f32 to vector<192x128xf32>
    %select_n3A_1871 = arith.select %eq3A_1865, %broadcast_in_dim3A_1870, %select_n3A_1858 : vector<192x128xi1>, vector<192x128xf32>
    %broadcast_in_dim3A_1872 = vector.broadcast %get3A_493 : f32 to vector<192x128xf32>
    %select_n3A_1873 = arith.select %eq3A_1865, %broadcast_in_dim3A_1872, %select_n3A_1860 : vector<192x128xi1>, vector<192x128xf32>
    %broadcast_in_dim3A_1874 = vector.broadcast %get3A_497 : f32 to vector<192x128xf32>
    %select_n3A_1875 = arith.select %eq3A_1865, %broadcast_in_dim3A_1874, %select_n3A_1862 : vector<192x128xi1>, vector<192x128xf32>
    %eq3A_1876 = arith.constant 8 : i32
    %eq3A_1877 = vector.broadcast %eq3A_1876 : i32 to vector<192x128xi32>
    %eq3A_1878 = arith.cmpi eq, %select_n3A_1758, %eq3A_1877 : vector<192x128xi32>
    %broadcast_in_dim3A_1879 = vector.broadcast %get3A_565 : i32 to vector<192x128xi32>
    %select_n3A_1880 = arith.select %eq3A_1878, %broadcast_in_dim3A_1879, %select_n3A_1867 : vector<192x128xi1>, vector<192x128xi32>
    %broadcast_in_dim3A_1881 = vector.broadcast %get3A_549 : f32 to vector<192x128xf32>
    %select_n3A_1882 = arith.select %eq3A_1878, %broadcast_in_dim3A_1881, %select_n3A_1869 : vector<192x128xi1>, vector<192x128xf32>
    %broadcast_in_dim3A_1883 = vector.broadcast %get3A_553 : f32 to vector<192x128xf32>
    %select_n3A_1884 = arith.select %eq3A_1878, %broadcast_in_dim3A_1883, %select_n3A_1871 : vector<192x128xi1>, vector<192x128xf32>
    %broadcast_in_dim3A_1885 = vector.broadcast %get3A_557 : f32 to vector<192x128xf32>
    %select_n3A_1886 = arith.select %eq3A_1878, %broadcast_in_dim3A_1885, %select_n3A_1873 : vector<192x128xi1>, vector<192x128xf32>
    %broadcast_in_dim3A_1887 = vector.broadcast %get3A_561 : f32 to vector<192x128xf32>
    %select_n3A_1888 = arith.select %eq3A_1878, %broadcast_in_dim3A_1887, %select_n3A_1875 : vector<192x128xi1>, vector<192x128xf32>
    %eq3A_1889 = arith.constant 9 : i32
    %eq3A_1890 = vector.broadcast %eq3A_1889 : i32 to vector<192x128xi32>
    %eq3A_1891 = arith.cmpi eq, %select_n3A_1758, %eq3A_1890 : vector<192x128xi32>
    %broadcast_in_dim3A_1892 = vector.broadcast %get3A_629 : i32 to vector<192x128xi32>
    %select_n3A_1893 = arith.select %eq3A_1891, %broadcast_in_dim3A_1892, %select_n3A_1880 : vector<192x128xi1>, vector<192x128xi32>
    %broadcast_in_dim3A_1894 = vector.broadcast %get3A_613 : f32 to vector<192x128xf32>
    %select_n3A_1895 = arith.select %eq3A_1891, %broadcast_in_dim3A_1894, %select_n3A_1882 : vector<192x128xi1>, vector<192x128xf32>
    %broadcast_in_dim3A_1896 = vector.broadcast %get3A_617 : f32 to vector<192x128xf32>
    %select_n3A_1897 = arith.select %eq3A_1891, %broadcast_in_dim3A_1896, %select_n3A_1884 : vector<192x128xi1>, vector<192x128xf32>
    %broadcast_in_dim3A_1898 = vector.broadcast %get3A_621 : f32 to vector<192x128xf32>
    %select_n3A_1899 = arith.select %eq3A_1891, %broadcast_in_dim3A_1898, %select_n3A_1886 : vector<192x128xi1>, vector<192x128xf32>
    %broadcast_in_dim3A_1900 = vector.broadcast %get3A_625 : f32 to vector<192x128xf32>
    %select_n3A_1901 = arith.select %eq3A_1891, %broadcast_in_dim3A_1900, %select_n3A_1888 : vector<192x128xi1>, vector<192x128xf32>
    %eq3A_1902 = arith.constant 10 : i32
    %eq3A_1903 = vector.broadcast %eq3A_1902 : i32 to vector<192x128xi32>
    %eq3A_1904 = arith.cmpi eq, %select_n3A_1758, %eq3A_1903 : vector<192x128xi32>
    %broadcast_in_dim3A_1905 = vector.broadcast %get3A_693 : i32 to vector<192x128xi32>
    %select_n3A_1906 = arith.select %eq3A_1904, %broadcast_in_dim3A_1905, %select_n3A_1893 : vector<192x128xi1>, vector<192x128xi32>
    %broadcast_in_dim3A_1907 = vector.broadcast %get3A_677 : f32 to vector<192x128xf32>
    %select_n3A_1908 = arith.select %eq3A_1904, %broadcast_in_dim3A_1907, %select_n3A_1895 : vector<192x128xi1>, vector<192x128xf32>
    %broadcast_in_dim3A_1909 = vector.broadcast %get3A_681 : f32 to vector<192x128xf32>
    %select_n3A_1910 = arith.select %eq3A_1904, %broadcast_in_dim3A_1909, %select_n3A_1897 : vector<192x128xi1>, vector<192x128xf32>
    %broadcast_in_dim3A_1911 = vector.broadcast %get3A_685 : f32 to vector<192x128xf32>
    %select_n3A_1912 = arith.select %eq3A_1904, %broadcast_in_dim3A_1911, %select_n3A_1899 : vector<192x128xi1>, vector<192x128xf32>
    %broadcast_in_dim3A_1913 = vector.broadcast %get3A_689 : f32 to vector<192x128xf32>
    %select_n3A_1914 = arith.select %eq3A_1904, %broadcast_in_dim3A_1913, %select_n3A_1901 : vector<192x128xi1>, vector<192x128xf32>
    %eq3A_1915 = arith.constant 11 : i32
    %eq3A_1916 = vector.broadcast %eq3A_1915 : i32 to vector<192x128xi32>
    %eq3A_1917 = arith.cmpi eq, %select_n3A_1758, %eq3A_1916 : vector<192x128xi32>
    %broadcast_in_dim3A_1918 = vector.broadcast %get3A_757 : i32 to vector<192x128xi32>
    %select_n3A_1919 = arith.select %eq3A_1917, %broadcast_in_dim3A_1918, %select_n3A_1906 : vector<192x128xi1>, vector<192x128xi32>
    %broadcast_in_dim3A_1920 = vector.broadcast %get3A_741 : f32 to vector<192x128xf32>
    %select_n3A_1921 = arith.select %eq3A_1917, %broadcast_in_dim3A_1920, %select_n3A_1908 : vector<192x128xi1>, vector<192x128xf32>
    %broadcast_in_dim3A_1922 = vector.broadcast %get3A_745 : f32 to vector<192x128xf32>
    %select_n3A_1923 = arith.select %eq3A_1917, %broadcast_in_dim3A_1922, %select_n3A_1910 : vector<192x128xi1>, vector<192x128xf32>
    %broadcast_in_dim3A_1924 = vector.broadcast %get3A_749 : f32 to vector<192x128xf32>
    %select_n3A_1925 = arith.select %eq3A_1917, %broadcast_in_dim3A_1924, %select_n3A_1912 : vector<192x128xi1>, vector<192x128xf32>
    %broadcast_in_dim3A_1926 = vector.broadcast %get3A_753 : f32 to vector<192x128xf32>
    %select_n3A_1927 = arith.select %eq3A_1917, %broadcast_in_dim3A_1926, %select_n3A_1914 : vector<192x128xi1>, vector<192x128xf32>
    %eq3A_1928 = arith.constant 12 : i32
    %eq3A_1929 = vector.broadcast %eq3A_1928 : i32 to vector<192x128xi32>
    %eq3A_1930 = arith.cmpi eq, %select_n3A_1758, %eq3A_1929 : vector<192x128xi32>
    %broadcast_in_dim3A_1931 = vector.broadcast %get3A_821 : i32 to vector<192x128xi32>
    %select_n3A_1932 = arith.select %eq3A_1930, %broadcast_in_dim3A_1931, %select_n3A_1919 : vector<192x128xi1>, vector<192x128xi32>
    %broadcast_in_dim3A_1933 = vector.broadcast %get3A_805 : f32 to vector<192x128xf32>
    %select_n3A_1934 = arith.select %eq3A_1930, %broadcast_in_dim3A_1933, %select_n3A_1921 : vector<192x128xi1>, vector<192x128xf32>
    %broadcast_in_dim3A_1935 = vector.broadcast %get3A_809 : f32 to vector<192x128xf32>
    %select_n3A_1936 = arith.select %eq3A_1930, %broadcast_in_dim3A_1935, %select_n3A_1923 : vector<192x128xi1>, vector<192x128xf32>
    %broadcast_in_dim3A_1937 = vector.broadcast %get3A_813 : f32 to vector<192x128xf32>
    %select_n3A_1938 = arith.select %eq3A_1930, %broadcast_in_dim3A_1937, %select_n3A_1925 : vector<192x128xi1>, vector<192x128xf32>
    %broadcast_in_dim3A_1939 = vector.broadcast %get3A_817 : f32 to vector<192x128xf32>
    %select_n3A_1940 = arith.select %eq3A_1930, %broadcast_in_dim3A_1939, %select_n3A_1927 : vector<192x128xi1>, vector<192x128xf32>
    %eq3A_1941 = arith.constant 13 : i32
    %eq3A_1942 = vector.broadcast %eq3A_1941 : i32 to vector<192x128xi32>
    %eq3A_1943 = arith.cmpi eq, %select_n3A_1758, %eq3A_1942 : vector<192x128xi32>
    %broadcast_in_dim3A_1944 = vector.broadcast %get3A_885 : i32 to vector<192x128xi32>
    %select_n3A_1945 = arith.select %eq3A_1943, %broadcast_in_dim3A_1944, %select_n3A_1932 : vector<192x128xi1>, vector<192x128xi32>
    %broadcast_in_dim3A_1946 = vector.broadcast %get3A_869 : f32 to vector<192x128xf32>
    %select_n3A_1947 = arith.select %eq3A_1943, %broadcast_in_dim3A_1946, %select_n3A_1934 : vector<192x128xi1>, vector<192x128xf32>
    %broadcast_in_dim3A_1948 = vector.broadcast %get3A_873 : f32 to vector<192x128xf32>
    %select_n3A_1949 = arith.select %eq3A_1943, %broadcast_in_dim3A_1948, %select_n3A_1936 : vector<192x128xi1>, vector<192x128xf32>
    %broadcast_in_dim3A_1950 = vector.broadcast %get3A_877 : f32 to vector<192x128xf32>
    %select_n3A_1951 = arith.select %eq3A_1943, %broadcast_in_dim3A_1950, %select_n3A_1938 : vector<192x128xi1>, vector<192x128xf32>
    %broadcast_in_dim3A_1952 = vector.broadcast %get3A_881 : f32 to vector<192x128xf32>
    %select_n3A_1953 = arith.select %eq3A_1943, %broadcast_in_dim3A_1952, %select_n3A_1940 : vector<192x128xi1>, vector<192x128xf32>
    %eq3A_1954 = arith.constant 14 : i32
    %eq3A_1955 = vector.broadcast %eq3A_1954 : i32 to vector<192x128xi32>
    %eq3A_1956 = arith.cmpi eq, %select_n3A_1758, %eq3A_1955 : vector<192x128xi32>
    %broadcast_in_dim3A_1957 = vector.broadcast %get3A_949 : i32 to vector<192x128xi32>
    %select_n3A_1958 = arith.select %eq3A_1956, %broadcast_in_dim3A_1957, %select_n3A_1945 : vector<192x128xi1>, vector<192x128xi32>
    %broadcast_in_dim3A_1959 = vector.broadcast %get3A_933 : f32 to vector<192x128xf32>
    %select_n3A_1960 = arith.select %eq3A_1956, %broadcast_in_dim3A_1959, %select_n3A_1947 : vector<192x128xi1>, vector<192x128xf32>
    %broadcast_in_dim3A_1961 = vector.broadcast %get3A_937 : f32 to vector<192x128xf32>
    %select_n3A_1962 = arith.select %eq3A_1956, %broadcast_in_dim3A_1961, %select_n3A_1949 : vector<192x128xi1>, vector<192x128xf32>
    %broadcast_in_dim3A_1963 = vector.broadcast %get3A_941 : f32 to vector<192x128xf32>
    %select_n3A_1964 = arith.select %eq3A_1956, %broadcast_in_dim3A_1963, %select_n3A_1951 : vector<192x128xi1>, vector<192x128xf32>
    %broadcast_in_dim3A_1965 = vector.broadcast %get3A_945 : f32 to vector<192x128xf32>
    %select_n3A_1966 = arith.select %eq3A_1956, %broadcast_in_dim3A_1965, %select_n3A_1953 : vector<192x128xi1>, vector<192x128xf32>
    %eq3A_1967 = arith.constant 15 : i32
    %eq3A_1968 = vector.broadcast %eq3A_1967 : i32 to vector<192x128xi32>
    %eq3A_1969 = arith.cmpi eq, %select_n3A_1758, %eq3A_1968 : vector<192x128xi32>
    %broadcast_in_dim3A_1970 = vector.broadcast %get3A_1013 : i32 to vector<192x128xi32>
    %select_n3A_1971 = arith.select %eq3A_1969, %broadcast_in_dim3A_1970, %select_n3A_1958 : vector<192x128xi1>, vector<192x128xi32>
    %broadcast_in_dim3A_1972 = vector.broadcast %get3A_997 : f32 to vector<192x128xf32>
    %select_n3A_1973 = arith.select %eq3A_1969, %broadcast_in_dim3A_1972, %select_n3A_1960 : vector<192x128xi1>, vector<192x128xf32>
    %broadcast_in_dim3A_1974 = vector.broadcast %get3A_1001 : f32 to vector<192x128xf32>
    %select_n3A_1975 = arith.select %eq3A_1969, %broadcast_in_dim3A_1974, %select_n3A_1962 : vector<192x128xi1>, vector<192x128xf32>
    %broadcast_in_dim3A_1976 = vector.broadcast %get3A_1005 : f32 to vector<192x128xf32>
    %select_n3A_1977 = arith.select %eq3A_1969, %broadcast_in_dim3A_1976, %select_n3A_1964 : vector<192x128xi1>, vector<192x128xf32>
    %broadcast_in_dim3A_1978 = vector.broadcast %get3A_1009 : f32 to vector<192x128xf32>
    %select_n3A_1979 = arith.select %eq3A_1969, %broadcast_in_dim3A_1978, %select_n3A_1966 : vector<192x128xi1>, vector<192x128xf32>
    %eq3A_1980 = arith.constant 16 : i32
    %eq3A_1981 = vector.broadcast %eq3A_1980 : i32 to vector<192x128xi32>
    %eq3A_1982 = arith.cmpi eq, %select_n3A_1758, %eq3A_1981 : vector<192x128xi32>
    %broadcast_in_dim3A_1983 = vector.broadcast %get3A_1077 : i32 to vector<192x128xi32>
    %select_n3A_1984 = arith.select %eq3A_1982, %broadcast_in_dim3A_1983, %select_n3A_1971 : vector<192x128xi1>, vector<192x128xi32>
    %broadcast_in_dim3A_1985 = vector.broadcast %get3A_1061 : f32 to vector<192x128xf32>
    %select_n3A_1986 = arith.select %eq3A_1982, %broadcast_in_dim3A_1985, %select_n3A_1973 : vector<192x128xi1>, vector<192x128xf32>
    %broadcast_in_dim3A_1987 = vector.broadcast %get3A_1065 : f32 to vector<192x128xf32>
    %select_n3A_1988 = arith.select %eq3A_1982, %broadcast_in_dim3A_1987, %select_n3A_1975 : vector<192x128xi1>, vector<192x128xf32>
    %broadcast_in_dim3A_1989 = vector.broadcast %get3A_1069 : f32 to vector<192x128xf32>
    %select_n3A_1990 = arith.select %eq3A_1982, %broadcast_in_dim3A_1989, %select_n3A_1977 : vector<192x128xi1>, vector<192x128xf32>
    %broadcast_in_dim3A_1991 = vector.broadcast %get3A_1073 : f32 to vector<192x128xf32>
    %select_n3A_1992 = arith.select %eq3A_1982, %broadcast_in_dim3A_1991, %select_n3A_1979 : vector<192x128xi1>, vector<192x128xf32>
    %eq3A_1993 = arith.constant 17 : i32
    %eq3A_1994 = vector.broadcast %eq3A_1993 : i32 to vector<192x128xi32>
    %eq3A_1995 = arith.cmpi eq, %select_n3A_1758, %eq3A_1994 : vector<192x128xi32>
    %broadcast_in_dim3A_1996 = vector.broadcast %get3A_1141 : i32 to vector<192x128xi32>
    %select_n3A_1997 = arith.select %eq3A_1995, %broadcast_in_dim3A_1996, %select_n3A_1984 : vector<192x128xi1>, vector<192x128xi32>
    %broadcast_in_dim3A_1998 = vector.broadcast %get3A_1125 : f32 to vector<192x128xf32>
    %select_n3A_1999 = arith.select %eq3A_1995, %broadcast_in_dim3A_1998, %select_n3A_1986 : vector<192x128xi1>, vector<192x128xf32>
    %broadcast_in_dim3A_2000 = vector.broadcast %get3A_1129 : f32 to vector<192x128xf32>
    %select_n3A_2001 = arith.select %eq3A_1995, %broadcast_in_dim3A_2000, %select_n3A_1988 : vector<192x128xi1>, vector<192x128xf32>
    %broadcast_in_dim3A_2002 = vector.broadcast %get3A_1133 : f32 to vector<192x128xf32>
    %select_n3A_2003 = arith.select %eq3A_1995, %broadcast_in_dim3A_2002, %select_n3A_1990 : vector<192x128xi1>, vector<192x128xf32>
    %broadcast_in_dim3A_2004 = vector.broadcast %get3A_1137 : f32 to vector<192x128xf32>
    %select_n3A_2005 = arith.select %eq3A_1995, %broadcast_in_dim3A_2004, %select_n3A_1992 : vector<192x128xi1>, vector<192x128xf32>
    %eq3A_2006 = arith.constant 18 : i32
    %eq3A_2007 = vector.broadcast %eq3A_2006 : i32 to vector<192x128xi32>
    %eq3A_2008 = arith.cmpi eq, %select_n3A_1758, %eq3A_2007 : vector<192x128xi32>
    %broadcast_in_dim3A_2009 = vector.broadcast %get3A_1205 : i32 to vector<192x128xi32>
    %select_n3A_2010 = arith.select %eq3A_2008, %broadcast_in_dim3A_2009, %select_n3A_1997 : vector<192x128xi1>, vector<192x128xi32>
    %broadcast_in_dim3A_2011 = vector.broadcast %get3A_1189 : f32 to vector<192x128xf32>
    %select_n3A_2012 = arith.select %eq3A_2008, %broadcast_in_dim3A_2011, %select_n3A_1999 : vector<192x128xi1>, vector<192x128xf32>
    %broadcast_in_dim3A_2013 = vector.broadcast %get3A_1193 : f32 to vector<192x128xf32>
    %select_n3A_2014 = arith.select %eq3A_2008, %broadcast_in_dim3A_2013, %select_n3A_2001 : vector<192x128xi1>, vector<192x128xf32>
    %broadcast_in_dim3A_2015 = vector.broadcast %get3A_1197 : f32 to vector<192x128xf32>
    %select_n3A_2016 = arith.select %eq3A_2008, %broadcast_in_dim3A_2015, %select_n3A_2003 : vector<192x128xi1>, vector<192x128xf32>
    %broadcast_in_dim3A_2017 = vector.broadcast %get3A_1201 : f32 to vector<192x128xf32>
    %select_n3A_2018 = arith.select %eq3A_2008, %broadcast_in_dim3A_2017, %select_n3A_2005 : vector<192x128xi1>, vector<192x128xf32>
    %eq3A_2019 = arith.constant 19 : i32
    %eq3A_2020 = vector.broadcast %eq3A_2019 : i32 to vector<192x128xi32>
    %eq3A_2021 = arith.cmpi eq, %select_n3A_1758, %eq3A_2020 : vector<192x128xi32>
    %broadcast_in_dim3A_2022 = vector.broadcast %get3A_1269 : i32 to vector<192x128xi32>
    %select_n3A_2023 = arith.select %eq3A_2021, %broadcast_in_dim3A_2022, %select_n3A_2010 : vector<192x128xi1>, vector<192x128xi32>
    %broadcast_in_dim3A_2024 = vector.broadcast %get3A_1253 : f32 to vector<192x128xf32>
    %select_n3A_2025 = arith.select %eq3A_2021, %broadcast_in_dim3A_2024, %select_n3A_2012 : vector<192x128xi1>, vector<192x128xf32>
    %broadcast_in_dim3A_2026 = vector.broadcast %get3A_1257 : f32 to vector<192x128xf32>
    %select_n3A_2027 = arith.select %eq3A_2021, %broadcast_in_dim3A_2026, %select_n3A_2014 : vector<192x128xi1>, vector<192x128xf32>
    %broadcast_in_dim3A_2028 = vector.broadcast %get3A_1261 : f32 to vector<192x128xf32>
    %select_n3A_2029 = arith.select %eq3A_2021, %broadcast_in_dim3A_2028, %select_n3A_2016 : vector<192x128xi1>, vector<192x128xf32>
    %broadcast_in_dim3A_2030 = vector.broadcast %get3A_1265 : f32 to vector<192x128xf32>
    %select_n3A_2031 = arith.select %eq3A_2021, %broadcast_in_dim3A_2030, %select_n3A_2018 : vector<192x128xi1>, vector<192x128xf32>
    %eq3A_2032 = arith.constant 20 : i32
    %eq3A_2033 = vector.broadcast %eq3A_2032 : i32 to vector<192x128xi32>
    %eq3A_2034 = arith.cmpi eq, %select_n3A_1758, %eq3A_2033 : vector<192x128xi32>
    %broadcast_in_dim3A_2035 = vector.broadcast %get3A_1333 : i32 to vector<192x128xi32>
    %select_n3A_2036 = arith.select %eq3A_2034, %broadcast_in_dim3A_2035, %select_n3A_2023 : vector<192x128xi1>, vector<192x128xi32>
    %broadcast_in_dim3A_2037 = vector.broadcast %get3A_1317 : f32 to vector<192x128xf32>
    %select_n3A_2038 = arith.select %eq3A_2034, %broadcast_in_dim3A_2037, %select_n3A_2025 : vector<192x128xi1>, vector<192x128xf32>
    %broadcast_in_dim3A_2039 = vector.broadcast %get3A_1321 : f32 to vector<192x128xf32>
    %select_n3A_2040 = arith.select %eq3A_2034, %broadcast_in_dim3A_2039, %select_n3A_2027 : vector<192x128xi1>, vector<192x128xf32>
    %broadcast_in_dim3A_2041 = vector.broadcast %get3A_1325 : f32 to vector<192x128xf32>
    %select_n3A_2042 = arith.select %eq3A_2034, %broadcast_in_dim3A_2041, %select_n3A_2029 : vector<192x128xi1>, vector<192x128xf32>
    %broadcast_in_dim3A_2043 = vector.broadcast %get3A_1329 : f32 to vector<192x128xf32>
    %select_n3A_2044 = arith.select %eq3A_2034, %broadcast_in_dim3A_2043, %select_n3A_2031 : vector<192x128xi1>, vector<192x128xf32>
    %eq3A_2045 = arith.constant 21 : i32
    %eq3A_2046 = vector.broadcast %eq3A_2045 : i32 to vector<192x128xi32>
    %eq3A_2047 = arith.cmpi eq, %select_n3A_1758, %eq3A_2046 : vector<192x128xi32>
    %broadcast_in_dim3A_2048 = vector.broadcast %get3A_1397 : i32 to vector<192x128xi32>
    %select_n3A_2049 = arith.select %eq3A_2047, %broadcast_in_dim3A_2048, %select_n3A_2036 : vector<192x128xi1>, vector<192x128xi32>
    %broadcast_in_dim3A_2050 = vector.broadcast %get3A_1381 : f32 to vector<192x128xf32>
    %select_n3A_2051 = arith.select %eq3A_2047, %broadcast_in_dim3A_2050, %select_n3A_2038 : vector<192x128xi1>, vector<192x128xf32>
    %broadcast_in_dim3A_2052 = vector.broadcast %get3A_1385 : f32 to vector<192x128xf32>
    %select_n3A_2053 = arith.select %eq3A_2047, %broadcast_in_dim3A_2052, %select_n3A_2040 : vector<192x128xi1>, vector<192x128xf32>
    %broadcast_in_dim3A_2054 = vector.broadcast %get3A_1389 : f32 to vector<192x128xf32>
    %select_n3A_2055 = arith.select %eq3A_2047, %broadcast_in_dim3A_2054, %select_n3A_2042 : vector<192x128xi1>, vector<192x128xf32>
    %broadcast_in_dim3A_2056 = vector.broadcast %get3A_1393 : f32 to vector<192x128xf32>
    %select_n3A_2057 = arith.select %eq3A_2047, %broadcast_in_dim3A_2056, %select_n3A_2044 : vector<192x128xi1>, vector<192x128xf32>
    %eq3A_2058 = arith.constant 22 : i32
    %eq3A_2059 = vector.broadcast %eq3A_2058 : i32 to vector<192x128xi32>
    %eq3A_2060 = arith.cmpi eq, %select_n3A_1758, %eq3A_2059 : vector<192x128xi32>
    %broadcast_in_dim3A_2061 = vector.broadcast %get3A_1461 : i32 to vector<192x128xi32>
    %select_n3A_2062 = arith.select %eq3A_2060, %broadcast_in_dim3A_2061, %select_n3A_2049 : vector<192x128xi1>, vector<192x128xi32>
    %broadcast_in_dim3A_2063 = vector.broadcast %get3A_1445 : f32 to vector<192x128xf32>
    %select_n3A_2064 = arith.select %eq3A_2060, %broadcast_in_dim3A_2063, %select_n3A_2051 : vector<192x128xi1>, vector<192x128xf32>
    %broadcast_in_dim3A_2065 = vector.broadcast %get3A_1449 : f32 to vector<192x128xf32>
    %select_n3A_2066 = arith.select %eq3A_2060, %broadcast_in_dim3A_2065, %select_n3A_2053 : vector<192x128xi1>, vector<192x128xf32>
    %broadcast_in_dim3A_2067 = vector.broadcast %get3A_1453 : f32 to vector<192x128xf32>
    %select_n3A_2068 = arith.select %eq3A_2060, %broadcast_in_dim3A_2067, %select_n3A_2055 : vector<192x128xi1>, vector<192x128xf32>
    %broadcast_in_dim3A_2069 = vector.broadcast %get3A_1457 : f32 to vector<192x128xf32>
    %select_n3A_2070 = arith.select %eq3A_2060, %broadcast_in_dim3A_2069, %select_n3A_2057 : vector<192x128xi1>, vector<192x128xf32>
    %eq3A_2071 = arith.constant 23 : i32
    %eq3A_2072 = vector.broadcast %eq3A_2071 : i32 to vector<192x128xi32>
    %eq3A_2073 = arith.cmpi eq, %select_n3A_1758, %eq3A_2072 : vector<192x128xi32>
    %broadcast_in_dim3A_2074 = vector.broadcast %get3A_1525 : i32 to vector<192x128xi32>
    %select_n3A_2075 = arith.select %eq3A_2073, %broadcast_in_dim3A_2074, %select_n3A_2062 : vector<192x128xi1>, vector<192x128xi32>
    %broadcast_in_dim3A_2076 = vector.broadcast %get3A_1509 : f32 to vector<192x128xf32>
    %select_n3A_2077 = arith.select %eq3A_2073, %broadcast_in_dim3A_2076, %select_n3A_2064 : vector<192x128xi1>, vector<192x128xf32>
    %broadcast_in_dim3A_2078 = vector.broadcast %get3A_1513 : f32 to vector<192x128xf32>
    %select_n3A_2079 = arith.select %eq3A_2073, %broadcast_in_dim3A_2078, %select_n3A_2066 : vector<192x128xi1>, vector<192x128xf32>
    %broadcast_in_dim3A_2080 = vector.broadcast %get3A_1517 : f32 to vector<192x128xf32>
    %select_n3A_2081 = arith.select %eq3A_2073, %broadcast_in_dim3A_2080, %select_n3A_2068 : vector<192x128xi1>, vector<192x128xf32>
    %broadcast_in_dim3A_2082 = vector.broadcast %get3A_1521 : f32 to vector<192x128xf32>
    %select_n3A_2083 = arith.select %eq3A_2073, %broadcast_in_dim3A_2082, %select_n3A_2070 : vector<192x128xi1>, vector<192x128xf32>
    %lt3A = arith.constant 5.000000e-01 : f32
    %lt3A_2084 = vector.broadcast %lt3A : f32 to vector<192x128xf32>
    %lt3A_2085 = arith.cmpf olt, %select_n3A_1761, %lt3A_2084 : vector<192x128xf32>
    %jit3A_2086 = arith.constant 0 : i32
    %broadcast_in_dim3A_2087 = vector.broadcast %jit3A_2086 : i32 to vector<192x128xi32>
    %select_n3A_2088 = arith.select %lt3A_2085, %broadcast_in_dim3A_2087, %select_n3A_2075 : vector<192x128xi1>, vector<192x128xi32>
    %ne3A = arith.constant 0 : i32
    %ne3A_2089 = vector.broadcast %ne3A : i32 to vector<192x128xi32>
    %ne3A_2090 = arith.cmpi ne, %select_n3A_2088, %ne3A_2089 : vector<192x128xi32>
    %convert_element_type3A = arith.extui %ne3A_2090 : vector<192x128xi1> to vector<192x128xi32>
    %convert_element_type3A_2091 = arith.sitofp %convert_element_type3A : vector<192x128xi32> to vector<192x128xf32>
    %convert_element_type3A_2092 = arith.extui %ne3A_2090 : vector<192x128xi1> to vector<192x128xi32>
    %reduce_sum3A = vector.shape_cast %convert_element_type3A_2092 : vector<192x128xi32> to vector<1x192x128xi32>
    %reduce_sum3A_2093 = arith.constant dense<0> : vector<1xi32>
    %reduce_sum3A_2094 = vector.multi_reduction <add>, %reduce_sum3A, %reduce_sum3A_2093 [1, 2] : vector<1x192x128xi32> to vector<1xi32>
    %reduce_sum3A_2095 = vector.shape_cast %reduce_sum3A_2094 : vector<1xi32> to vector<1x1x1xi32>
    %reduce_sum3A_2096 = vector.extract %reduce_sum3A_2095[0, 0, 0] : i32 from vector<1x1x1xi32>
    %add3A_2097 = arith.addf %select_n3A_2077, %select_n3A_2081 : vector<192x128xf32>
    %mul3A_2098 = arith.constant 5.000000e-01 : f32
    %mul3A_2099 = vector.broadcast %mul3A_2098 : f32 to vector<192x128xf32>
    %mul3A_2100 = arith.mulf %add3A_2097, %mul3A_2099 : vector<192x128xf32>
    %add3A_2101 = arith.addf %select_n3A_2079, %select_n3A_2083 : vector<192x128xf32>
    %mul3A_2102 = arith.constant 5.000000e-01 : f32
    %mul3A_2103 = vector.broadcast %mul3A_2102 : f32 to vector<192x128xf32>
    %mul3A_2104 = arith.mulf %add3A_2101, %mul3A_2103 : vector<192x128xf32>
    %sub3A_2105 = arith.subf %select_n3A_2081, %select_n3A_2077 : vector<192x128xf32>
    %sub3A_2106 = arith.subf %select_n3A_2083, %select_n3A_2079 : vector<192x128xf32>
    %sub3A_2107 = arith.subf %mul3A_2100, %get3A_3 : vector<192x128xf32>
    %mul3A_2108 = arith.constant 1.000000e-01 : f32
    %mul3A_2109 = vector.broadcast %mul3A_2108 : f32 to vector<192x128xf32>
    %mul3A_2110 = arith.mulf %get3A_13, %mul3A_2109 : vector<192x128xf32>
    %div3A_2111 = arith.divf %sub3A_2107, %mul3A_2110 : vector<192x128xf32>
    %sub3A_2112 = arith.subf %mul3A_2104, %get3A_8 : vector<192x128xf32>
    %mul3A_2113 = arith.constant 1.000000e-01 : f32
    %mul3A_2114 = vector.broadcast %mul3A_2113 : f32 to vector<192x128xf32>
    %mul3A_2115 = arith.mulf %get3A_18, %mul3A_2114 : vector<192x128xf32>
    %div3A_2116 = arith.divf %sub3A_2112, %mul3A_2115 : vector<192x128xf32>
    %div3A_2117 = arith.divf %sub3A_2105, %get3A_13 : vector<192x128xf32>
    %log3A = math.log %div3A_2117 : vector<192x128xf32>
    %div3A_2118 = arith.constant 2.000000e-01 : f32
    %div3A_2119 = vector.broadcast %div3A_2118 : f32 to vector<192x128xf32>
    %div3A_2120 = arith.divf %log3A, %div3A_2119 : vector<192x128xf32>
    %div3A_2121 = arith.divf %sub3A_2106, %get3A_18 : vector<192x128xf32>
    %log3A_2122 = math.log %div3A_2121 : vector<192x128xf32>
    %div3A_2123 = arith.constant 2.000000e-01 : f32
    %div3A_2124 = vector.broadcast %div3A_2123 : f32 to vector<192x128xf32>
    %div3A_2125 = arith.divf %log3A_2122, %div3A_2124 : vector<192x128xf32>
    %get3A_2126 = arith.constant 0 : index
    %get3A_2127 = arith.constant 0 : index
    %get3A_2128 = arith.constant 0 : index
    %get3A_2129 = arith.constant 0 : index
    %get3A_2130 = vector.load %arg4[%get3A_2126, %get3A_2127, %get3A_2128, %get3A_2129] : memref<1x4x192x128xf32, #tpu.memory_space<vmem>>, vector<1x1x192x128xf32>
    %get3A_2131 = vector.shape_cast %get3A_2130 : vector<1x1x192x128xf32> to vector<192x128xf32>
    %sub3A_2132 = arith.subf %get3A_2131, %div3A_2111 : vector<192x128xf32>
    %abs3A = math.absf %sub3A_2132 : vector<192x128xf32>
    %mul3A_2133 = arith.mulf %abs3A, %convert_element_type3A_2091 : vector<192x128xf32>
    %reduce_sum3A_2134 = vector.shape_cast %mul3A_2133 : vector<192x128xf32> to vector<1x192x128xf32>
    %reduce_sum3A_2135 = arith.constant dense<0.000000e+00> : vector<1xf32>
    %reduce_sum3A_2136 = vector.multi_reduction <add>, %reduce_sum3A_2134, %reduce_sum3A_2135 [1, 2] : vector<1x192x128xf32> to vector<1xf32>
    %reduce_sum3A_2137 = vector.shape_cast %reduce_sum3A_2136 : vector<1xf32> to vector<1x1x1xf32>
    %reduce_sum3A_2138 = vector.extract %reduce_sum3A_2137[0, 0, 0] : f32 from vector<1x1x1xf32>
    %get3A_2139 = arith.constant 0 : index
    %get3A_2140 = arith.constant 1 : index
    %get3A_2141 = arith.constant 0 : index
    %get3A_2142 = arith.constant 0 : index
    %get3A_2143 = vector.load %arg4[%get3A_2139, %get3A_2140, %get3A_2141, %get3A_2142] : memref<1x4x192x128xf32, #tpu.memory_space<vmem>>, vector<1x1x192x128xf32>
    %get3A_2144 = vector.shape_cast %get3A_2143 : vector<1x1x192x128xf32> to vector<192x128xf32>
    %sub3A_2145 = arith.subf %get3A_2144, %div3A_2116 : vector<192x128xf32>
    %abs3A_2146 = math.absf %sub3A_2145 : vector<192x128xf32>
    %mul3A_2147 = arith.mulf %abs3A_2146, %convert_element_type3A_2091 : vector<192x128xf32>
    %reduce_sum3A_2148 = vector.shape_cast %mul3A_2147 : vector<192x128xf32> to vector<1x192x128xf32>
    %reduce_sum3A_2149 = arith.constant dense<0.000000e+00> : vector<1xf32>
    %reduce_sum3A_2150 = vector.multi_reduction <add>, %reduce_sum3A_2148, %reduce_sum3A_2149 [1, 2] : vector<1x192x128xf32> to vector<1xf32>
    %reduce_sum3A_2151 = vector.shape_cast %reduce_sum3A_2150 : vector<1xf32> to vector<1x1x1xf32>
    %reduce_sum3A_2152 = vector.extract %reduce_sum3A_2151[0, 0, 0] : f32 from vector<1x1x1xf32>
    %add3A_2153 = arith.addf %reduce_sum3A_2138, %reduce_sum3A_2152 : f32
    %get3A_2154 = arith.constant 0 : index
    %get3A_2155 = arith.constant 2 : index
    %get3A_2156 = arith.constant 0 : index
    %get3A_2157 = arith.constant 0 : index
    %get3A_2158 = vector.load %arg4[%get3A_2154, %get3A_2155, %get3A_2156, %get3A_2157] : memref<1x4x192x128xf32, #tpu.memory_space<vmem>>, vector<1x1x192x128xf32>
    %get3A_2159 = vector.shape_cast %get3A_2158 : vector<1x1x192x128xf32> to vector<192x128xf32>
    %sub3A_2160 = arith.subf %get3A_2159, %div3A_2120 : vector<192x128xf32>
    %abs3A_2161 = math.absf %sub3A_2160 : vector<192x128xf32>
    %mul3A_2162 = arith.mulf %abs3A_2161, %convert_element_type3A_2091 : vector<192x128xf32>
    %reduce_sum3A_2163 = vector.shape_cast %mul3A_2162 : vector<192x128xf32> to vector<1x192x128xf32>
    %reduce_sum3A_2164 = arith.constant dense<0.000000e+00> : vector<1xf32>
    %reduce_sum3A_2165 = vector.multi_reduction <add>, %reduce_sum3A_2163, %reduce_sum3A_2164 [1, 2] : vector<1x192x128xf32> to vector<1xf32>
    %reduce_sum3A_2166 = vector.shape_cast %reduce_sum3A_2165 : vector<1xf32> to vector<1x1x1xf32>
    %reduce_sum3A_2167 = vector.extract %reduce_sum3A_2166[0, 0, 0] : f32 from vector<1x1x1xf32>
    %add3A_2168 = arith.addf %add3A_2153, %reduce_sum3A_2167 : f32
    %get3A_2169 = arith.constant 0 : index
    %get3A_2170 = arith.constant 3 : index
    %get3A_2171 = arith.constant 0 : index
    %get3A_2172 = arith.constant 0 : index
    %get3A_2173 = vector.load %arg4[%get3A_2169, %get3A_2170, %get3A_2171, %get3A_2172] : memref<1x4x192x128xf32, #tpu.memory_space<vmem>>, vector<1x1x192x128xf32>
    %get3A_2174 = vector.shape_cast %get3A_2173 : vector<1x1x192x128xf32> to vector<192x128xf32>
    %sub3A_2175 = arith.subf %get3A_2174, %div3A_2125 : vector<192x128xf32>
    %abs3A_2176 = math.absf %sub3A_2175 : vector<192x128xf32>
    %mul3A_2177 = arith.mulf %abs3A_2176, %convert_element_type3A_2091 : vector<192x128xf32>
    %reduce_sum3A_2178 = vector.shape_cast %mul3A_2177 : vector<192x128xf32> to vector<1x192x128xf32>
    %reduce_sum3A_2179 = arith.constant dense<0.000000e+00> : vector<1xf32>
    %reduce_sum3A_2180 = vector.multi_reduction <add>, %reduce_sum3A_2178, %reduce_sum3A_2179 [1, 2] : vector<1x192x128xf32> to vector<1xf32>
    %reduce_sum3A_2181 = vector.shape_cast %reduce_sum3A_2180 : vector<1xf32> to vector<1x1x1xf32>
    %reduce_sum3A_2182 = vector.extract %reduce_sum3A_2181[0, 0, 0] : f32 from vector<1x1x1xf32>
    %add3A_2183 = arith.addf %add3A_2168, %reduce_sum3A_2182 : f32
    %get3A_2184 = arith.constant 0 : index
    %get3A_2185 = arith.constant 0 : index
    %get3A_2186 = arith.constant 0 : index
    %get3A_2187 = arith.constant 0 : index
    %get3A_2188 = vector.load %arg5[%get3A_2184, %get3A_2185, %get3A_2186, %get3A_2187] : memref<1x192x128x81xf32, #tpu.memory_space<vmem>>, vector<1x192x128x81xf32>
    %get3A_2189 = vector.shape_cast %get3A_2188 : vector<1x192x128x81xf32> to vector<192x128x81xf32>
    %reduce_max3A_2190 = arith.constant dense<0xFF800000> : vector<192x128xf32>
    %reduce_max3A_2191 = vector.multi_reduction <maximumf>, %get3A_2189, %reduce_max3A_2190 [2] : vector<192x128x81xf32> to vector<192x128xf32>
    %broadcast_in_dim3A_2192 = vector.shape_cast %reduce_max3A_2191 : vector<192x128xf32> to vector<192x128x1xf32>
    %sub3A_2193 = vector.broadcast %broadcast_in_dim3A_2192 : vector<192x128x1xf32> to vector<192x128x81xf32>
    %sub3A_2194 = arith.subf %get3A_2189, %sub3A_2193 : vector<192x128x81xf32>
    %exp3A = math.exp %sub3A_2194 : vector<192x128x81xf32>
    %reduce_sum3A_2195 = arith.constant dense<0.000000e+00> : vector<192x128xf32>
    %reduce_sum3A_2196 = vector.multi_reduction <add>, %exp3A, %reduce_sum3A_2195 [2] : vector<192x128x81xf32> to vector<192x128xf32>
    %log3A_2197 = math.log %reduce_sum3A_2196 : vector<192x128xf32>
    %add3A_2198 = arith.addf %reduce_max3A_2191, %log3A_2197 : vector<192x128xf32>
    %iota3A_2199 = tpu.iota {dimensions = array<i32: 2>} : vector<192x128x81xi32>
    %broadcast_in_dim3A_2200 = vector.shape_cast %select_n3A_2088 : vector<192x128xi32> to vector<192x128x1xi32>
    %eq3A_2201 = vector.broadcast %broadcast_in_dim3A_2200 : vector<192x128x1xi32> to vector<192x128x81xi32>
    %eq3A_2202 = arith.cmpi eq, %iota3A_2199, %eq3A_2201 : vector<192x128x81xi32>
    %jit3A_2203 = arith.constant 0.000000e+00 : f32
    %broadcast_in_dim3A_2204 = vector.broadcast %jit3A_2203 : f32 to vector<192x128x81xf32>
    %select_n3A_2205 = arith.select %eq3A_2202, %get3A_2189, %broadcast_in_dim3A_2204 : vector<192x128x81xi1>, vector<192x128x81xf32>
    %reduce_sum3A_2206 = arith.constant dense<0.000000e+00> : vector<192x128xf32>
    %reduce_sum3A_2207 = vector.multi_reduction <add>, %select_n3A_2205, %reduce_sum3A_2206 [2] : vector<192x128x81xf32> to vector<192x128xf32>
    %sub3A_2208 = arith.subf %add3A_2198, %reduce_sum3A_2207 : vector<192x128xf32>
    %mul3A_2209 = arith.mulf %sub3A_2208, %convert_element_type3A_2091 : vector<192x128xf32>
    %reduce_sum3A_2210 = vector.shape_cast %mul3A_2209 : vector<192x128xf32> to vector<1x192x128xf32>
    %reduce_sum3A_2211 = arith.constant dense<0.000000e+00> : vector<1xf32>
    %reduce_sum3A_2212 = vector.multi_reduction <add>, %reduce_sum3A_2210, %reduce_sum3A_2211 [1, 2] : vector<1x192x128xf32> to vector<1xf32>
    %reduce_sum3A_2213 = vector.shape_cast %reduce_sum3A_2212 : vector<1xf32> to vector<1x1x1xf32>
    %reduce_sum3A_2214 = vector.extract %reduce_sum3A_2213[0, 0, 0] : f32 from vector<1x1x1xf32>
    %lt3A_2215 = arith.constant 24564 : i32
    %lt3A_2216 = vector.broadcast %lt3A_2215 : i32 to vector<192x128xi32>
    %lt3A_2217 = arith.cmpi slt, %add3A_39, %lt3A_2216 : vector<192x128xi32>
    %not3A = arith.constant dense<true> : vector<192x128xi1>
    %not3A_2218 = arith.xori %lt3A_2217, %not3A : vector<192x128xi1>
    %or3A = arith.ori %ne3A_2090, %not3A_2218 : vector<192x128xi1>
    %jit3A_2219 = arith.constant 0.000000e+00 : f32
    %broadcast_in_dim3A_2220 = vector.broadcast %jit3A_2219 : f32 to vector<192x128xf32>
    %select_n3A_2221 = arith.select %or3A, %broadcast_in_dim3A_2220, %sub3A_2208 : vector<192x128xi1>, vector<192x128xf32>
    %max3A_2222 = arith.constant 0.000000e+00 : f32
    %max3A_2223 = vector.broadcast %max3A_2222 : f32 to vector<192x128xf32>
    %max3A_2224 = arith.maximumf %select_n3A_2221, %max3A_2223 : vector<192x128xf32>
    %mul3A_2225 = arith.constant 3 : i32
    %mul3A_2226 = arith.muli %mul3A_2225, %reduce_sum3A_2096 : i32
    %min3A_2227 = arith.constant 24564 : i32
    %min3A_2228 = arith.minsi %mul3A_2226, %min3A_2227 : i32
    %bitcast_convert_type3A = tpu.bitcast %max3A_2224 : vector<192x128xf32> -> vector<192x128xi32>
    %scan3A = arith.constant 0 : i32
    %scan3A_2229 = arith.constant 0 : i32
    %scan3A_2230 = arith.constant 31 : i32
    %scan3A_2231 = arith.addi %scan3A_2229, %scan3A_2230 : i32
    %scan3A_2232 = arith.constant 1 : i32
    %scan3A_2233 = scf.for %scan3A_2276 = %scan3A_2229 to %scan3A_2231 step %scan3A_2232 iter_args(%scan3A_2277 = %scan3A) -> (i32)  : i32 {
      %sub3A_2278 = arith.constant 30 : i32
      %sub3A_2279 = arith.subi %sub3A_2278, %scan3A_2276 : i32
      %shift_left3A = arith.constant 1 : i32
      %shift_left3A_2280 = arith.shli %shift_left3A, %sub3A_2279 : i32
      %or3A_2281 = arith.ori %scan3A_2277, %shift_left3A_2280 : i32
      %ge3A = vector.broadcast %or3A_2281 : i32 to vector<192x128xi32>
      %ge3A_2282 = arith.cmpi sge, %bitcast_convert_type3A, %ge3A : vector<192x128xi32>
      %convert_element_type3A_2283 = arith.extui %ge3A_2282 : vector<192x128xi1> to vector<192x128xi32>
      %reduce_sum3A_2284 = vector.shape_cast %convert_element_type3A_2283 : vector<192x128xi32> to vector<1x192x128xi32>
      %reduce_sum3A_2285 = arith.constant dense<0> : vector<1xi32>
      %reduce_sum3A_2286 = vector.multi_reduction <add>, %reduce_sum3A_2284, %reduce_sum3A_2285 [1, 2] : vector<1x192x128xi32> to vector<1xi32>
      %reduce_sum3A_2287 = vector.shape_cast %reduce_sum3A_2286 : vector<1xi32> to vector<1x1x1xi32>
      %reduce_sum3A_2288 = vector.extract %reduce_sum3A_2287[0, 0, 0] : i32 from vector<1x1x1xi32>
      %ge3A_2289 = arith.cmpi sge, %reduce_sum3A_2288, %min3A_2228 : i32
      %select_n3A_2290 = arith.select %ge3A_2289, %or3A_2281, %scan3A_2277 : i32
      scf.yield %select_n3A_2290 : i32
    }
    %scan3A_2234 = arith.constant 31 : i32
    %bitcast_convert_type3A_2235 = arith.bitcast %scan3A_2233 : i32 to f32
    %gt3A_2236 = vector.broadcast %scan3A_2233 : i32 to vector<192x128xi32>
    %gt3A_2237 = arith.cmpi sgt, %bitcast_convert_type3A, %gt3A_2236 : vector<192x128xi32>
    %convert_element_type3A_2238 = arith.extui %gt3A_2237 : vector<192x128xi1> to vector<192x128xi32>
    %reduce_sum3A_2239 = vector.shape_cast %convert_element_type3A_2238 : vector<192x128xi32> to vector<1x192x128xi32>
    %reduce_sum3A_2240 = arith.constant dense<0> : vector<1xi32>
    %reduce_sum3A_2241 = vector.multi_reduction <add>, %reduce_sum3A_2239, %reduce_sum3A_2240 [1, 2] : vector<1x192x128xi32> to vector<1xi32>
    %reduce_sum3A_2242 = vector.shape_cast %reduce_sum3A_2241 : vector<1xi32> to vector<1x1x1xi32>
    %reduce_sum3A_2243 = vector.extract %reduce_sum3A_2242[0, 0, 0] : i32 from vector<1x1x1xi32>
    %jit3A_2244 = arith.constant 0.000000e+00 : f32
    %broadcast_in_dim3A_2245 = vector.broadcast %jit3A_2244 : f32 to vector<192x128xf32>
    %select_n3A_2246 = arith.select %gt3A_2237, %max3A_2224, %broadcast_in_dim3A_2245 : vector<192x128xi1>, vector<192x128xf32>
    %reduce_sum3A_2247 = vector.shape_cast %select_n3A_2246 : vector<192x128xf32> to vector<1x192x128xf32>
    %reduce_sum3A_2248 = arith.constant dense<0.000000e+00> : vector<1xf32>
    %reduce_sum3A_2249 = vector.multi_reduction <add>, %reduce_sum3A_2247, %reduce_sum3A_2248 [1, 2] : vector<1x192x128xf32> to vector<1xf32>
    %reduce_sum3A_2250 = vector.shape_cast %reduce_sum3A_2249 : vector<1xf32> to vector<1x1x1xf32>
    %reduce_sum3A_2251 = vector.extract %reduce_sum3A_2250[0, 0, 0] : f32 from vector<1x1x1xf32>
    %gt3A_2252 = arith.constant 0 : i32
    %gt3A_2253 = arith.cmpi sgt, %min3A_2228, %gt3A_2252 : i32
    %sub3A_2254 = arith.subi %min3A_2228, %reduce_sum3A_2243 : i32
    %convert_element_type3A_2255 = arith.sitofp %sub3A_2254 : i32 to f32
    %mul3A_2256 = arith.mulf %convert_element_type3A_2255, %bitcast_convert_type3A_2235 : f32
    %add3A_2257 = arith.addf %reduce_sum3A_2251, %mul3A_2256 : f32
    %jit3A_2258 = arith.constant 0.000000e+00 : f32
    %select_n3A_2259 = arith.select %gt3A_2253, %add3A_2257, %jit3A_2258 : f32
    %swap3A = arith.constant 0 : index
    %swap3A_2260 = arith.constant 0 : index
    %swap3A_2261 = arith.constant 0 : index
    %swap3A_2262 = memref.load %arg6[%swap3A, %swap3A_2260, %swap3A_2261] : memref<1x1x4xf32, #tpu.memory_space<smem>>
    memref.store %add3A_2183, %arg6[%swap3A, %swap3A_2260, %swap3A_2261] : memref<1x1x4xf32, #tpu.memory_space<smem>>
    %swap3A_2263 = arith.constant 0 : index
    %swap3A_2264 = arith.constant 0 : index
    %swap3A_2265 = arith.constant 1 : index
    %swap3A_2266 = memref.load %arg6[%swap3A_2263, %swap3A_2264, %swap3A_2265] : memref<1x1x4xf32, #tpu.memory_space<smem>>
    memref.store %reduce_sum3A_2214, %arg6[%swap3A_2263, %swap3A_2264, %swap3A_2265] : memref<1x1x4xf32, #tpu.memory_space<smem>>
    %swap3A_2267 = arith.constant 0 : index
    %swap3A_2268 = arith.constant 0 : index
    %swap3A_2269 = arith.constant 2 : index
    %swap3A_2270 = memref.load %arg6[%swap3A_2267, %swap3A_2268, %swap3A_2269] : memref<1x1x4xf32, #tpu.memory_space<smem>>
    memref.store %select_n3A_2259, %arg6[%swap3A_2267, %swap3A_2268, %swap3A_2269] : memref<1x1x4xf32, #tpu.memory_space<smem>>
    %convert_element_type3A_2271 = arith.sitofp %reduce_sum3A_2096 : i32 to f32
    %swap3A_2272 = arith.constant 0 : index
    %swap3A_2273 = arith.constant 0 : index
    %swap3A_2274 = arith.constant 3 : index
    %swap3A_2275 = memref.load %arg6[%swap3A_2272, %swap3A_2273, %swap3A_2274] : memref<1x1x4xf32, #tpu.memory_space<smem>>
    memref.store %convert_element_type3A_2271, %arg6[%swap3A_2272, %swap3A_2273, %swap3A_2274] : memref<1x1x4xf32, #tpu.memory_space<smem>>
    return
  }
  func.func @transform_0(%arg0: i32) -> (i32, i32, i32) {
    %c0_i32 = arith.constant 0 : i32
    %c0_i32_0 = arith.constant 0 : i32
    %c0_i32_1 = arith.constant 0 : i32
    return %arg0, %c0_i32, %c0_i32_0 : i32, i32, i32
  }
  func.func @transform_1(%arg0: i32) -> (i32, i32, i32) {
    %c0_i32 = arith.constant 0 : i32
    %c0_i32_0 = arith.constant 0 : i32
    %c0_i32_1 = arith.constant 0 : i32
    return %arg0, %c0_i32, %c0_i32_0 : i32, i32, i32
  }
  func.func @transform_2(%arg0: i32) -> (i32, i32, i32) {
    %c0_i32 = arith.constant 0 : i32
    %c0_i32_0 = arith.constant 0 : i32
    %c0_i32_1 = arith.constant 0 : i32
    %c0_i32_2 = arith.constant 0 : i32
    return %c0_i32, %c0_i32_0, %c0_i32_1 : i32, i32, i32
  }
  func.func @transform_3(%arg0: i32) -> (i32, i32, i32, i32) {
    %c0_i32 = arith.constant 0 : i32
    %c0_i32_0 = arith.constant 0 : i32
    %c0_i32_1 = arith.constant 0 : i32
    %c0_i32_2 = arith.constant 0 : i32
    return %arg0, %c0_i32, %c0_i32_0, %c0_i32_1 : i32, i32, i32, i32
  }
  func.func @transform_4(%arg0: i32) -> (i32, i32, i32, i32) {
    %c0_i32 = arith.constant 0 : i32
    %c0_i32_0 = arith.constant 0 : i32
    %c0_i32_1 = arith.constant 0 : i32
    %c0_i32_2 = arith.constant 0 : i32
    return %arg0, %c0_i32, %c0_i32_0, %c0_i32_1 : i32, i32, i32, i32
  }
  func.func @transform_5(%arg0: i32) -> (i32, i32, i32) {
    %c0_i32 = arith.constant 0 : i32
    %c0_i32_0 = arith.constant 0 : i32
    %c0_i32_1 = arith.constant 0 : i32
    return %arg0, %c0_i32, %c0_i32_0 : i32, i32, i32
  }
}

</mosaic_0001>

<sc_bundles>
// kernel: sparse-core-data-format-call.cloned.1.call-start
scs
called_computation_lowered:
.L_overlay_start_0:
0x0: {  	s2 =	sld [smem:$0x3FD9]  }
0x1: {  	s3 =	sld [smem:$0x3FFE];
	_ =	sdelay $0x1  }
0x2: {  	s1 =	srdreg.scid  }
0x3: {  	s0 =	sand.u32 $0x1, s1  }
0x4: {  	s18 =	sshll.u32 s0, $0xA;
	s2 =	sadd.s32 s3, s2  }
0x5: {  	s2 =	sadd.s32 s2, s18  }
0x6: {  	[smem:$0x3FC3] =	sst s2  }
0x7: {  	_ = 	snop  }
0x8: {  	s2 =	sld [smem:$0x3FC8];
	(tm) =	ssettm $0x1  }
0x9: {  	s19 =	sld [smem:$0x3FFB];
	_ =	sdelay $0x3  }
0xa: {  	_ =	strace s19  }
0xb: {  	s3 =	sld [smem:$0x3FFC];
	_ =	sdelay $0x3  }
0xc: {  	_ =	strace s3  }
0xd: {  	s3 =	sld [smem:$0x3FFD];
	_ =	sdelay $0x3  }
0xe: {  	_ =	strace s3  }
0xf: {  	_ =	strace $0x8FFFFFFF  }
0x10: {  	s20 =	sld [smem:$0x3FDB];
	_ =	sdelay $0x1  }
0x11: {  	s4 =	simm.s32 $_scs_section_size  }
0x12: {  	s5 =	simm.s32 $_size__tile_overlayer_lowered;
	s6 =	simm.s32 $_tile_overlayer_lowered  }
0x13: {  	s23 =	simm.s32 $0x1BFF;
	s22 =	sshll.u32 s6, $0x1;
	s3 =	sadd.s32 s4, s20  }
0x14: {  	s7 =	simm.s32 $0x0;
	s21 =	sshll.u32 s5, $0x1;
	s5 =	sadd.s32 s22, s3  }
0x15: {  	[timem:s7], [sflag:s23] =	dma.local [hbm:s5], s21  }
0x16: {  	_ =	swait.ge [sflag:s23], s21  }
0x17: {  	s4 =	ssub.s32 $0x0, s21;
	[sflag:s23] =	ssyncset.done $0x0  }
0x18: {  	[sflag:s23] =	ssyncadd.s32 s4;
	_ =	sdelay $0x1  }
0x19: {  	s24 =	simm.s32 $0x1B8B  }
0x1a: {  	_ =	swait.ge [sflag:s24], $0x1  }
0x1b: {  	[sflag:s24] =	ssyncset.done $0x0  }
0x1c: {  	s26 =	simm.s32 $0x1B8E;
	s25 =	sld [smem:$0x3FFE];
	[sflag:s24] =	ssyncadd.s32 $0xFFFFFFFF  }
0x1d: {  	s27 =	simm.s32 $execute0_lowered;
	[smem:$0x3FD2] =	sst s26  }
0x1e: {  	s5 =	sshll.u32 s27, $0x1;
	_ =	strace $0x80000046;
	[dreg:$0x1] =	wrdreg $0xFFFFFFFF  }
0x1f: {  	s28 =	simm.s32 $_size_execute0_lowered;
	s3 =	sadd.s32 s3, s5;
	[dreg:$0x0] =	wrdreg $0x0  }
0x20: {  	s5 =	sshll.u32 s28, $0x1;
	[dreg:$0x2] =	wrdreg s3  }
0x21: {  	[dreg:$0x3] =	wrdreg s5  }
0x22: {  	[dreg:$0x4] =	wrdreg $0xC0  }
0x23: {  	_ =	task [dreg:s7], $0x5FFFF  }
0x24: {  	[dreg:$0x1] =	wrdreg $0xFFFFFFFF  }
0x25: {  	[dreg:$0x0] =	wrdreg $0x60  }
0x26: {  	[dreg:$0x2] =	wrdreg s2  }
0x27: {  	[dreg:$0x3] =	wrdreg s25  }
0x28: {  	[dreg:$0x4] =	wrdreg $0x9  }
0x29: {  	_ =	task.clear_ibuf [dreg:s7], $0x5FFFF;
	_ =	strace $0x90000046  }
0x2a: {  	s29 =	simm.s32 $0x9;
	_ =	strace $0x80000048  }
0x2b: {  	_ =	swait.ge [sflag:s29], $0x1  }
0x2c: {  	[sflag:s29] =	ssyncadd.s32 $0xFFFFFFFF  }
0x2d: {  	_ =	strace $0x90000048  }
0x2e: {  	_ =	sfence  }
0x2f: {  	s30 =	sld [smem:$0x0];
	_ =	sdelay $0x2  }
0x30: {  	s31 =	sshll.u32 s1, $0xD;
	s1 =	sshrl.u32 s1, $0x2  }
0x31: {  	s3 =	sand.u32 $0x4000, s31;
	s1 =	sadd.s32 s1, s30  }
0x32: {  	s0 =	sor.u32 s3, s0;
	s1 =	sshll.u32 s1, $0x11  }
0x33: {  	s0 =	sor.u32 s1, s0  }
0x34: {  	s0 =	sadd.s32 $0x8F2B, s0  }
0x35: {  	[sflag:s0] =	ssyncadd.remote.s32 $0x1  }
0x36: {  	_ =	sfence.sel $0xFFFF  }
0x37: {  	[dreg:$0x0] =	wrdreg $0xFFFFFFFF;
	(pc) =	sbr.abs _section_cstart, $3  }
0x38: {  	[dreg:$0x1] =	wrdreg $0xFFFFFFFF  }
0x39: {  	_ =	task.clear_ibuf [dreg:s7], $0x2FFFF;
	_ =	strace $0x9FFFFFFF  }
0x3a: {  	(tm) =	ssettm $0x7FFFFFFF  }
0x3b: {  	_ =	shalt  }
tec
execute0_lowered:
.L_overlay_start_1:
0x0: {  	(tag) =	ssettag $0x1  }
0x1: {  	s8 =	rddreg [dreg:$0x0];
	_ =	strace $0x80000047  }
0x2: {  	s0 =	srdreg.scid;
	s2 =	stileid.u32;
	s1 =	simm.s32 $0x1  }
0x3: {  	s31 =	simm.s32 $0x2;
	s16 =	simm.s32 $0x0;
	s18 =	simm.s32 $0x0  }
.Ltmp0:
0x4: {  	s17 =	simm.s32 $0x0;
	s10 =	simm.s32 $0x0;
	(pc) =	sbr.rel .LBB1_1-.Ltmp0, $4  }
0x5: {  	s11 =	simm.s32 $0x0;
	s13 =	simm.s32 $0x0;
	s0 =	sshll.u32 s0, $0x4  }
0x6: {  	s12 =	simm.s32 $0x0;
	s15 =	simm.s32 $0x0;
	s0 =	sand.u32 $0x10, s0  }
0x7: {  	s7 =	simm.s32 $0x0;
	[sflag:s1] =	ssyncpa.u1 $0x0;
	s9 =	sor.u32 s2, s0  }
0x8: {  	[sflag:s31] =	ssyncpa.u1 $0x0;
	s14 =	smov.u32 s9;
	[dreg:$0x3] =	wrdreg s9  }
.LBB1_14:
0x9: {  	s10 =	rddreg [dreg:$0x4]  }
0xa: {  	s13 =	rddreg [dreg:$0x7]  }
0xb: {  	s4 =	rddreg [dreg:$0xd]  }
0xc: {  	s24 =	rddreg [dreg:$0xf]  }
0xd: {  	s25 =	rddreg [dreg:$0xe]  }
0xe: {  	s11 =	rddreg [dreg:$0x5]  }
0xf: {  	s29 =	rddreg [dreg:$0x1]  }
0x10: {  	s30 =	rddreg [dreg:$0x10]  }
0x11: {  	s8 =	rddreg [dreg:$0x0]  }
0x12: {  	s9 =	rddreg [dreg:$0x3]  }
0x13: {  	s12 =	rddreg [dreg:$0x6]  }
0x14: {  	s14 =	rddreg [dreg:$0x8]  }
0x15: {  	s15 =	rddreg [dreg:$0x9]  }
0x16: {  	s16 =	rddreg [dreg:$0xa]  }
0x17: {  	s17 =	rddreg [dreg:$0xb];
	s0 =	sshll.u32 s10, $0x7  }
0x18: {  	s1 =	sshll.u32 s13, $0x3;
	p0 =	sgt.s32 s13, $0x0;
	s3 =	smov.u32 s10  }
0x19: {  	s26 =	smul.u32 $0x5FF80, s11;
	s2 =	sand.u32 $0xFFFFFC00, s0;
	s1 =	sand.u32 $0xFFFFFC00, s1  }
0x1a: {  	s0 =	sand.u32 $0x380, s0;
	s1 =	sadd.s32 s1, s2;
	s2 =	smov.u32 s13  }
0x1b: {  	s0 =	sor.u32 s0, s1;
	s2 =	simm.s32 @!p0 $0x0;
	p0 =	sgt.s32 s10, $0x5F78  }
0x1c: {  	s0 =	sshrl.u32 s0, $0x7;
	s2 =	sadd.s32 s2, s4;
	s3 =	simm.s32 @!p0 $0x5F78  }
0x1d: {  	s23 =	smulhi.u32 $0xAAB8E5, s0;
	p0 =	sgt.s32 s2, $0x7F;
	s2 =	ssub.s32 $0x80, s2  }
0x1e: {  	s27 =	sshrl.u32 s13, $0x3;
	s3 =	sadd.s32 s24, s3;
	s2 =	simm.s32 @p0 $0x0  }
0x1f: {  	s4 =	sadd.s32 $0xFFFFA088, s3;
	s1 =	sshrl.u32 s23, $0x6;
	s2 =	smul.u32 s2, s25  }
0x20: {  	s3 =	ssub.s32 $0x5FF8, s3;
	p0 =	sgt.s32 s4, $0x7F;
	s1 =	smul.u32 $0x5FF8, s1  }
0x21: {  	s18 =	rddreg [dreg:$0xc];
	s28 =	sand.u32 $0xF, s27;
	s3 =	simm.s32 @p0 $0x0  }
0x22: {  	s2 =	smul.u32 s3, s2;
	s3 =	sadd.s32 s29, s26;
	s0 =	ssub.s32 s0, s1  }
0x23: {  	s31 =	sand.u32 $0x7, s13;
	s1 =	sadd.s32 s28, s3;
	s0 =	sshll.u32 s0, $0x4  }
0x24: {  	s3 =	sor.u32 $0x8000, s30;
	s2 =	sand.u32 $0x3FFFFFFF, s2;
	s0 =	sadd.s32 s0, s1  }
0x25: {  	[hbm4b:s0+s31] =	stream.linear.scatter [tilespmem:s3], [sflag:$0x2], s2, $0x20;
	[tilespmem:$0x10100] =	vst v63  }
.LBB1_15:
0x26: {  	p0 =	slt.u32 s7, $0x2  }
0x27: {  	s0 =	smov.u32 s18;
	p1 =	sgt.s32 @!p0 s18, $0x1F  }
0x28: {  	s2 =	smov.u32 s16;
	s1 =	sshra.s32 @!p0 s18, $0x1F;
	p1 =	por !p1, p0  }
0x29: {  	s4 =	smov.u32 s14;
	s1 =	sand.u32 @!p0 s1, s18;
	s0 =	simm.s32 @p1 $0x1F  }
0x2a: {  	p2 =	sgt.s32 @!p0 s16, $0x5F78;
	s3 =	ssub.s32 @!p0 $0x0, s17;
	s0 =	ssub.s32 @!p0 s0, s1  }
0x2b: {  	p2 =	por !p2, p0;
	s3 =	smin.u32 @!p0 s17, s3;
	s1 =	sadd.s32 @!p0 $0xFFFFFFE1, s0  }
0x2c: {  	s2 =	simm.s32 @p2 $0x5F78;
	p1 =	sgt.s32 @!p0 s1, $0x0;
	s1 =	sshra.s32 @!p0 s16, $0x1F  }
0x2d: {  	s0 =	ssub.s32 @!p0 $0x20, s0;
	s1 =	sand.u32 @!p0 s1, s16;
	p1 =	por !p1, p0  }
0x2e: {  	s0 =	simm.s32 @!p1 $0x0;
	s1 =	ssub.s32 @!p0 s2, s1;
	p1 =	sgt.s32 @!p0 s3, $0x7F  }
0x2f: {  	s3 =	ssub.s32 @!p0 $0x80, s3;
	s2 =	sadd.s32 @!p0 $0xFFFFA088, s1;
	p1 =	por !p1, p0  }
0x30: {  	s1 =	ssub.s32 @!p0 $0x5FF8, s1;
	p2 =	sgt.s32 @!p0 s2, $0x7F;
	s3 =	simm.s32 @!p1 $0x0  }
0x31: {  	s2 =	sadd.s32 $0x80, s12;
	p1 =	por !p2, p0;
	s0 =	smul.u32 @!p0 s3, s0  }
0x32: {  	s3 =	sadd.s32 $0x20, s14;
	s1 =	simm.s32 @!p1 $0x0;
	p1 =	sgt.s32 s2, $0x5FF3  }
0x33: {  	s0 =	smul.u32 @!p0 s1, s0;
	s4 =	smov.u32 @p1 s3  }
0x34: {  	s1 =	sadd.s32 $0x80, s15;
	s3 =	smov.u32 s15;
	p2 =	sgt.s32 s4, $0x1F  }
0x35: {  	s7 =	sadd.s32 $0x1, s7;
	s3 =	smov.u32 @p2 s1  }
0x36: {  	s18 =	smov.u32 s11;
	s2 =	simm.s32 @p1 $0x0;
	p1 =	sgt.s32 s3, $0x50  }
0x37: {  	s17 =	smov.u32 s13;
	s3 =	simm.s32 @p1 $0x0;
	p1 =	sne.s32 s7, $0xC2  }
.Ltmp1:
0x38: {  	s11 =	smov.u32 s14;
	s13 =	smov.u32 s15;
	(pc) =	sbr.rel @!p1 .LBB1_16-.Ltmp1, $4  }
0x39: {  	s16 =	smov.u32 s10;
	s0 =	sand.u32 @!p0 $0x3FFFFFFF, s0;
	s1 =	simm.s32 @!p0 $0x2  }
0x3a: {  	s10 =	smov.u32 s12;
	s12 =	smov.u32 s2;
	_ =	swait.ge @!p0 [sflag:s1], s0  }
0x3b: {  	s4 =	smov.u32 @p2 s9;
	s0 =	ssub.s32 @!p0 $0x0, s0;
	[sflag:s1] =	ssyncset.done @!p0 $0x0  }
0x3c: {  	s14 =	smov.u32 s4;
	[sflag:s1] =	ssyncadd.s32 @!p0 s0;
	s15 =	smov.u32 s3  }
.LBB1_1:
0x3d: {  	p0 =	sgt.u32 s7, $0xBF;
	s4 =	smov.u32 s14  }
0x3e: {  	s5 =	smov.u32 s12;
	s0 =	sshrl.u32 @!p0 s14, $0x3;
	s1 =	sshll.u32 @!p0 s12, $0x3  }
0x3f: {  	s2 =	sshll.u32 @!p0 s14, $0x7;
	s3 =	sand.u32 @!p0 $0x7F, s12;
	s0 =	smul.u32 @!p0 $0x30000, s0  }
0x40: {  	p1 =	sgt.s32 @!p0 s15, $0xFFFFFFD1;
	p2 =	sgt.s32 @!p0 s14, $0x1F;
	s1 =	sand.u32 @!p0 $0xFFFFFC00, s1  }
0x41: {  	s2 =	sand.u32 @!p0 $0x380, s2;
	p1 =	por !p1, p0;
	s0 =	sadd.s32 @!p0 s0, s1  }
0x42: {  	s1 =	sor.u32 @!p0 s3, s2;
	s2 =	smov.u32 s15;
	s3 =	sshra.s32 @!p0 s15, $0x1F  }
0x43: {  	s6 =	sshra.s32 @!p0 s12, $0x1F;
	s2 =	simm.s32 @p1 $0xFFFFFFD1;
	s3 =	sand.u32 @!p0 s3, s15  }
0x44: {  	s6 =	sand.u32 @!p0 s6, s12;
	p1 =	por !p2, p0;
	s2 =	ssub.s32 @!p0 s2, s3  }
0x45: {  	s4 =	simm.s32 @p1 $0x1F;
	p1 =	sgt.s32 @!p0 s12, $0x5F80;
	s3 =	sshra.s32 @!p0 s14, $0x1F  }
0x46: {  	s1 =	sor.u32 @!p0 s0, s1;
	p1 =	por !p1, p0;
	s3 =	sand.u32 @!p0 s3, s14  }
0x47: {  	s0 =	smulhi.u32 @!p0 $0xAAAAAAAB, s0;
	s5 =	simm.s32 @p1 $0x5F80;
	s3 =	ssub.s32 @!p0 s4, s3  }
0x48: {  	s4 =	sadd.s32 @!p0 $0x2F, s2;
	s2 =	ssub.s32 @!p0 $0x51, s2;
	s5 =	ssub.s32 @!p0 s5, s6  }
0x49: {  	p1 =	sgt.s32 @!p0 s4, $0x7F;
	s4 =	sadd.s32 @!p0 $0xFFFFFFE1, s3;
	s3 =	ssub.s32 @!p0 $0x20, s3  }
0x4a: {  	p2 =	sgt.s32 @!p0 s4, $0x0;
	s4 =	smulhi.u32 @!p0 $0xAAAAAAAB, s1;
	p1 =	por !p1, p0  }
0x4b: {  	s6 =	sadd.s32 @!p0 $0xFFFFA080, s5;
	s2 =	simm.s32 @!p1 $0x0;
	p1 =	por !p2, p0  }
0x4c: {  	p3 =	sgt.s32 @!p0 s6, $0x7F;
	s3 =	simm.s32 @!p1 $0x0;
	s4 =	sshrl.u32 @!p0 s4, $0xE  }
0x4d: {  	p1 =	por !p3, p0;
	s2 =	smul.u32 @!p0 s2, s3;
	s3 =	ssub.s32 @!p0 $0x6000, s5  }
0x4e: {  	s4 =	smul.u32 @!p0 $0x6000, s4;
	s3 =	simm.s32 @!p1 $0x0  }
0x4f: {  	s0 =	sshrl.u32 @!p0 s0, $0xE;
	s5 =	sxor.u32 @!p0 $0xFFFFFFFF, s7;
	s2 =	smul.u32 @!p0 s3, s2  }
0x50: {  	s0 =	sand.u32 @!p0 $0x1F, s0;
	s3 =	sshll.u32 @!p0 s5, $0xE;
	s5 =	smul.u32 @!p0 $0x18000, s15  }
0x51: {  	s0 =	smul.u32 @!p0 $0xC00, s0;
	s1 =	ssub.s32 @!p0 s1, s4;
	s3 =	sand.u32 @!p0 $0x4000, s3  }
0x52: {  	s2 =	sand.u32 @!p0 $0x3FFFFFFF, s2;
	s4 =	sadd.s32 @!p0 s8, s5;
	s5 =	sand.u32 @!p0 $0x7, s1  }
0x53: {  	s1 =	sshrl.u32 @!p0 s1, $0x3;
	s0 =	sadd.s32 @!p0 s0, s4;
	s4 =	sshll.u32 @!p0 s5, $0x12  }
0x54: {  	s0 =	sadd.s32 @!p0 s1, s0;
	s1 =	sor.u32 @!p0 $0x80, s4;
	s4 =	simm.s32 @!p0 $0xC0000  }
0x55: {  	[tilespmem:s3], [sflag:$0x1] =	stream.strided.gather @!p0 [hbm4b:s0+s1], s2, s4, s1, $0x38;
	[tilespmem:$0x10100] =	vst v63  }
0x56: {  	p0 =	seq.s32 s7, $0x0  }
0x57: {  	p1 =	seq.s32 @!p0 s7, $0xC1  }
0x58: {  	p0 =	por p0, p1  }
.Ltmp2:
0x59: {  	_ = 	snop;
	(pc) =	sbr.rel @p0 .LBB1_15-.Ltmp2, $1  }
0x5a: {  	_ =	sdelay $0x3  }
0x5b: {  	[dreg:$0xc] =	wrdreg s18  }
0x5c: {  	[dreg:$0xb] =	wrdreg s17  }
0x5d: {  	[dreg:$0xa] =	wrdreg s16;
	s0 =	ssub.s32 $0x0, s13;
	s1 =	sshra.s32 s13, $0x1F  }
0x5e: {  	p0 =	sgt.s32 s13, $0xFFFFFFD1;
	s2 =	smov.u32 s13;
	s27 =	sshra.s32 s11, $0x1F  }
0x5f: {  	p1 =	sgt.s32 s10, $0x5F80;
	s4 =	ssub.s32 $0x0, s10;
	s5 =	sshra.s32 s10, $0x1F  }
0x60: {  	s0 =	sand.u32 s0, s1;
	s2 =	simm.s32 @!p0 $0xFFFFFFD1;
	p0 =	sgt.s32 s11, $0x1F  }
0x61: {  	s1 =	smov.u32 s11;
	s28 =	sand.u32 s4, s5;
	[dreg:$0xd] =	wrdreg s0  }
0x62: {  	s0 =	sadd.s32 s0, s2;
	s1 =	simm.s32 @!p0 $0x1F;
	s2 =	sand.u32 s27, s11  }
0x63: {  	s3 =	sadd.s32 $0x2F, s0;
	s1 =	ssub.s32 s1, s2;
	s0 =	ssub.s32 $0x51, s0  }
0x64: {  	p0 =	sgt.s32 s3, $0x7F;
	s2 =	sadd.s32 $0xFFFFFFE1, s1;
	s3 =	smov.u32 s10  }
0x65: {  	s3 =	simm.s32 @!p1 $0x5F80;
	p1 =	sgt.s32 s2, $0x0;
	s2 =	ssub.s32 $0x20, s1  }
0x66: {  	s0 =	simm.s32 @p0 $0x0;
	s2 =	simm.s32 @p1 $0x0;
	s1 =	sadd.s32 s28, s3  }
0x67: {  	[dreg:$0xe] =	wrdreg s2;
	s0 =	smul.u32 s0, s2;
	s29 =	sadd.s32 $0xFFFFA080, s1  }
0x68: {  	s1 =	ssub.s32 $0x6000, s1;
	s2 =	sadd.s32 $0x80, s13;
	p0 =	sgt.s32 s29, $0x7F  }
0x69: {  	s3 =	sadd.s32 $0x1, s11;
	s1 =	simm.s32 @p0 $0x0;
	p0 =	slt.s32 s2, $0x51  }
0x6a: {  	[dreg:$0x9] =	wrdreg s15;
	s2 =	simm.s32 @!p0 $0x51;
	p0 =	slt.s32 s3, $0x20  }
0x6b: {  	[dreg:$0x8] =	wrdreg s14;
	s20 =	ssub.s32 s2, s13;
	s3 =	simm.s32 @!p0 $0x20  }
0x6c: {  	[dreg:$0x6] =	wrdreg s12;
	s21 =	ssub.s32 s3, s11;
	p0 =	slt.s32 s20, $0x1  }
0x6d: {  	[dreg:$0x4] =	wrdreg s10;
	p1 =	slt.s32 @!p0 s21, $0x1  }
0x6e: {  	[dreg:$0x7] =	wrdreg s13;
	s0 =	smul.u32 s1, s0;
	p1 =	por p0, p1  }
.Ltmp3:
0x6f: {  	[dreg:$0x5] =	wrdreg s11;
	s30 =	simm.s32 $0x1;
	(pc) =	sbr.rel @p1 .LBB1_14-.Ltmp3, $4  }
0x70: {  	[dreg:$0xf] =	wrdreg s28;
	s1 =	sand.u32 $0x3FFFFFFF, s0;
	s0 =	sand.u32 $0x1, s7  }
0x71: {  	_ =	swait.ge [sflag:s30], s1;
	s31 =	smul.u32 $0x4080, s0  }
0x72: {  	s1 =	ssub.s32 $0x0, s1;
	[sflag:s30] =	ssyncset.done $0x0  }
0x73: {  	[sflag:s30] =	ssyncadd.s32 s1;
	[dreg:$0x10] =	wrdreg s31  }
0x74: {  	s2 =	rddreg [dreg:$0x4]  }
0x75: {  	s1 =	sadd.s32 $0x80, s2  }
0x76: {  	p1 =	slt.s32 s1, $0x5FF4  }
.Ltmp4:
0x77: {  	s1 =	simm.s32 @!p1 $0x5FF4;
	(pc) =	sbr.rel .LBB1_4-.Ltmp4, $4  }
0x78: {  	s1 =	ssub.s32 s1, s2  }
0x79: {  	s24 =	sshll.u32 @!p0 s0, $0xE;
	s0 =	rddreg [dreg:$0x10];
	s1 =	sadd.s32 $0xF, s1  }
0x7a: {  	s26 =	simm.s32 $0x0;
	s22 =	sand.u32 $0xFFFFFFF0, s1;
	s23 =	sand.u32 @!p0 $0xFFFFFF00, s1  }
0x7b: {  	s25 =	sor.u32 @!p0 $0x8000, s0;
	p0 =	slt.s32 s1, $0x100;
	p1 =	sge.s32 s23, s22  }
.LBB1_13:
0x7c: {  	s26 =	sadd.s32 $0x1, s26  }
0x7d: {  	p2 =	sne.s32 s26, s20  }
.Ltmp5:
0x7e: {  	_ = 	snop;
	(pc) =	sbr.rel @!p2 .LBB1_14-.Ltmp5, $1  }
0x7f: {  	_ =	sdelay $0x3  }
.LBB1_4:
0x80: {  	s27 =	sshrl.u32 s26, $0x4;
	s0 =	sshll.u32 s26, $0x3;
	s1 =	sshll.u32 s26, $0x9  }
0x81: {  	s28 =	sand.u32 $0x7F, s26;
	s16 =	simm.s32 $0x0;
	s2 =	sand.u32 $0x78, s27  }
0x82: {  	s3 =	sadd.s32 $0x800, s0;
	s5 =	sadd.s32 $0x1000, s0;
	s6 =	sadd.s32 $0x1800, s0  }
0x83: {  	s1 =	sshra.s32 s1, $0x2;
	s8 =	sadd.s32 $0x2800, s0;
	s9 =	sadd.s32 $0x3000, s0  }
0x84: {  	s4 =	smul.u32 $0x204, s2;
	s3 =	sshrl.u32 s3, $0x7;
	s2 =	sxor.u32 $0x40, s2  }
0x85: {  	s5 =	sshrl.u32 s5, $0x7;
	s3 =	sand.u32 $0x78, s3;
	s2 =	smul.u32 $0x204, s2  }
0x86: {  	s6 =	sshrl.u32 s6, $0x7;
	s5 =	sand.u32 $0x78, s5;
	s3 =	smul.u32 $0x204, s3  }
0x87: {  	s8 =	sshrl.u32 s8, $0x7;
	s6 =	sand.u32 $0x78, s6;
	s5 =	smul.u32 $0x204, s5  }
0x88: {  	s0 =	sadd.s32 $0x3800, s0;
	s8 =	sand.u32 $0x78, s8;
	s6 =	smul.u32 $0x204, s6  }
0x89: {  	s30 =	sadd.s32 s28, s25;
	s9 =	sshrl.u32 s9, $0x7;
	s8 =	smul.u32 $0x204, s8  }
.Ltmp6:
0x8a: {  	s0 =	sshrl.u32 s0, $0x7;
	s9 =	sand.u32 $0x78, s9;
	(pc) =	sbr.rel .LBB1_5-.Ltmp6, $4  }
0x8b: {  	s29 =	sadd.s32 s1, s24;
	s0 =	sand.u32 $0x78, s0;
	s9 =	smul.u32 $0x204, s9  }
0x8c: {  	s10 =	smul.u32 $0x204, s0;
	s31 =	sshrl.u32 s4, $0x2;
	s2 =	sshrl.u32 s2, $0x2  }
0x8d: {  	s0 =	sshrl.u32 s3, $0x2;
	s1 =	sshrl.u32 s5, $0x2;
	s3 =	sshrl.u32 s6, $0x2  }
0x8e: {  	s4 =	sshrl.u32 s8, $0x2;
	s5 =	sshrl.u32 s9, $0x2;
	s19 =	sshrl.u32 s10, $0x2  }
.LBB1_12:
0x8f: {  	s16 =	sadd.s32 $0x1, s16  }
0x90: {  	p2 =	sne.s32 s16, s21  }
.Ltmp7:
0x91: {  	_ = 	snop;
	(pc) =	sbr.rel @!p2 .LBB1_13-.Ltmp7, $1  }
0x92: {  	_ =	sdelay $0x3  }
.LBB1_5:
.Ltmp8:
0x93: {  	(pc) =	sbr.rel @p0 .LBB1_9-.Ltmp8, $2  }
0x94: {  	_ =	sdelay $0x2  }
0x95: {  	s18 =	smul.u32 $0x10200, s16  }
0x96: {  	s8 =	sshll.u32 s16, $0x7  }
0x97: {  	s14 =	sand.u32 $0x380, s8  }
0x98: {  	s6 =	sshra.s32 s18, $0x2;
	s17 =	sadd.s32 s14, s29  }
0x99: {  	s9 =	sadd.s32 s6, s25;
	v0 =	vld [tilespmem:s17+$0x70]  }
0x9a: {  	s15 =	sadd.s32 s31, s9;
	s10 =	sadd.s32 s0, s9;
	v3 =	vld [tilespmem:s17+$0x60]  }
0x9b: {  	s11 =	sadd.s32 s1, s9;
	s12 =	sadd.s32 s3, s9;
	v1 =	vld [tilespmem:s17+$0x50];
	s14 =	sadd.s32 s28, s15  }
0x9c: {  	v2 =	vld [tilespmem:s17+$0x40];
	s13 =	sadd.s32 s28, s10;
	s8 =	sadd.s32 s28, s12;
	s12 =	sadd.s32 s19, s9  }
0x9d: {  	v4 =	vld [tilespmem:s17+$0x30];
	s6 =	sadd.s32 s28, s11;
	s11 =	sadd.s32 s5, s9;
	s12 =	sadd.s32 s28, s12  }
0x9e: {  	v5 =	vld [tilespmem:s17+$0x20];
	s15 =	sadd.s32 s2, s9;
	s10 =	sadd.s32 s4, s9;
	s9 =	sadd.s32 s28, s11;
	[tilespmem:s12+$0x0 ss:$0x81] =	vst.msk $0xffff, v0  }
0x9f: {  	v6 =	vld [tilespmem:s17+$0x10];
	s10 =	sadd.s32 s28, s10;
	[tilespmem:s9+$0x0 ss:$0x81] =	vst.msk $0xffff, v3  }
0xa0: {  	v7 =	vld [tilespmem:s17+$0x0];
	s15 =	sadd.s32 s28, s15;
	[tilespmem:s10+$0x0 ss:$0x81] =	vst.msk $0xffff, v1  }
0xa1: {  	[tilespmem:s15+$0x0 ss:$0x81] =	vst.msk $0xffff, v2  }
0xa2: {  	[tilespmem:s8+$0x0 ss:$0x81] =	vst.msk $0xffff, v4  }
0xa3: {  	p2 =	sgt.s32 s23, $0x100;
	[tilespmem:s6+$0x0 ss:$0x81] =	vst.msk $0xffff, v5  }
.Ltmp9:
0xa4: {  	[tilespmem:s13+$0x0 ss:$0x81] =	vst.msk $0xffff, v6;
	(pc) =	sbr.rel @!p2 .LBB1_8-.Ltmp9, $4  }
0xa5: {  	[tilespmem:s14+$0x0 ss:$0x81] =	vst.msk $0xffff, v7  }
0xa6: {  	[tilespmem:s14+$0x0 ss:$0x81] =	vst.msk $0xffff, v7  }
0xa7: {  	[tilespmem:s13+$0x0 ss:$0x81] =	vst.msk $0xffff, v6  }
0xa8: {  	s11 =	simm.s32 $0x100;
	[tilespmem:s6+$0x0 ss:$0x81] =	vst.msk $0xffff, v5  }
.LBB1_7:
0xa9: {  	v5 =	vld [tilespmem:s17+$0x70];
	[tilespmem:s8+$0x0 ss:$0x81] =	vst.msk $0xffff, v4  }
0xaa: {  	v6 =	vld [tilespmem:s17+$0x60];
	[tilespmem:s15+$0x0 ss:$0x81] =	vst.msk $0xffff, v2  }
0xab: {  	[tilespmem:s10+$0x0 ss:$0x81] =	vst.msk $0xffff, v1;
	v1 =	vld [tilespmem:s17+$0x50]  }
0xac: {  	v2 =	vld [tilespmem:s17+$0x40];
	[tilespmem:s9+$0x0 ss:$0x81] =	vst.msk $0xffff, v3  }
0xad: {  	v4 =	vld [tilespmem:s17+$0x30];
	[tilespmem:s12+$0x0 ss:$0x81] =	vst.msk $0xffff, v0  }
0xae: {  	v7 =	vld [tilespmem:s17+$0x20];
	[tilespmem:s12+$0x0 ss:$0x81] =	vst.msk $0xffff, v5;
	v0 =	vmov v5  }
0xaf: {  	v5 =	vld [tilespmem:s17+$0x10];
	[tilespmem:s9+$0x0 ss:$0x81] =	vst.msk $0xffff, v6;
	v3 =	vmov v6  }
0xb0: {  	s11 =	sadd.s32 $0x100, s11;
	v6 =	vld [tilespmem:s17+$0x0];
	[tilespmem:s10+$0x0 ss:$0x81] =	vst.msk $0xffff, v1  }
0xb1: {  	p2 =	slt.s32 s11, s23;
	[tilespmem:s15+$0x0 ss:$0x81] =	vst.msk $0xffff, v2  }
0xb2: {  	[tilespmem:s8+$0x0 ss:$0x81] =	vst.msk $0xffff, v4  }
0xb3: {  	[tilespmem:s6+$0x0 ss:$0x81] =	vst.msk $0xffff, v7  }
.Ltmp10:
0xb4: {  	[tilespmem:s13+$0x0 ss:$0x81] =	vst.msk $0xffff, v5;
	(pc) =	sbr.rel @p2 .LBB1_7-.Ltmp10, $4  }
0xb5: {  	[tilespmem:s14+$0x0 ss:$0x81] =	vst.msk $0xffff, v6  }
0xb6: {  	[tilespmem:s14+$0x0 ss:$0x81] =	vst.msk $0xffff, v6  }
0xb7: {  	[tilespmem:s13+$0x0 ss:$0x81] =	vst.msk $0xffff, v5  }
0xb8: {  	[tilespmem:s6+$0x0 ss:$0x81] =	vst.msk $0xffff, v7  }
.LBB1_8:
0xb9: {  	[tilespmem:s8+$0x0 ss:$0x81] =	vst.msk $0xffff, v4  }
0xba: {  	[tilespmem:s15+$0x0 ss:$0x81] =	vst.msk $0xffff, v2  }
0xbb: {  	[tilespmem:s10+$0x0 ss:$0x81] =	vst.msk $0xffff, v1  }
0xbc: {  	[tilespmem:s9+$0x0 ss:$0x81] =	vst.msk $0xffff, v3  }
0xbd: {  	[tilespmem:s12+$0x0 ss:$0x81] =	vst.msk $0xffff, v0  }
.LBB1_9:
.Ltmp11:
0xbe: {  	(pc) =	sbr.rel @p1 .LBB1_12-.Ltmp11, $1  }
0xbf: {  	_ =	sdelay $0x3  }
0xc0: {  	s6 =	sand.u32 $0x7, s16  }
0xc1: {  	s6 =	sadd.s32 s26, s6  }
0xc2: {  	s6 =	sshll.u32 s6, $0x9  }
0xc3: {  	s6 =	sshra.s32 s6, $0x2  }
0xc4: {  	s8 =	sadd.s32 s6, s24  }
0xc5: {  	v0 =	vmov s8  }
0xc6: {  	s18 =	sshra.s32 s18, $0x2  }
0xc7: {  	s6 =	sadd.s32 s18, s30;
	s8 =	smov.u32 s23  }
.LBB1_11:
0xc8: {  	s10 =	sadd.s32 s8, s27  }
0xc9: {  	s9 =	sand.u32 $0x70, s8;
	s8 =	sadd.s32 $0x10, s8;
	s18 =	sand.u32 $0x78, s10  }
0xca: {  	v1 =	vld.idx.msk [tilespmem:v0+s9+$0x0 ss:$0x1], $0xffff;
	p2 =	slt.s32 s8, s22;
	s9 =	smul.u32 $0x204, s18  }
.Ltmp12:
0xcb: {  	_ = 	snop;
	(pc) =	sbr.rel @p2 .LBB1_11-.Ltmp12, $4  }
0xcc: {  	_ = 	snop  }
0xcd: {  	s9 =	sshrl.u32 s9, $0x2  }
0xce: {  	s9 =	sadd.s32 s9, s6  }
0xcf: {  	[tilespmem:s9+$0x0 ss:$0x81] =	vst.msk $0xffff, v1  }
.Ltmp13:
0xd0: {  	_ = 	snop;
	(pc) =	sbr.rel .LBB1_12-.Ltmp13, $1  }
0xd1: {  	_ =	sdelay $0x3  }
.LBB1_16:
0xd2: {  	_ =	sfence.sel $0x180000  }
0xd3: {  	s0 =	simm.s32 $0x1;
	[bflag:$0x0] =	sbarrier.arrive $0xFFFF  }
0xd4: {  	s30 =	simm.s32 $0x2;
	[sflag:s0] =	ssyncpa.u1 $0x1  }
0xd5: {  	[sflag:s30] =	ssyncpa.u1 $0x1  }
0xd6: {  	_ =	strace $0x90000047  }
0xd7: {  	s31 =	stileid.u32;
	[bflag:$0x2] =	sbarrier.arrive $0xFFFF  }
0xd8: {  	p0 =	sne.s32 s31, $0x0;
	s0 =	rddreg [dreg:$0x2]  }
0xd9: {  	s0 =	sadd.s32 @!p0 $0x100000, s0  }
0xda: {  	[sflag:s0] =	ssyncadd.tile.s32 @!p0 $0x1;
	_ =	shalt  }
.Lfunc_end1:
_tile_overlayer_lowered:
.L_overlay_start_2:
0xdb: {  	(tag) =	ssettag $0x2  }
0xdc: {  	s0 =	rddreg [dreg:$0x0];
	s2 =	stileid.u32  }
0xdd: {  	s1 =	rddreg [dreg:$0x1];
	p0 =	sne.s32 s2, $0x0  }
0xde: {  	s3 =	rddreg [dreg:$0x2];
	[bflag:$0x3] =	sbarrier.arrive $0xFFFF;
	s2 =	simm.s32 @!p0 $0x1C01  }
0xdf: {  	[timem:s3], [sflag:s2] =	dma.local @!p0 [hbm:s0], s1  }
0xe0: {  	s0 =	simm.s32 @!p0 $0x1  }
0xe1: {  	_ =	swait.ge @!p0 [sflag:s0], s1  }
0xe2: {  	s1 =	ssub.s32 @!p0 $0x0, s1;
	[sflag:s0] =	ssyncset.done @!p0 $0x0  }
0xe3: {  	[sflag:s0] =	ssyncadd.s32 @!p0 s1  }
0xe4: {  	[bflag:$0x3] =	sbarrier.arrive $0xFFFF  }
0xe5: {  	_ =	shalt  }

</sc_bundles>
